<compile_context>
chip_gen: v7x
topology: tpu7x:2x2x1
jax: 0.10.2.dev20260603
libtpu: 0.0.44.dev20260713+nightly
codegen_flags: <defaults>
</compile_context>

<pallas_src>
import dataclasses
import functools

import jax
import jax.numpy as jnp
from jax import lax
from jax.experimental import pallas as pl
from jax.experimental.pallas import tpu as pltpu
from jax.experimental.pallas import tpu_sc as plsc

N_NODES = 10000
N_EDGES = 320000
D = 128

NP = 10112
EPW = N_EDGES // 32
NW = 32
CH = 128
G = 4
NGRP = 20
NCHUNK = G * NGRP
PADW = NCHUNK * CH - EPW
E_PAD = NW * NCHUNK * CH
RPT = NP // 16
NBLK = NP // 128
HBLK = 40
HROWS = HBLK * 16

_SC_CP = pltpu.CompilerParams()
if "needs_layout_passes" in pltpu.CompilerParams.__dataclass_fields__:
    _SC_CP = dataclasses.replace(_SC_CP, needs_layout_passes=False)

_MESH = plsc.VectorSubcoreMesh(core_axis_name="c", subcore_axis_name="s")


def _sc_degree(didx, zhist):

    @functools.partial(
        pl.kernel,
        out_type=jax.ShapeDtypeStruct((NW, 2, HROWS, 128), jnp.float32),
        mesh=_MESH,
        compiler_params=_SC_CP,
        scratch_types=[
            pltpu.VMEM((NCHUNK, CH), jnp.int32),
            pltpu.VMEM((HROWS, 128), jnp.float32),
            pltpu.SemaphoreType.DMA,
        ],
    )
    def k(didx_hbm, zhist_hbm, out_hbm, didx_v, hist_v, sem):
        c = lax.axis_index("c")
        s = lax.axis_index("s")
        wid = s * jnp.int32(2) + c
        pltpu.sync_copy(didx_hbm.at[wid], didx_v)
        lanes = lax.iota(jnp.int32, 16)
        ones16 = jnp.ones((16,), jnp.float32)
        for p in range(2):
            blo = jnp.int32(p * HBLK)
            bhi = jnp.int32(HBLK if p == 0 else NBLK)
            pltpu.sync_copy(zhist_hbm, hist_v)

            def body(j, carry):
                for kk in range(CH // 16):
                    idx16 = didx_v[j, pl.ds(kk * 16, 16)]
                    blk = lax.shift_right_logical(idx16, jnp.int32(7))
                    m = (blk >= blo) & (blk < bhi)
                    row = (blk - blo) * jnp.int32(16) + lanes
                    col = lax.bitwise_and(idx16, jnp.int32(127))
                    plsc.addupdate_scatter(hist_v, [row, col], ones16, mask=m)
                return carry

            lax.fori_loop(jnp.int32(0), jnp.int32(NCHUNK), body, 0)
            pltpu.sync_copy(hist_v, out_hbm.at[wid, jnp.int32(p)])

    return k(didx, zhist)


def _sc_propagate(sidx, didx, yn, zrows):

    @functools.partial(
        pl.kernel,
        out_type=jax.ShapeDtypeStruct((2, NP, D), jnp.float32),
        mesh=_MESH,
        scratch_types=[
            pltpu.VMEM((NCHUNK, CH), jnp.int32),
            pltpu.VMEM((G, CH), jnp.int32),
            pltpu.VMEM((G, CH), jnp.int32),
            pltpu.VMEM((CH, D), jnp.float32),
            pltpu.VMEM((CH, D), jnp.float32),
            pltpu.VMEM_SHARED((NP, D), jnp.float32),
            pltpu.SemaphoreType.DMA,
            pltpu.SemaphoreType.DMA,
            pltpu.SemaphoreType.DMA,
            pltpu.SemaphoreType.DMA,
            pltpu.SemaphoreType.DMA,
        ],
    )
    def k(sidx_hbm, didx_hbm, yn_hbm, zrows_hbm, out_hbm,
          sidx_v, dg0_v, dg1_v, rows_a, rows_b, acc_sh,
          semi, semd0, semd1, semg0, semg1):
        c = lax.axis_index("c")
        s = lax.axis_index("s")
        wid = s * jnp.int32(2) + c
        cps = pltpu.async_copy(sidx_hbm.at[wid], sidx_v, semi)
        pltpu.async_copy(didx_hbm.at[wid, pl.ds(jnp.int32(0), G)], dg0_v, semd0)
        pltpu.async_copy(didx_hbm.at[wid, pl.ds(jnp.int32(G), G)], dg1_v, semd1)

        pltpu.sync_copy(zrows_hbm, acc_sh.at[pl.ds(s * jnp.int32(RPT), RPT)])
        cps.wait()
        plsc.subcore_barrier()
        pltpu.async_copy(yn_hbm.at[sidx_v.at[jnp.int32(0)]], rows_a, semg0)

        def body(u, carry):
            for gg in range(2):
                g = u * jnp.int32(2) + jnp.int32(gg)
                base = g * jnp.int32(G)
                dg_v, semd = (dg0_v, semd0) if gg == 0 else (dg1_v, semd1)
                pltpu.make_async_copy(
                    didx_hbm.at[wid, pl.ds(jnp.int32(0), G)], dg_v,
                    semd).wait()
                for k_ in range(G):
                    j = base + jnp.int32(k_)
                    jn = j + jnp.int32(1)
                    cur, semc = ((rows_a, semg0) if k_ % 2 == 0
                                 else (rows_b, semg1))
                    nxt, semn = ((rows_b, semg1) if k_ % 2 == 0
                                 else (rows_a, semg0))

                    @pl.when(jn < jnp.int32(NCHUNK))
                    def _():
                        pltpu.async_copy(yn_hbm.at[sidx_v.at[jn]], nxt, semn)

                    pltpu.make_async_copy(yn_hbm.at[sidx_v.at[j]], cur,
                                          semc).wait()
                    pltpu.sync_copy(cur, acc_sh.at[dg_v.at[jnp.int32(k_)]],
                                    add=True)

                @pl.when(g + jnp.int32(2) < jnp.int32(NGRP))
                def _():
                    pltpu.async_copy(
                        didx_hbm.at[wid,
                                    pl.ds((g + jnp.int32(2)) * jnp.int32(G),
                                          G)],
                        dg_v, semd)

            return carry

        lax.fori_loop(jnp.int32(0), jnp.int32(NGRP // 2), body, 0)

        plsc.subcore_barrier()
        pltpu.sync_copy(acc_sh.at[pl.ds(s * jnp.int32(RPT), RPT)],
                        out_hbm.at[c, pl.ds(s * jnp.int32(RPT), RPT)])

    return k(sidx, didx, yn, zrows)


def _tc_prep(degh, yp, xp, alp, lam):

    def body(alp_ref, lam_ref, degh_ref, y_ref, x_ref, yn_ref, base_ref,
             snorm_ref):
        a = alp_ref[0, 0]
        l = lam_ref[0, 0]
        dh2 = degh_ref[...]
        d0 = jnp.sum(dh2[:, 0].reshape(NW, HBLK, 16, 128), axis=(0, 2))
        d1 = jnp.sum(dh2[:, 1].reshape(NW, HBLK, 16, 128), axis=(0, 2))
        deg = jnp.concatenate([d0, d1], axis=0)[:NBLK]
        dn = l * deg + (1.0 - l)
        norm = lax.rsqrt(dn)
        y3 = y_ref[...].reshape(NBLK, 128, D)
        yn_ref[...] = (y3 * norm[:, :, None]).reshape(NP, D)
        x3 = x_ref[...].reshape(NBLK, 128, D)
        base3 = (1.0 - a) * y3 + (a / dn)[:, :, None] * x3
        base_ref[...] = base3.reshape(NP, D)
        snorm_ref[...] = (a * l) * norm

    return pl.pallas_call(
        body,
        out_shape=[
            jax.ShapeDtypeStruct((NP, D), jnp.float32),
            jax.ShapeDtypeStruct((NP, D), jnp.float32),
            jax.ShapeDtypeStruct((NBLK, 128), jnp.float32),
        ],
    )(alp, lam, degh, yp, xp)


def _tc_final(zp, base, snorm):
    def body(zp_ref, base_ref, snorm_ref, out_ref):
        z3 = (zp_ref[0] + zp_ref[1]).reshape(NBLK, 128, D)
        out3 = z3 * snorm_ref[...][:, :, None]
        out_ref[...] = base_ref[...] + out3.reshape(NP, D)

    return pl.pallas_call(
        body,
        out_shape=jax.ShapeDtypeStruct((NP, D), jnp.float32),
    )(zp, base, snorm)


@jax.jit
def kernel(edge_index, Y, X, alp, lam):
    src = edge_index[0].astype(jnp.int32)
    dst = edge_index[1].astype(jnp.int32)
    fill = jnp.broadcast_to(
        N_NODES + jnp.arange(PADW, dtype=jnp.int32) % (NP - N_NODES),
        (NW, PADW))
    sidx = jnp.concatenate([src.reshape(NW, EPW), fill], axis=1)
    sidx = sidx.reshape(NW, NCHUNK, CH)
    didx = jnp.concatenate([dst.reshape(NW, EPW), fill], axis=1)
    didx = didx.reshape(NW, NCHUNK, CH)
    yp = jnp.pad(Y.astype(jnp.float32), ((0, NP - N_NODES), (0, 0)))
    xp = jnp.pad(X.astype(jnp.float32), ((0, NP - N_NODES), (0, 0)))
    alp2 = jnp.reshape(alp.astype(jnp.float32), (1, 1))
    lam2 = jnp.reshape(lam.astype(jnp.float32), (1, 1))

    zhist = jnp.zeros((HROWS, 128), jnp.float32)
    zrows = jnp.zeros((RPT, D), jnp.float32)

    degh = _sc_degree(didx, zhist)
    yn, base, snorm = _tc_prep(degh, yp, xp, alp2, lam2)
    zp = _sc_propagate(sidx, didx, yn, zrows)
    out = _tc_final(zp, base, snorm)
    return out[:N_NODES]

# --- scband reference (transcript-rebuilt; emitter-appended) ---
"""Pipeline reference for scband-propagate-40381282517566 (READ-ONLY COPY).

The authoritative reference and input builder live on the scoring server;
editing this copy changes nothing except your own understanding.
"""

import jax, jax.numpy as jnp
import numpy as np
jax.config.update("jax_enable_x64", True)

N_NODES = 10000
N_EDGES = 320000
D_FEAT = 128


def setup_inputs(seed: int = 0) -> dict:
    key = jax.random.key(seed)
    k1, k2, k3, k4, k5 = jax.random.split(key, 5)
    edge_index = jax.random.randint(k1, (2, N_EDGES), 0, N_NODES, dtype=jnp.int64)
    Y = jax.random.normal(k2, (N_NODES, D_FEAT), dtype=jnp.float32)
    X = jax.random.normal(k3, (N_NODES, D_FEAT), dtype=jnp.float32)
    alp = jax.random.uniform(k4, (), dtype=jnp.float32)
    lam = jax.random.uniform(k5, (), dtype=jnp.float32)
    return {"edge_index": edge_index, "Y": Y, "X": X, "alp": alp, "lam": lam}


def reference(edge_index, Y, X, alp, lam):
    src = edge_index[0]
    dst = edge_index[1]
    # in-degrees of the graph (constant w.r.t. features)
    deg = jnp.zeros((N_NODES,), dtype=jnp.float32).at[dst].add(1.0)

    def d_power_bias_x(graph_deg, x, power, coeff, bias):
        # diag((coeff * D + bias * I)^power) @ x
        norm = jnp.power(coeff * graph_deg + bias, power)
        return x * norm[:, None]

    def ax(x):
        # A @ x : sum neighbor (src) features into dst, via scatter-add
        return jnp.zeros_like(x).at[dst].add(x[src])

    def prop(y, lam_):
        y = d_power_bias_x(deg, y, -0.5, lam_, 1.0 - lam_)
        y = ax(y)
        y = d_power_bias_x(deg, y, -0.5, lam_, 1.0 - lam_)
        return y

    out = (1.0 - alp) * Y \
        + alp * lam * prop(Y, lam) \
        + alp * d_power_bias_x(deg, X, -1.0, lam, 1.0 - lam)
    return out

if __name__ == "__main__":
    import jax
    _d = setup_inputs()
    print(jax.jit(kernel)(*tuple(_d.values())))

</pallas_src>

<mosaic_0001>
#map = affine_map<(d0, d1) -> (0, 0, 0)>
#map1 = affine_map<(d0, d1) -> (0, 0)>
#map2 = affine_map<(d0, d1) -> (0, 0, 0, 0)>
module attributes {stable_mosaic.version = 14 : i64} {
  func.func @k(%arg0: i32, %arg1: i32, %arg2: memref<32x80x128xi32, #tpu.memory_space<hbm>>, %arg3: memref<640x128xf32, #tpu.memory_space<hbm>>, %arg4: memref<32x2x640x128xf32, #tpu.memory_space<hbm>>, %arg5: memref<80x128xi32, #tpu.memory_space<vmem>>, %arg6: memref<640x128xf32, #tpu.memory_space<vmem>>, %arg7: memref<!tpu.dma_semaphore, #tpu.memory_space<semaphore_mem>>) attributes {dimension_semantics = [#tpu.dimension_semantics<core_parallel>, #tpu.dimension_semantics<subcore_parallel>], iteration_bounds = array<i64: 2, 16>, scalar_prefetch = 0 : i64, scratch_operands = 3 : i64, tpu.core_type = #tpu.core_type<sc_vector_subcore>, window_params = [{transform_indices = #map}, {transform_indices = #map1}, {transform_indices = #map2}]} {
    %mul3A = arith.constant 2 : i32
    %mul3A_0 = arith.muli %arg1, %mul3A : i32
    %add3A = arith.addi %mul3A_0, %arg0 : i32
    "tpu.region"() ({
      %run_scoped3A_28 = tpu.sem_alloc : memref<!tpu.dma_semaphore, #tpu.memory_space<semaphore_mem>>
      %dma_start3A = arith.constant 0 : i32
      %dma_start3A_29 = arith.constant 0 : i32
      %dma_start3A_30 = tpu.memref_slice %arg2[%add3A, %dma_start3A, %dma_start3A_29] : memref<32x80x128xi32, #tpu.memory_space<hbm>> -> memref<1x80x128xi32, #tpu.memory_space<hbm>>
      %dma_start3A_31 = tpu.memref_squeeze %dma_start3A_30 : memref<1x80x128xi32, #tpu.memory_space<hbm>> -> memref<80x128xi32, #tpu.memory_space<hbm>>
      %dma_start3A_32 = arith.constant 0 : i32
      %dma_start3A_33 = arith.constant 0 : i32
      %dma_start3A_34 = tpu.memref_slice %arg2[%add3A, %dma_start3A_32, %dma_start3A_33] : memref<32x80x128xi32, #tpu.memory_space<hbm>> -> memref<1x80x128xi32, #tpu.memory_space<hbm>>
      %dma_start3A_35 = tpu.memref_squeeze %dma_start3A_34 : memref<1x80x128xi32, #tpu.memory_space<hbm>> -> memref<80x128xi32, #tpu.memory_space<hbm>>
      tpu.enqueue_dma source(%dma_start3A_35 : memref<80x128xi32, #tpu.memory_space<hbm>>) target(%arg5 : memref<80x128xi32, #tpu.memory_space<vmem>>) target_semaphore(%run_scoped3A_28 : memref<!tpu.dma_semaphore, #tpu.memory_space<semaphore_mem>>)
      %dma_wait3A = arith.constant 0 : i32
      %dma_wait3A_36 = arith.constant 0 : i32
      %dma_wait3A_37 = tpu.memref_slice %arg2[%add3A, %dma_wait3A, %dma_wait3A_36] : memref<32x80x128xi32, #tpu.memory_space<hbm>> -> memref<1x80x128xi32, #tpu.memory_space<hbm>>
      %dma_wait3A_38 = tpu.memref_squeeze %dma_wait3A_37 : memref<1x80x128xi32, #tpu.memory_space<hbm>> -> memref<80x128xi32, #tpu.memory_space<hbm>>
      %dma_wait3A_39 = arith.constant 0 : i32
      %dma_wait3A_40 = arith.constant 0 : i32
      %dma_wait3A_41 = tpu.memref_slice %arg2[%add3A, %dma_wait3A_39, %dma_wait3A_40] : memref<32x80x128xi32, #tpu.memory_space<hbm>> -> memref<1x80x128xi32, #tpu.memory_space<hbm>>
      %dma_wait3A_42 = tpu.memref_squeeze %dma_wait3A_41 : memref<1x80x128xi32, #tpu.memory_space<hbm>> -> memref<80x128xi32, #tpu.memory_space<hbm>>
      tpu.wait_dma2 semaphore(%run_scoped3A_28 : memref<!tpu.dma_semaphore, #tpu.memory_space<semaphore_mem>>) src(%dma_wait3A_42 : memref<80x128xi32, #tpu.memory_space<hbm>>) dst(%arg5 : memref<80x128xi32, #tpu.memory_space<vmem>>)
      tpu.yield
    }) : () -> ()
    %iota3A = tpu.iota {dimensions = array<i32: 0>} : vector<16xi32>
    %broadcast_in_dim3A = arith.constant 1.000000e+00 : f32
    %broadcast_in_dim3A_1 = vector.broadcast %broadcast_in_dim3A : f32 to vector<16xf32>
    "tpu.region"() ({
      %run_scoped3A_28 = tpu.sem_alloc : memref<!tpu.dma_semaphore, #tpu.memory_space<semaphore_mem>>
      tpu.enqueue_dma source(%arg3 : memref<640x128xf32, #tpu.memory_space<hbm>>) target(%arg6 : memref<640x128xf32, #tpu.memory_space<vmem>>) target_semaphore(%run_scoped3A_28 : memref<!tpu.dma_semaphore, #tpu.memory_space<semaphore_mem>>)
      tpu.wait_dma2 semaphore(%run_scoped3A_28 : memref<!tpu.dma_semaphore, #tpu.memory_space<semaphore_mem>>) src(%arg3 : memref<640x128xf32, #tpu.memory_space<hbm>>) dst(%arg6 : memref<640x128xf32, #tpu.memory_space<vmem>>)
      tpu.yield
    }) : () -> ()
    %while3A = arith.constant 0 : i64
    %while3A_2 = arith.constant 0 : i32
    %while3A_3 = arith.constant 40 : i32
    %while3A_4 = arith.constant 0 : i32
    %while3A_5 = arith.constant 80 : i32
    %while3A_6 = arith.subi %while3A_5, %while3A_4 : i32
    %while3A_7 = arith.addi %while3A_4, %while3A_6 : i32
    %while3A_8 = arith.constant 1 : i32
    %while3A_9 = arith.divsi %while3A_6, %while3A_8 : i32
    %while3A_10 = arith.muli %while3A_9, %while3A_8 : i32
    %while3A_11 = arith.addi %while3A_4, %while3A_10 : i32
    %while3A_12 = arith.constant 1 : i32
    scf.for %while3A_28 = %while3A_4 to %while3A_11 step %while3A_12  : i32 {
      %get3A = arith.index_cast %while3A_28 : i32 to index
      %get3A_29 = arith.constant 0 : index
      %get3A_30 = tpu.vector_load %arg5[%get3A, %get3A_29] {strides = array<i32>} : memref<80x128xi32, #tpu.memory_space<vmem>>, vector<16xi32>,
      %shift_right_logical3A = arith.constant 7 : i32
      %shift_right_logical3A_31 = vector.broadcast %shift_right_logical3A : i32 to vector<16xi32>
      %shift_right_logical3A_32 = arith.shrui %get3A_30, %shift_right_logical3A_31 : vector<16xi32>
      %ge3A = vector.broadcast %while3A_2 : i32 to vector<16xi32>
      %ge3A_33 = arith.cmpi sge, %shift_right_logical3A_32, %ge3A : vector<16xi32>
      %lt3A = vector.broadcast %while3A_3 : i32 to vector<16xi32>
      %lt3A_34 = arith.cmpi slt, %shift_right_logical3A_32, %lt3A : vector<16xi32>
      %and3A = arith.andi %ge3A_33, %lt3A_34 : vector<16xi1>
      %sub3A = vector.broadcast %while3A_2 : i32 to vector<16xi32>
      %sub3A_35 = arith.subi %shift_right_logical3A_32, %sub3A : vector<16xi32>
      %mul3A_36 = arith.constant 16 : i32
      %mul3A_37 = vector.broadcast %mul3A_36 : i32 to vector<16xi32>
      %mul3A_38 = arith.muli %sub3A_35, %mul3A_37 : vector<16xi32>
      %add3A_39 = arith.addi %mul3A_38, %iota3A : vector<16xi32>
      %and3A_40 = arith.constant 127 : i32
      %and3A_41 = vector.broadcast %and3A_40 : i32 to vector<16xi32>
      %and3A_42 = arith.andi %get3A_30, %and3A_41 : vector<16xi32>
      tpu.vector_store_idx %arg6[%add3A_39, %and3A_42], %broadcast_in_dim3A_1 masked %and3A {add = true} : memref<640x128xf32, #tpu.memory_space<vmem>>[vector<16xi32>, vector<16xi32>], vector<16xf32>, vector<16xi1>
      %get3A_43 = arith.index_cast %while3A_28 : i32 to index
      %get3A_44 = arith.constant 16 : index
      %get3A_45 = tpu.vector_load %arg5[%get3A_43, %get3A_44] {strides = array<i32>} : memref<80x128xi32, #tpu.memory_space<vmem>>, vector<16xi32>,
      %shift_right_logical3A_46 = arith.constant 7 : i32
      %shift_right_logical3A_47 = vector.broadcast %shift_right_logical3A_46 : i32 to vector<16xi32>
      %shift_right_logical3A_48 = arith.shrui %get3A_45, %shift_right_logical3A_47 : vector<16xi32>
      %ge3A_49 = vector.broadcast %while3A_2 : i32 to vector<16xi32>
      %ge3A_50 = arith.cmpi sge, %shift_right_logical3A_48, %ge3A_49 : vector<16xi32>
      %lt3A_51 = vector.broadcast %while3A_3 : i32 to vector<16xi32>
      %lt3A_52 = arith.cmpi slt, %shift_right_logical3A_48, %lt3A_51 : vector<16xi32>
      %and3A_53 = arith.andi %ge3A_50, %lt3A_52 : vector<16xi1>
      %sub3A_54 = vector.broadcast %while3A_2 : i32 to vector<16xi32>
      %sub3A_55 = arith.subi %shift_right_logical3A_48, %sub3A_54 : vector<16xi32>
      %mul3A_56 = arith.constant 16 : i32
      %mul3A_57 = vector.broadcast %mul3A_56 : i32 to vector<16xi32>
      %mul3A_58 = arith.muli %sub3A_55, %mul3A_57 : vector<16xi32>
      %add3A_59 = arith.addi %mul3A_58, %iota3A : vector<16xi32>
      %and3A_60 = arith.constant 127 : i32
      %and3A_61 = vector.broadcast %and3A_60 : i32 to vector<16xi32>
      %and3A_62 = arith.andi %get3A_45, %and3A_61 : vector<16xi32>
      tpu.vector_store_idx %arg6[%add3A_59, %and3A_62], %broadcast_in_dim3A_1 masked %and3A_53 {add = true} : memref<640x128xf32, #tpu.memory_space<vmem>>[vector<16xi32>, vector<16xi32>], vector<16xf32>, vector<16xi1>
      %get3A_63 = arith.index_cast %while3A_28 : i32 to index
      %get3A_64 = arith.constant 32 : index
      %get3A_65 = tpu.vector_load %arg5[%get3A_63, %get3A_64] {strides = array<i32>} : memref<80x128xi32, #tpu.memory_space<vmem>>, vector<16xi32>,
      %shift_right_logical3A_66 = arith.constant 7 : i32
      %shift_right_logical3A_67 = vector.broadcast %shift_right_logical3A_66 : i32 to vector<16xi32>
      %shift_right_logical3A_68 = arith.shrui %get3A_65, %shift_right_logical3A_67 : vector<16xi32>
      %ge3A_69 = vector.broadcast %while3A_2 : i32 to vector<16xi32>
      %ge3A_70 = arith.cmpi sge, %shift_right_logical3A_68, %ge3A_69 : vector<16xi32>
      %lt3A_71 = vector.broadcast %while3A_3 : i32 to vector<16xi32>
      %lt3A_72 = arith.cmpi slt, %shift_right_logical3A_68, %lt3A_71 : vector<16xi32>
      %and3A_73 = arith.andi %ge3A_70, %lt3A_72 : vector<16xi1>
      %sub3A_74 = vector.broadcast %while3A_2 : i32 to vector<16xi32>
      %sub3A_75 = arith.subi %shift_right_logical3A_68, %sub3A_74 : vector<16xi32>
      %mul3A_76 = arith.constant 16 : i32
      %mul3A_77 = vector.broadcast %mul3A_76 : i32 to vector<16xi32>
      %mul3A_78 = arith.muli %sub3A_75, %mul3A_77 : vector<16xi32>
      %add3A_79 = arith.addi %mul3A_78, %iota3A : vector<16xi32>
      %and3A_80 = arith.constant 127 : i32
      %and3A_81 = vector.broadcast %and3A_80 : i32 to vector<16xi32>
      %and3A_82 = arith.andi %get3A_65, %and3A_81 : vector<16xi32>
      tpu.vector_store_idx %arg6[%add3A_79, %and3A_82], %broadcast_in_dim3A_1 masked %and3A_73 {add = true} : memref<640x128xf32, #tpu.memory_space<vmem>>[vector<16xi32>, vector<16xi32>], vector<16xf32>, vector<16xi1>
      %get3A_83 = arith.index_cast %while3A_28 : i32 to index
      %get3A_84 = arith.constant 48 : index
      %get3A_85 = tpu.vector_load %arg5[%get3A_83, %get3A_84] {strides = array<i32>} : memref<80x128xi32, #tpu.memory_space<vmem>>, vector<16xi32>,
      %shift_right_logical3A_86 = arith.constant 7 : i32
      %shift_right_logical3A_87 = vector.broadcast %shift_right_logical3A_86 : i32 to vector<16xi32>
      %shift_right_logical3A_88 = arith.shrui %get3A_85, %shift_right_logical3A_87 : vector<16xi32>
      %ge3A_89 = vector.broadcast %while3A_2 : i32 to vector<16xi32>
      %ge3A_90 = arith.cmpi sge, %shift_right_logical3A_88, %ge3A_89 : vector<16xi32>
      %lt3A_91 = vector.broadcast %while3A_3 : i32 to vector<16xi32>
      %lt3A_92 = arith.cmpi slt, %shift_right_logical3A_88, %lt3A_91 : vector<16xi32>
      %and3A_93 = arith.andi %ge3A_90, %lt3A_92 : vector<16xi1>
      %sub3A_94 = vector.broadcast %while3A_2 : i32 to vector<16xi32>
      %sub3A_95 = arith.subi %shift_right_logical3A_88, %sub3A_94 : vector<16xi32>
      %mul3A_96 = arith.constant 16 : i32
      %mul3A_97 = vector.broadcast %mul3A_96 : i32 to vector<16xi32>
      %mul3A_98 = arith.muli %sub3A_95, %mul3A_97 : vector<16xi32>
      %add3A_99 = arith.addi %mul3A_98, %iota3A : vector<16xi32>
      %and3A_100 = arith.constant 127 : i32
      %and3A_101 = vector.broadcast %and3A_100 : i32 to vector<16xi32>
      %and3A_102 = arith.andi %get3A_85, %and3A_101 : vector<16xi32>
      tpu.vector_store_idx %arg6[%add3A_99, %and3A_102], %broadcast_in_dim3A_1 masked %and3A_93 {add = true} : memref<640x128xf32, #tpu.memory_space<vmem>>[vector<16xi32>, vector<16xi32>], vector<16xf32>, vector<16xi1>
      %get3A_103 = arith.index_cast %while3A_28 : i32 to index
      %get3A_104 = arith.constant 64 : index
      %get3A_105 = tpu.vector_load %arg5[%get3A_103, %get3A_104] {strides = array<i32>} : memref<80x128xi32, #tpu.memory_space<vmem>>, vector<16xi32>,
      %shift_right_logical3A_106 = arith.constant 7 : i32
      %shift_right_logical3A_107 = vector.broadcast %shift_right_logical3A_106 : i32 to vector<16xi32>
      %shift_right_logical3A_108 = arith.shrui %get3A_105, %shift_right_logical3A_107 : vector<16xi32>
      %ge3A_109 = vector.broadcast %while3A_2 : i32 to vector<16xi32>
      %ge3A_110 = arith.cmpi sge, %shift_right_logical3A_108, %ge3A_109 : vector<16xi32>
      %lt3A_111 = vector.broadcast %while3A_3 : i32 to vector<16xi32>
      %lt3A_112 = arith.cmpi slt, %shift_right_logical3A_108, %lt3A_111 : vector<16xi32>
      %and3A_113 = arith.andi %ge3A_110, %lt3A_112 : vector<16xi1>
      %sub3A_114 = vector.broadcast %while3A_2 : i32 to vector<16xi32>
      %sub3A_115 = arith.subi %shift_right_logical3A_108, %sub3A_114 : vector<16xi32>
      %mul3A_116 = arith.constant 16 : i32
      %mul3A_117 = vector.broadcast %mul3A_116 : i32 to vector<16xi32>
      %mul3A_118 = arith.muli %sub3A_115, %mul3A_117 : vector<16xi32>
      %add3A_119 = arith.addi %mul3A_118, %iota3A : vector<16xi32>
      %and3A_120 = arith.constant 127 : i32
      %and3A_121 = vector.broadcast %and3A_120 : i32 to vector<16xi32>
      %and3A_122 = arith.andi %get3A_105, %and3A_121 : vector<16xi32>
      tpu.vector_store_idx %arg6[%add3A_119, %and3A_122], %broadcast_in_dim3A_1 masked %and3A_113 {add = true} : memref<640x128xf32, #tpu.memory_space<vmem>>[vector<16xi32>, vector<16xi32>], vector<16xf32>, vector<16xi1>
      %get3A_123 = arith.index_cast %while3A_28 : i32 to index
      %get3A_124 = arith.constant 80 : index
      %get3A_125 = tpu.vector_load %arg5[%get3A_123, %get3A_124] {strides = array<i32>} : memref<80x128xi32, #tpu.memory_space<vmem>>, vector<16xi32>,
      %shift_right_logical3A_126 = arith.constant 7 : i32
      %shift_right_logical3A_127 = vector.broadcast %shift_right_logical3A_126 : i32 to vector<16xi32>
      %shift_right_logical3A_128 = arith.shrui %get3A_125, %shift_right_logical3A_127 : vector<16xi32>
      %ge3A_129 = vector.broadcast %while3A_2 : i32 to vector<16xi32>
      %ge3A_130 = arith.cmpi sge, %shift_right_logical3A_128, %ge3A_129 : vector<16xi32>
      %lt3A_131 = vector.broadcast %while3A_3 : i32 to vector<16xi32>
      %lt3A_132 = arith.cmpi slt, %shift_right_logical3A_128, %lt3A_131 : vector<16xi32>
      %and3A_133 = arith.andi %ge3A_130, %lt3A_132 : vector<16xi1>
      %sub3A_134 = vector.broadcast %while3A_2 : i32 to vector<16xi32>
      %sub3A_135 = arith.subi %shift_right_logical3A_128, %sub3A_134 : vector<16xi32>
      %mul3A_136 = arith.constant 16 : i32
      %mul3A_137 = vector.broadcast %mul3A_136 : i32 to vector<16xi32>
      %mul3A_138 = arith.muli %sub3A_135, %mul3A_137 : vector<16xi32>
      %add3A_139 = arith.addi %mul3A_138, %iota3A : vector<16xi32>
      %and3A_140 = arith.constant 127 : i32
      %and3A_141 = vector.broadcast %and3A_140 : i32 to vector<16xi32>
      %and3A_142 = arith.andi %get3A_125, %and3A_141 : vector<16xi32>
      tpu.vector_store_idx %arg6[%add3A_139, %and3A_142], %broadcast_in_dim3A_1 masked %and3A_133 {add = true} : memref<640x128xf32, #tpu.memory_space<vmem>>[vector<16xi32>, vector<16xi32>], vector<16xf32>, vector<16xi1>
      %get3A_143 = arith.index_cast %while3A_28 : i32 to index
      %get3A_144 = arith.constant 96 : index
      %get3A_145 = tpu.vector_load %arg5[%get3A_143, %get3A_144] {strides = array<i32>} : memref<80x128xi32, #tpu.memory_space<vmem>>, vector<16xi32>,
      %shift_right_logical3A_146 = arith.constant 7 : i32
      %shift_right_logical3A_147 = vector.broadcast %shift_right_logical3A_146 : i32 to vector<16xi32>
      %shift_right_logical3A_148 = arith.shrui %get3A_145, %shift_right_logical3A_147 : vector<16xi32>
      %ge3A_149 = vector.broadcast %while3A_2 : i32 to vector<16xi32>
      %ge3A_150 = arith.cmpi sge, %shift_right_logical3A_148, %ge3A_149 : vector<16xi32>
      %lt3A_151 = vector.broadcast %while3A_3 : i32 to vector<16xi32>
      %lt3A_152 = arith.cmpi slt, %shift_right_logical3A_148, %lt3A_151 : vector<16xi32>
      %and3A_153 = arith.andi %ge3A_150, %lt3A_152 : vector<16xi1>
      %sub3A_154 = vector.broadcast %while3A_2 : i32 to vector<16xi32>
      %sub3A_155 = arith.subi %shift_right_logical3A_148, %sub3A_154 : vector<16xi32>
      %mul3A_156 = arith.constant 16 : i32
      %mul3A_157 = vector.broadcast %mul3A_156 : i32 to vector<16xi32>
      %mul3A_158 = arith.muli %sub3A_155, %mul3A_157 : vector<16xi32>
      %add3A_159 = arith.addi %mul3A_158, %iota3A : vector<16xi32>
      %and3A_160 = arith.constant 127 : i32
      %and3A_161 = vector.broadcast %and3A_160 : i32 to vector<16xi32>
      %and3A_162 = arith.andi %get3A_145, %and3A_161 : vector<16xi32>
      tpu.vector_store_idx %arg6[%add3A_159, %and3A_162], %broadcast_in_dim3A_1 masked %and3A_153 {add = true} : memref<640x128xf32, #tpu.memory_space<vmem>>[vector<16xi32>, vector<16xi32>], vector<16xf32>, vector<16xi1>
      %get3A_163 = arith.index_cast %while3A_28 : i32 to index
      %get3A_164 = arith.constant 112 : index
      %get3A_165 = tpu.vector_load %arg5[%get3A_163, %get3A_164] {strides = array<i32>} : memref<80x128xi32, #tpu.memory_space<vmem>>, vector<16xi32>,
      %shift_right_logical3A_166 = arith.constant 7 : i32
      %shift_right_logical3A_167 = vector.broadcast %shift_right_logical3A_166 : i32 to vector<16xi32>
      %shift_right_logical3A_168 = arith.shrui %get3A_165, %shift_right_logical3A_167 : vector<16xi32>
      %ge3A_169 = vector.broadcast %while3A_2 : i32 to vector<16xi32>
      %ge3A_170 = arith.cmpi sge, %shift_right_logical3A_168, %ge3A_169 : vector<16xi32>
      %lt3A_171 = vector.broadcast %while3A_3 : i32 to vector<16xi32>
      %lt3A_172 = arith.cmpi slt, %shift_right_logical3A_168, %lt3A_171 : vector<16xi32>
      %and3A_173 = arith.andi %ge3A_170, %lt3A_172 : vector<16xi1>
      %sub3A_174 = vector.broadcast %while3A_2 : i32 to vector<16xi32>
      %sub3A_175 = arith.subi %shift_right_logical3A_168, %sub3A_174 : vector<16xi32>
      %mul3A_176 = arith.constant 16 : i32
      %mul3A_177 = vector.broadcast %mul3A_176 : i32 to vector<16xi32>
      %mul3A_178 = arith.muli %sub3A_175, %mul3A_177 : vector<16xi32>
      %add3A_179 = arith.addi %mul3A_178, %iota3A : vector<16xi32>
      %and3A_180 = arith.constant 127 : i32
      %and3A_181 = vector.broadcast %and3A_180 : i32 to vector<16xi32>
      %and3A_182 = arith.andi %get3A_165, %and3A_181 : vector<16xi32>
      tpu.vector_store_idx %arg6[%add3A_179, %and3A_182], %broadcast_in_dim3A_1 masked %and3A_173 {add = true} : memref<640x128xf32, #tpu.memory_space<vmem>>[vector<16xi32>, vector<16xi32>], vector<16xf32>, vector<16xi1>
    }
    %while3A_13 = arith.constant 1 : i32
    scf.for %while3A_28 = %while3A_11 to %while3A_7 step %while3A_13  : i32 {
      %get3A = arith.index_cast %while3A_28 : i32 to index
      %get3A_29 = arith.constant 0 : index
      %get3A_30 = tpu.vector_load %arg5[%get3A, %get3A_29] {strides = array<i32>} : memref<80x128xi32, #tpu.memory_space<vmem>>, vector<16xi32>,
      %shift_right_logical3A = arith.constant 7 : i32
      %shift_right_logical3A_31 = vector.broadcast %shift_right_logical3A : i32 to vector<16xi32>
      %shift_right_logical3A_32 = arith.shrui %get3A_30, %shift_right_logical3A_31 : vector<16xi32>
      %ge3A = vector.broadcast %while3A_2 : i32 to vector<16xi32>
      %ge3A_33 = arith.cmpi sge, %shift_right_logical3A_32, %ge3A : vector<16xi32>
      %lt3A = vector.broadcast %while3A_3 : i32 to vector<16xi32>
      %lt3A_34 = arith.cmpi slt, %shift_right_logical3A_32, %lt3A : vector<16xi32>
      %and3A = arith.andi %ge3A_33, %lt3A_34 : vector<16xi1>
      %sub3A = vector.broadcast %while3A_2 : i32 to vector<16xi32>
      %sub3A_35 = arith.subi %shift_right_logical3A_32, %sub3A : vector<16xi32>
      %mul3A_36 = arith.constant 16 : i32
      %mul3A_37 = vector.broadcast %mul3A_36 : i32 to vector<16xi32>
      %mul3A_38 = arith.muli %sub3A_35, %mul3A_37 : vector<16xi32>
      %add3A_39 = arith.addi %mul3A_38, %iota3A : vector<16xi32>
      %and3A_40 = arith.constant 127 : i32
      %and3A_41 = vector.broadcast %and3A_40 : i32 to vector<16xi32>
      %and3A_42 = arith.andi %get3A_30, %and3A_41 : vector<16xi32>
      tpu.vector_store_idx %arg6[%add3A_39, %and3A_42], %broadcast_in_dim3A_1 masked %and3A {add = true} : memref<640x128xf32, #tpu.memory_space<vmem>>[vector<16xi32>, vector<16xi32>], vector<16xf32>, vector<16xi1>
      %get3A_43 = arith.index_cast %while3A_28 : i32 to index
      %get3A_44 = arith.constant 16 : index
      %get3A_45 = tpu.vector_load %arg5[%get3A_43, %get3A_44] {strides = array<i32>} : memref<80x128xi32, #tpu.memory_space<vmem>>, vector<16xi32>,
      %shift_right_logical3A_46 = arith.constant 7 : i32
      %shift_right_logical3A_47 = vector.broadcast %shift_right_logical3A_46 : i32 to vector<16xi32>
      %shift_right_logical3A_48 = arith.shrui %get3A_45, %shift_right_logical3A_47 : vector<16xi32>
      %ge3A_49 = vector.broadcast %while3A_2 : i32 to vector<16xi32>
      %ge3A_50 = arith.cmpi sge, %shift_right_logical3A_48, %ge3A_49 : vector<16xi32>
      %lt3A_51 = vector.broadcast %while3A_3 : i32 to vector<16xi32>
      %lt3A_52 = arith.cmpi slt, %shift_right_logical3A_48, %lt3A_51 : vector<16xi32>
      %and3A_53 = arith.andi %ge3A_50, %lt3A_52 : vector<16xi1>
      %sub3A_54 = vector.broadcast %while3A_2 : i32 to vector<16xi32>
      %sub3A_55 = arith.subi %shift_right_logical3A_48, %sub3A_54 : vector<16xi32>
      %mul3A_56 = arith.constant 16 : i32
      %mul3A_57 = vector.broadcast %mul3A_56 : i32 to vector<16xi32>
      %mul3A_58 = arith.muli %sub3A_55, %mul3A_57 : vector<16xi32>
      %add3A_59 = arith.addi %mul3A_58, %iota3A : vector<16xi32>
      %and3A_60 = arith.constant 127 : i32
      %and3A_61 = vector.broadcast %and3A_60 : i32 to vector<16xi32>
      %and3A_62 = arith.andi %get3A_45, %and3A_61 : vector<16xi32>
      tpu.vector_store_idx %arg6[%add3A_59, %and3A_62], %broadcast_in_dim3A_1 masked %and3A_53 {add = true} : memref<640x128xf32, #tpu.memory_space<vmem>>[vector<16xi32>, vector<16xi32>], vector<16xf32>, vector<16xi1>
      %get3A_63 = arith.index_cast %while3A_28 : i32 to index
      %get3A_64 = arith.constant 32 : index
      %get3A_65 = tpu.vector_load %arg5[%get3A_63, %get3A_64] {strides = array<i32>} : memref<80x128xi32, #tpu.memory_space<vmem>>, vector<16xi32>,
      %shift_right_logical3A_66 = arith.constant 7 : i32
      %shift_right_logical3A_67 = vector.broadcast %shift_right_logical3A_66 : i32 to vector<16xi32>
      %shift_right_logical3A_68 = arith.shrui %get3A_65, %shift_right_logical3A_67 : vector<16xi32>
      %ge3A_69 = vector.broadcast %while3A_2 : i32 to vector<16xi32>
      %ge3A_70 = arith.cmpi sge, %shift_right_logical3A_68, %ge3A_69 : vector<16xi32>
      %lt3A_71 = vector.broadcast %while3A_3 : i32 to vector<16xi32>
      %lt3A_72 = arith.cmpi slt, %shift_right_logical3A_68, %lt3A_71 : vector<16xi32>
      %and3A_73 = arith.andi %ge3A_70, %lt3A_72 : vector<16xi1>
      %sub3A_74 = vector.broadcast %while3A_2 : i32 to vector<16xi32>
      %sub3A_75 = arith.subi %shift_right_logical3A_68, %sub3A_74 : vector<16xi32>
      %mul3A_76 = arith.constant 16 : i32
      %mul3A_77 = vector.broadcast %mul3A_76 : i32 to vector<16xi32>
      %mul3A_78 = arith.muli %sub3A_75, %mul3A_77 : vector<16xi32>
      %add3A_79 = arith.addi %mul3A_78, %iota3A : vector<16xi32>
      %and3A_80 = arith.constant 127 : i32
      %and3A_81 = vector.broadcast %and3A_80 : i32 to vector<16xi32>
      %and3A_82 = arith.andi %get3A_65, %and3A_81 : vector<16xi32>
      tpu.vector_store_idx %arg6[%add3A_79, %and3A_82], %broadcast_in_dim3A_1 masked %and3A_73 {add = true} : memref<640x128xf32, #tpu.memory_space<vmem>>[vector<16xi32>, vector<16xi32>], vector<16xf32>, vector<16xi1>
      %get3A_83 = arith.index_cast %while3A_28 : i32 to index
      %get3A_84 = arith.constant 48 : index
      %get3A_85 = tpu.vector_load %arg5[%get3A_83, %get3A_84] {strides = array<i32>} : memref<80x128xi32, #tpu.memory_space<vmem>>, vector<16xi32>,
      %shift_right_logical3A_86 = arith.constant 7 : i32
      %shift_right_logical3A_87 = vector.broadcast %shift_right_logical3A_86 : i32 to vector<16xi32>
      %shift_right_logical3A_88 = arith.shrui %get3A_85, %shift_right_logical3A_87 : vector<16xi32>
      %ge3A_89 = vector.broadcast %while3A_2 : i32 to vector<16xi32>
      %ge3A_90 = arith.cmpi sge, %shift_right_logical3A_88, %ge3A_89 : vector<16xi32>
      %lt3A_91 = vector.broadcast %while3A_3 : i32 to vector<16xi32>
      %lt3A_92 = arith.cmpi slt, %shift_right_logical3A_88, %lt3A_91 : vector<16xi32>
      %and3A_93 = arith.andi %ge3A_90, %lt3A_92 : vector<16xi1>
      %sub3A_94 = vector.broadcast %while3A_2 : i32 to vector<16xi32>
      %sub3A_95 = arith.subi %shift_right_logical3A_88, %sub3A_94 : vector<16xi32>
      %mul3A_96 = arith.constant 16 : i32
      %mul3A_97 = vector.broadcast %mul3A_96 : i32 to vector<16xi32>
      %mul3A_98 = arith.muli %sub3A_95, %mul3A_97 : vector<16xi32>
      %add3A_99 = arith.addi %mul3A_98, %iota3A : vector<16xi32>
      %and3A_100 = arith.constant 127 : i32
      %and3A_101 = vector.broadcast %and3A_100 : i32 to vector<16xi32>
      %and3A_102 = arith.andi %get3A_85, %and3A_101 : vector<16xi32>
      tpu.vector_store_idx %arg6[%add3A_99, %and3A_102], %broadcast_in_dim3A_1 masked %and3A_93 {add = true} : memref<640x128xf32, #tpu.memory_space<vmem>>[vector<16xi32>, vector<16xi32>], vector<16xf32>, vector<16xi1>
      %get3A_103 = arith.index_cast %while3A_28 : i32 to index
      %get3A_104 = arith.constant 64 : index
      %get3A_105 = tpu.vector_load %arg5[%get3A_103, %get3A_104] {strides = array<i32>} : memref<80x128xi32, #tpu.memory_space<vmem>>, vector<16xi32>,
      %shift_right_logical3A_106 = arith.constant 7 : i32
      %shift_right_logical3A_107 = vector.broadcast %shift_right_logical3A_106 : i32 to vector<16xi32>
      %shift_right_logical3A_108 = arith.shrui %get3A_105, %shift_right_logical3A_107 : vector<16xi32>
      %ge3A_109 = vector.broadcast %while3A_2 : i32 to vector<16xi32>
      %ge3A_110 = arith.cmpi sge, %shift_right_logical3A_108, %ge3A_109 : vector<16xi32>
      %lt3A_111 = vector.broadcast %while3A_3 : i32 to vector<16xi32>
      %lt3A_112 = arith.cmpi slt, %shift_right_logical3A_108, %lt3A_111 : vector<16xi32>
      %and3A_113 = arith.andi %ge3A_110, %lt3A_112 : vector<16xi1>
      %sub3A_114 = vector.broadcast %while3A_2 : i32 to vector<16xi32>
      %sub3A_115 = arith.subi %shift_right_logical3A_108, %sub3A_114 : vector<16xi32>
      %mul3A_116 = arith.constant 16 : i32
      %mul3A_117 = vector.broadcast %mul3A_116 : i32 to vector<16xi32>
      %mul3A_118 = arith.muli %sub3A_115, %mul3A_117 : vector<16xi32>
      %add3A_119 = arith.addi %mul3A_118, %iota3A : vector<16xi32>
      %and3A_120 = arith.constant 127 : i32
      %and3A_121 = vector.broadcast %and3A_120 : i32 to vector<16xi32>
      %and3A_122 = arith.andi %get3A_105, %and3A_121 : vector<16xi32>
      tpu.vector_store_idx %arg6[%add3A_119, %and3A_122], %broadcast_in_dim3A_1 masked %and3A_113 {add = true} : memref<640x128xf32, #tpu.memory_space<vmem>>[vector<16xi32>, vector<16xi32>], vector<16xf32>, vector<16xi1>
      %get3A_123 = arith.index_cast %while3A_28 : i32 to index
      %get3A_124 = arith.constant 80 : index
      %get3A_125 = tpu.vector_load %arg5[%get3A_123, %get3A_124] {strides = array<i32>} : memref<80x128xi32, #tpu.memory_space<vmem>>, vector<16xi32>,
      %shift_right_logical3A_126 = arith.constant 7 : i32
      %shift_right_logical3A_127 = vector.broadcast %shift_right_logical3A_126 : i32 to vector<16xi32>
      %shift_right_logical3A_128 = arith.shrui %get3A_125, %shift_right_logical3A_127 : vector<16xi32>
      %ge3A_129 = vector.broadcast %while3A_2 : i32 to vector<16xi32>
      %ge3A_130 = arith.cmpi sge, %shift_right_logical3A_128, %ge3A_129 : vector<16xi32>
      %lt3A_131 = vector.broadcast %while3A_3 : i32 to vector<16xi32>
      %lt3A_132 = arith.cmpi slt, %shift_right_logical3A_128, %lt3A_131 : vector<16xi32>
      %and3A_133 = arith.andi %ge3A_130, %lt3A_132 : vector<16xi1>
      %sub3A_134 = vector.broadcast %while3A_2 : i32 to vector<16xi32>
      %sub3A_135 = arith.subi %shift_right_logical3A_128, %sub3A_134 : vector<16xi32>
      %mul3A_136 = arith.constant 16 : i32
      %mul3A_137 = vector.broadcast %mul3A_136 : i32 to vector<16xi32>
      %mul3A_138 = arith.muli %sub3A_135, %mul3A_137 : vector<16xi32>
      %add3A_139 = arith.addi %mul3A_138, %iota3A : vector<16xi32>
      %and3A_140 = arith.constant 127 : i32
      %and3A_141 = vector.broadcast %and3A_140 : i32 to vector<16xi32>
      %and3A_142 = arith.andi %get3A_125, %and3A_141 : vector<16xi32>
      tpu.vector_store_idx %arg6[%add3A_139, %and3A_142], %broadcast_in_dim3A_1 masked %and3A_133 {add = true} : memref<640x128xf32, #tpu.memory_space<vmem>>[vector<16xi32>, vector<16xi32>], vector<16xf32>, vector<16xi1>
      %get3A_143 = arith.index_cast %while3A_28 : i32 to index
      %get3A_144 = arith.constant 96 : index
      %get3A_145 = tpu.vector_load %arg5[%get3A_143, %get3A_144] {strides = array<i32>} : memref<80x128xi32, #tpu.memory_space<vmem>>, vector<16xi32>,
      %shift_right_logical3A_146 = arith.constant 7 : i32
      %shift_right_logical3A_147 = vector.broadcast %shift_right_logical3A_146 : i32 to vector<16xi32>
      %shift_right_logical3A_148 = arith.shrui %get3A_145, %shift_right_logical3A_147 : vector<16xi32>
      %ge3A_149 = vector.broadcast %while3A_2 : i32 to vector<16xi32>
      %ge3A_150 = arith.cmpi sge, %shift_right_logical3A_148, %ge3A_149 : vector<16xi32>
      %lt3A_151 = vector.broadcast %while3A_3 : i32 to vector<16xi32>
      %lt3A_152 = arith.cmpi slt, %shift_right_logical3A_148, %lt3A_151 : vector<16xi32>
      %and3A_153 = arith.andi %ge3A_150, %lt3A_152 : vector<16xi1>
      %sub3A_154 = vector.broadcast %while3A_2 : i32 to vector<16xi32>
      %sub3A_155 = arith.subi %shift_right_logical3A_148, %sub3A_154 : vector<16xi32>
      %mul3A_156 = arith.constant 16 : i32
      %mul3A_157 = vector.broadcast %mul3A_156 : i32 to vector<16xi32>
      %mul3A_158 = arith.muli %sub3A_155, %mul3A_157 : vector<16xi32>
      %add3A_159 = arith.addi %mul3A_158, %iota3A : vector<16xi32>
      %and3A_160 = arith.constant 127 : i32
      %and3A_161 = vector.broadcast %and3A_160 : i32 to vector<16xi32>
      %and3A_162 = arith.andi %get3A_145, %and3A_161 : vector<16xi32>
      tpu.vector_store_idx %arg6[%add3A_159, %and3A_162], %broadcast_in_dim3A_1 masked %and3A_153 {add = true} : memref<640x128xf32, #tpu.memory_space<vmem>>[vector<16xi32>, vector<16xi32>], vector<16xf32>, vector<16xi1>
      %get3A_163 = arith.index_cast %while3A_28 : i32 to index
      %get3A_164 = arith.constant 112 : index
      %get3A_165 = tpu.vector_load %arg5[%get3A_163, %get3A_164] {strides = array<i32>} : memref<80x128xi32, #tpu.memory_space<vmem>>, vector<16xi32>,
      %shift_right_logical3A_166 = arith.constant 7 : i32
      %shift_right_logical3A_167 = vector.broadcast %shift_right_logical3A_166 : i32 to vector<16xi32>
      %shift_right_logical3A_168 = arith.shrui %get3A_165, %shift_right_logical3A_167 : vector<16xi32>
      %ge3A_169 = vector.broadcast %while3A_2 : i32 to vector<16xi32>
      %ge3A_170 = arith.cmpi sge, %shift_right_logical3A_168, %ge3A_169 : vector<16xi32>
      %lt3A_171 = vector.broadcast %while3A_3 : i32 to vector<16xi32>
      %lt3A_172 = arith.cmpi slt, %shift_right_logical3A_168, %lt3A_171 : vector<16xi32>
      %and3A_173 = arith.andi %ge3A_170, %lt3A_172 : vector<16xi1>
      %sub3A_174 = vector.broadcast %while3A_2 : i32 to vector<16xi32>
      %sub3A_175 = arith.subi %shift_right_logical3A_168, %sub3A_174 : vector<16xi32>
      %mul3A_176 = arith.constant 16 : i32
      %mul3A_177 = vector.broadcast %mul3A_176 : i32 to vector<16xi32>
      %mul3A_178 = arith.muli %sub3A_175, %mul3A_177 : vector<16xi32>
      %add3A_179 = arith.addi %mul3A_178, %iota3A : vector<16xi32>
      %and3A_180 = arith.constant 127 : i32
      %and3A_181 = vector.broadcast %and3A_180 : i32 to vector<16xi32>
      %and3A_182 = arith.andi %get3A_165, %and3A_181 : vector<16xi32>
      tpu.vector_store_idx %arg6[%add3A_179, %and3A_182], %broadcast_in_dim3A_1 masked %and3A_173 {add = true} : memref<640x128xf32, #tpu.memory_space<vmem>>[vector<16xi32>, vector<16xi32>], vector<16xf32>, vector<16xi1>
    }
    %run_scoped3A = arith.constant 0 : i32
    "tpu.region"() ({
      %run_scoped3A_28 = tpu.sem_alloc : memref<!tpu.dma_semaphore, #tpu.memory_space<semaphore_mem>>
      %dma_start3A = arith.constant 0 : i32
      %dma_start3A_29 = arith.constant 0 : i32
      %dma_start3A_30 = tpu.memref_slice %arg4[%add3A, %run_scoped3A, %dma_start3A, %dma_start3A_29] : memref<32x2x640x128xf32, #tpu.memory_space<hbm>> -> memref<1x1x640x128xf32, #tpu.memory_space<hbm>>
      %dma_start3A_31 = tpu.memref_squeeze %dma_start3A_30 : memref<1x1x640x128xf32, #tpu.memory_space<hbm>> -> memref<640x128xf32, #tpu.memory_space<hbm>>
      %dma_start3A_32 = arith.constant 0 : i32
      %dma_start3A_33 = arith.constant 0 : i32
      %dma_start3A_34 = tpu.memref_slice %arg4[%add3A, %run_scoped3A, %dma_start3A_32, %dma_start3A_33] : memref<32x2x640x128xf32, #tpu.memory_space<hbm>> -> memref<1x1x640x128xf32, #tpu.memory_space<hbm>>
      %dma_start3A_35 = tpu.memref_squeeze %dma_start3A_34 : memref<1x1x640x128xf32, #tpu.memory_space<hbm>> -> memref<640x128xf32, #tpu.memory_space<hbm>>
      tpu.enqueue_dma source(%arg6 : memref<640x128xf32, #tpu.memory_space<vmem>>) target(%dma_start3A_35 : memref<640x128xf32, #tpu.memory_space<hbm>>) target_semaphore(%run_scoped3A_28 : memref<!tpu.dma_semaphore, #tpu.memory_space<semaphore_mem>>)
      %dma_wait3A = arith.constant 0 : i32
      %dma_wait3A_36 = arith.constant 0 : i32
      %dma_wait3A_37 = tpu.memref_slice %arg4[%add3A, %run_scoped3A, %dma_wait3A, %dma_wait3A_36] : memref<32x2x640x128xf32, #tpu.memory_space<hbm>> -> memref<1x1x640x128xf32, #tpu.memory_space<hbm>>
      %dma_wait3A_38 = tpu.memref_squeeze %dma_wait3A_37 : memref<1x1x640x128xf32, #tpu.memory_space<hbm>> -> memref<640x128xf32, #tpu.memory_space<hbm>>
      %dma_wait3A_39 = arith.constant 0 : i32
      %dma_wait3A_40 = arith.constant 0 : i32
      %dma_wait3A_41 = tpu.memref_slice %arg4[%add3A, %run_scoped3A, %dma_wait3A_39, %dma_wait3A_40] : memref<32x2x640x128xf32, #tpu.memory_space<hbm>> -> memref<1x1x640x128xf32, #tpu.memory_space<hbm>>
      %dma_wait3A_42 = tpu.memref_squeeze %dma_wait3A_41 : memref<1x1x640x128xf32, #tpu.memory_space<hbm>> -> memref<640x128xf32, #tpu.memory_space<hbm>>
      tpu.wait_dma2 semaphore(%run_scoped3A_28 : memref<!tpu.dma_semaphore, #tpu.memory_space<semaphore_mem>>) src(%arg6 : memref<640x128xf32, #tpu.memory_space<vmem>>) dst(%dma_wait3A_42 : memref<640x128xf32, #tpu.memory_space<hbm>>)
      tpu.yield
    }) : () -> ()
    "tpu.region"() ({
      %run_scoped3A_28 = tpu.sem_alloc : memref<!tpu.dma_semaphore, #tpu.memory_space<semaphore_mem>>
      tpu.enqueue_dma source(%arg3 : memref<640x128xf32, #tpu.memory_space<hbm>>) target(%arg6 : memref<640x128xf32, #tpu.memory_space<vmem>>) target_semaphore(%run_scoped3A_28 : memref<!tpu.dma_semaphore, #tpu.memory_space<semaphore_mem>>)
      tpu.wait_dma2 semaphore(%run_scoped3A_28 : memref<!tpu.dma_semaphore, #tpu.memory_space<semaphore_mem>>) src(%arg3 : memref<640x128xf32, #tpu.memory_space<hbm>>) dst(%arg6 : memref<640x128xf32, #tpu.memory_space<vmem>>)
      tpu.yield
    }) : () -> ()
    %while3A_14 = arith.constant 0 : i64
    %while3A_15 = arith.constant 40 : i32
    %while3A_16 = arith.constant 79 : i32
    %while3A_17 = arith.constant 0 : i32
    %while3A_18 = arith.constant 80 : i32
    %while3A_19 = arith.subi %while3A_18, %while3A_17 : i32
    %while3A_20 = arith.addi %while3A_17, %while3A_19 : i32
    %while3A_21 = arith.constant 1 : i32
    %while3A_22 = arith.divsi %while3A_19, %while3A_21 : i32
    %while3A_23 = arith.muli %while3A_22, %while3A_21 : i32
    %while3A_24 = arith.addi %while3A_17, %while3A_23 : i32
    %while3A_25 = arith.constant 1 : i32
    scf.for %while3A_28 = %while3A_17 to %while3A_24 step %while3A_25  : i32 {
      %get3A = arith.index_cast %while3A_28 : i32 to index
      %get3A_29 = arith.constant 0 : index
      %get3A_30 = tpu.vector_load %arg5[%get3A, %get3A_29] {strides = array<i32>} : memref<80x128xi32, #tpu.memory_space<vmem>>, vector<16xi32>,
      %shift_right_logical3A = arith.constant 7 : i32
      %shift_right_logical3A_31 = vector.broadcast %shift_right_logical3A : i32 to vector<16xi32>
      %shift_right_logical3A_32 = arith.shrui %get3A_30, %shift_right_logical3A_31 : vector<16xi32>
      %ge3A = vector.broadcast %while3A_15 : i32 to vector<16xi32>
      %ge3A_33 = arith.cmpi sge, %shift_right_logical3A_32, %ge3A : vector<16xi32>
      %lt3A = vector.broadcast %while3A_16 : i32 to vector<16xi32>
      %lt3A_34 = arith.cmpi slt, %shift_right_logical3A_32, %lt3A : vector<16xi32>
      %and3A = arith.andi %ge3A_33, %lt3A_34 : vector<16xi1>
      %sub3A = vector.broadcast %while3A_15 : i32 to vector<16xi32>
      %sub3A_35 = arith.subi %shift_right_logical3A_32, %sub3A : vector<16xi32>
      %mul3A_36 = arith.constant 16 : i32
      %mul3A_37 = vector.broadcast %mul3A_36 : i32 to vector<16xi32>
      %mul3A_38 = arith.muli %sub3A_35, %mul3A_37 : vector<16xi32>
      %add3A_39 = arith.addi %mul3A_38, %iota3A : vector<16xi32>
      %and3A_40 = arith.constant 127 : i32
      %and3A_41 = vector.broadcast %and3A_40 : i32 to vector<16xi32>
      %and3A_42 = arith.andi %get3A_30, %and3A_41 : vector<16xi32>
      tpu.vector_store_idx %arg6[%add3A_39, %and3A_42], %broadcast_in_dim3A_1 masked %and3A {add = true} : memref<640x128xf32, #tpu.memory_space<vmem>>[vector<16xi32>, vector<16xi32>], vector<16xf32>, vector<16xi1>
      %get3A_43 = arith.index_cast %while3A_28 : i32 to index
      %get3A_44 = arith.constant 16 : index
      %get3A_45 = tpu.vector_load %arg5[%get3A_43, %get3A_44] {strides = array<i32>} : memref<80x128xi32, #tpu.memory_space<vmem>>, vector<16xi32>,
      %shift_right_logical3A_46 = arith.constant 7 : i32
      %shift_right_logical3A_47 = vector.broadcast %shift_right_logical3A_46 : i32 to vector<16xi32>
      %shift_right_logical3A_48 = arith.shrui %get3A_45, %shift_right_logical3A_47 : vector<16xi32>
      %ge3A_49 = vector.broadcast %while3A_15 : i32 to vector<16xi32>
      %ge3A_50 = arith.cmpi sge, %shift_right_logical3A_48, %ge3A_49 : vector<16xi32>
      %lt3A_51 = vector.broadcast %while3A_16 : i32 to vector<16xi32>
      %lt3A_52 = arith.cmpi slt, %shift_right_logical3A_48, %lt3A_51 : vector<16xi32>
      %and3A_53 = arith.andi %ge3A_50, %lt3A_52 : vector<16xi1>
      %sub3A_54 = vector.broadcast %while3A_15 : i32 to vector<16xi32>
      %sub3A_55 = arith.subi %shift_right_logical3A_48, %sub3A_54 : vector<16xi32>
      %mul3A_56 = arith.constant 16 : i32
      %mul3A_57 = vector.broadcast %mul3A_56 : i32 to vector<16xi32>
      %mul3A_58 = arith.muli %sub3A_55, %mul3A_57 : vector<16xi32>
      %add3A_59 = arith.addi %mul3A_58, %iota3A : vector<16xi32>
      %and3A_60 = arith.constant 127 : i32
      %and3A_61 = vector.broadcast %and3A_60 : i32 to vector<16xi32>
      %and3A_62 = arith.andi %get3A_45, %and3A_61 : vector<16xi32>
      tpu.vector_store_idx %arg6[%add3A_59, %and3A_62], %broadcast_in_dim3A_1 masked %and3A_53 {add = true} : memref<640x128xf32, #tpu.memory_space<vmem>>[vector<16xi32>, vector<16xi32>], vector<16xf32>, vector<16xi1>
      %get3A_63 = arith.index_cast %while3A_28 : i32 to index
      %get3A_64 = arith.constant 32 : index
      %get3A_65 = tpu.vector_load %arg5[%get3A_63, %get3A_64] {strides = array<i32>} : memref<80x128xi32, #tpu.memory_space<vmem>>, vector<16xi32>,
      %shift_right_logical3A_66 = arith.constant 7 : i32
      %shift_right_logical3A_67 = vector.broadcast %shift_right_logical3A_66 : i32 to vector<16xi32>
      %shift_right_logical3A_68 = arith.shrui %get3A_65, %shift_right_logical3A_67 : vector<16xi32>
      %ge3A_69 = vector.broadcast %while3A_15 : i32 to vector<16xi32>
      %ge3A_70 = arith.cmpi sge, %shift_right_logical3A_68, %ge3A_69 : vector<16xi32>
      %lt3A_71 = vector.broadcast %while3A_16 : i32 to vector<16xi32>
      %lt3A_72 = arith.cmpi slt, %shift_right_logical3A_68, %lt3A_71 : vector<16xi32>
      %and3A_73 = arith.andi %ge3A_70, %lt3A_72 : vector<16xi1>
      %sub3A_74 = vector.broadcast %while3A_15 : i32 to vector<16xi32>
      %sub3A_75 = arith.subi %shift_right_logical3A_68, %sub3A_74 : vector<16xi32>
      %mul3A_76 = arith.constant 16 : i32
      %mul3A_77 = vector.broadcast %mul3A_76 : i32 to vector<16xi32>
      %mul3A_78 = arith.muli %sub3A_75, %mul3A_77 : vector<16xi32>
      %add3A_79 = arith.addi %mul3A_78, %iota3A : vector<16xi32>
      %and3A_80 = arith.constant 127 : i32
      %and3A_81 = vector.broadcast %and3A_80 : i32 to vector<16xi32>
      %and3A_82 = arith.andi %get3A_65, %and3A_81 : vector<16xi32>
      tpu.vector_store_idx %arg6[%add3A_79, %and3A_82], %broadcast_in_dim3A_1 masked %and3A_73 {add = true} : memref<640x128xf32, #tpu.memory_space<vmem>>[vector<16xi32>, vector<16xi32>], vector<16xf32>, vector<16xi1>
      %get3A_83 = arith.index_cast %while3A_28 : i32 to index
      %get3A_84 = arith.constant 48 : index
      %get3A_85 = tpu.vector_load %arg5[%get3A_83, %get3A_84] {strides = array<i32>} : memref<80x128xi32, #tpu.memory_space<vmem>>, vector<16xi32>,
      %shift_right_logical3A_86 = arith.constant 7 : i32
      %shift_right_logical3A_87 = vector.broadcast %shift_right_logical3A_86 : i32 to vector<16xi32>
      %shift_right_logical3A_88 = arith.shrui %get3A_85, %shift_right_logical3A_87 : vector<16xi32>
      %ge3A_89 = vector.broadcast %while3A_15 : i32 to vector<16xi32>
      %ge3A_90 = arith.cmpi sge, %shift_right_logical3A_88, %ge3A_89 : vector<16xi32>
      %lt3A_91 = vector.broadcast %while3A_16 : i32 to vector<16xi32>
      %lt3A_92 = arith.cmpi slt, %shift_right_logical3A_88, %lt3A_91 : vector<16xi32>
      %and3A_93 = arith.andi %ge3A_90, %lt3A_92 : vector<16xi1>
      %sub3A_94 = vector.broadcast %while3A_15 : i32 to vector<16xi32>
      %sub3A_95 = arith.subi %shift_right_logical3A_88, %sub3A_94 : vector<16xi32>
      %mul3A_96 = arith.constant 16 : i32
      %mul3A_97 = vector.broadcast %mul3A_96 : i32 to vector<16xi32>
      %mul3A_98 = arith.muli %sub3A_95, %mul3A_97 : vector<16xi32>
      %add3A_99 = arith.addi %mul3A_98, %iota3A : vector<16xi32>
      %and3A_100 = arith.constant 127 : i32
      %and3A_101 = vector.broadcast %and3A_100 : i32 to vector<16xi32>
      %and3A_102 = arith.andi %get3A_85, %and3A_101 : vector<16xi32>
      tpu.vector_store_idx %arg6[%add3A_99, %and3A_102], %broadcast_in_dim3A_1 masked %and3A_93 {add = true} : memref<640x128xf32, #tpu.memory_space<vmem>>[vector<16xi32>, vector<16xi32>], vector<16xf32>, vector<16xi1>
      %get3A_103 = arith.index_cast %while3A_28 : i32 to index
      %get3A_104 = arith.constant 64 : index
      %get3A_105 = tpu.vector_load %arg5[%get3A_103, %get3A_104] {strides = array<i32>} : memref<80x128xi32, #tpu.memory_space<vmem>>, vector<16xi32>,
      %shift_right_logical3A_106 = arith.constant 7 : i32
      %shift_right_logical3A_107 = vector.broadcast %shift_right_logical3A_106 : i32 to vector<16xi32>
      %shift_right_logical3A_108 = arith.shrui %get3A_105, %shift_right_logical3A_107 : vector<16xi32>
      %ge3A_109 = vector.broadcast %while3A_15 : i32 to vector<16xi32>
      %ge3A_110 = arith.cmpi sge, %shift_right_logical3A_108, %ge3A_109 : vector<16xi32>
      %lt3A_111 = vector.broadcast %while3A_16 : i32 to vector<16xi32>
      %lt3A_112 = arith.cmpi slt, %shift_right_logical3A_108, %lt3A_111 : vector<16xi32>
      %and3A_113 = arith.andi %ge3A_110, %lt3A_112 : vector<16xi1>
      %sub3A_114 = vector.broadcast %while3A_15 : i32 to vector<16xi32>
      %sub3A_115 = arith.subi %shift_right_logical3A_108, %sub3A_114 : vector<16xi32>
      %mul3A_116 = arith.constant 16 : i32
      %mul3A_117 = vector.broadcast %mul3A_116 : i32 to vector<16xi32>
      %mul3A_118 = arith.muli %sub3A_115, %mul3A_117 : vector<16xi32>
      %add3A_119 = arith.addi %mul3A_118, %iota3A : vector<16xi32>
      %and3A_120 = arith.constant 127 : i32
      %and3A_121 = vector.broadcast %and3A_120 : i32 to vector<16xi32>
      %and3A_122 = arith.andi %get3A_105, %and3A_121 : vector<16xi32>
      tpu.vector_store_idx %arg6[%add3A_119, %and3A_122], %broadcast_in_dim3A_1 masked %and3A_113 {add = true} : memref<640x128xf32, #tpu.memory_space<vmem>>[vector<16xi32>, vector<16xi32>], vector<16xf32>, vector<16xi1>
      %get3A_123 = arith.index_cast %while3A_28 : i32 to index
      %get3A_124 = arith.constant 80 : index
      %get3A_125 = tpu.vector_load %arg5[%get3A_123, %get3A_124] {strides = array<i32>} : memref<80x128xi32, #tpu.memory_space<vmem>>, vector<16xi32>,
      %shift_right_logical3A_126 = arith.constant 7 : i32
      %shift_right_logical3A_127 = vector.broadcast %shift_right_logical3A_126 : i32 to vector<16xi32>
      %shift_right_logical3A_128 = arith.shrui %get3A_125, %shift_right_logical3A_127 : vector<16xi32>
      %ge3A_129 = vector.broadcast %while3A_15 : i32 to vector<16xi32>
      %ge3A_130 = arith.cmpi sge, %shift_right_logical3A_128, %ge3A_129 : vector<16xi32>
      %lt3A_131 = vector.broadcast %while3A_16 : i32 to vector<16xi32>
      %lt3A_132 = arith.cmpi slt, %shift_right_logical3A_128, %lt3A_131 : vector<16xi32>
      %and3A_133 = arith.andi %ge3A_130, %lt3A_132 : vector<16xi1>
      %sub3A_134 = vector.broadcast %while3A_15 : i32 to vector<16xi32>
      %sub3A_135 = arith.subi %shift_right_logical3A_128, %sub3A_134 : vector<16xi32>
      %mul3A_136 = arith.constant 16 : i32
      %mul3A_137 = vector.broadcast %mul3A_136 : i32 to vector<16xi32>
      %mul3A_138 = arith.muli %sub3A_135, %mul3A_137 : vector<16xi32>
      %add3A_139 = arith.addi %mul3A_138, %iota3A : vector<16xi32>
      %and3A_140 = arith.constant 127 : i32
      %and3A_141 = vector.broadcast %and3A_140 : i32 to vector<16xi32>
      %and3A_142 = arith.andi %get3A_125, %and3A_141 : vector<16xi32>
      tpu.vector_store_idx %arg6[%add3A_139, %and3A_142], %broadcast_in_dim3A_1 masked %and3A_133 {add = true} : memref<640x128xf32, #tpu.memory_space<vmem>>[vector<16xi32>, vector<16xi32>], vector<16xf32>, vector<16xi1>
      %get3A_143 = arith.index_cast %while3A_28 : i32 to index
      %get3A_144 = arith.constant 96 : index
      %get3A_145 = tpu.vector_load %arg5[%get3A_143, %get3A_144] {strides = array<i32>} : memref<80x128xi32, #tpu.memory_space<vmem>>, vector<16xi32>,
      %shift_right_logical3A_146 = arith.constant 7 : i32
      %shift_right_logical3A_147 = vector.broadcast %shift_right_logical3A_146 : i32 to vector<16xi32>
      %shift_right_logical3A_148 = arith.shrui %get3A_145, %shift_right_logical3A_147 : vector<16xi32>
      %ge3A_149 = vector.broadcast %while3A_15 : i32 to vector<16xi32>
      %ge3A_150 = arith.cmpi sge, %shift_right_logical3A_148, %ge3A_149 : vector<16xi32>
      %lt3A_151 = vector.broadcast %while3A_16 : i32 to vector<16xi32>
      %lt3A_152 = arith.cmpi slt, %shift_right_logical3A_148, %lt3A_151 : vector<16xi32>
      %and3A_153 = arith.andi %ge3A_150, %lt3A_152 : vector<16xi1>
      %sub3A_154 = vector.broadcast %while3A_15 : i32 to vector<16xi32>
      %sub3A_155 = arith.subi %shift_right_logical3A_148, %sub3A_154 : vector<16xi32>
      %mul3A_156 = arith.constant 16 : i32
      %mul3A_157 = vector.broadcast %mul3A_156 : i32 to vector<16xi32>
      %mul3A_158 = arith.muli %sub3A_155, %mul3A_157 : vector<16xi32>
      %add3A_159 = arith.addi %mul3A_158, %iota3A : vector<16xi32>
      %and3A_160 = arith.constant 127 : i32
      %and3A_161 = vector.broadcast %and3A_160 : i32 to vector<16xi32>
      %and3A_162 = arith.andi %get3A_145, %and3A_161 : vector<16xi32>
      tpu.vector_store_idx %arg6[%add3A_159, %and3A_162], %broadcast_in_dim3A_1 masked %and3A_153 {add = true} : memref<640x128xf32, #tpu.memory_space<vmem>>[vector<16xi32>, vector<16xi32>], vector<16xf32>, vector<16xi1>
      %get3A_163 = arith.index_cast %while3A_28 : i32 to index
      %get3A_164 = arith.constant 112 : index
      %get3A_165 = tpu.vector_load %arg5[%get3A_163, %get3A_164] {strides = array<i32>} : memref<80x128xi32, #tpu.memory_space<vmem>>, vector<16xi32>,
      %shift_right_logical3A_166 = arith.constant 7 : i32
      %shift_right_logical3A_167 = vector.broadcast %shift_right_logical3A_166 : i32 to vector<16xi32>
      %shift_right_logical3A_168 = arith.shrui %get3A_165, %shift_right_logical3A_167 : vector<16xi32>
      %ge3A_169 = vector.broadcast %while3A_15 : i32 to vector<16xi32>
      %ge3A_170 = arith.cmpi sge, %shift_right_logical3A_168, %ge3A_169 : vector<16xi32>
      %lt3A_171 = vector.broadcast %while3A_16 : i32 to vector<16xi32>
      %lt3A_172 = arith.cmpi slt, %shift_right_logical3A_168, %lt3A_171 : vector<16xi32>
      %and3A_173 = arith.andi %ge3A_170, %lt3A_172 : vector<16xi1>
      %sub3A_174 = vector.broadcast %while3A_15 : i32 to vector<16xi32>
      %sub3A_175 = arith.subi %shift_right_logical3A_168, %sub3A_174 : vector<16xi32>
      %mul3A_176 = arith.constant 16 : i32
      %mul3A_177 = vector.broadcast %mul3A_176 : i32 to vector<16xi32>
      %mul3A_178 = arith.muli %sub3A_175, %mul3A_177 : vector<16xi32>
      %add3A_179 = arith.addi %mul3A_178, %iota3A : vector<16xi32>
      %and3A_180 = arith.constant 127 : i32
      %and3A_181 = vector.broadcast %and3A_180 : i32 to vector<16xi32>
      %and3A_182 = arith.andi %get3A_165, %and3A_181 : vector<16xi32>
      tpu.vector_store_idx %arg6[%add3A_179, %and3A_182], %broadcast_in_dim3A_1 masked %and3A_173 {add = true} : memref<640x128xf32, #tpu.memory_space<vmem>>[vector<16xi32>, vector<16xi32>], vector<16xf32>, vector<16xi1>
    }
    %while3A_26 = arith.constant 1 : i32
    scf.for %while3A_28 = %while3A_24 to %while3A_20 step %while3A_26  : i32 {
      %get3A = arith.index_cast %while3A_28 : i32 to index
      %get3A_29 = arith.constant 0 : index
      %get3A_30 = tpu.vector_load %arg5[%get3A, %get3A_29] {strides = array<i32>} : memref<80x128xi32, #tpu.memory_space<vmem>>, vector<16xi32>,
      %shift_right_logical3A = arith.constant 7 : i32
      %shift_right_logical3A_31 = vector.broadcast %shift_right_logical3A : i32 to vector<16xi32>
      %shift_right_logical3A_32 = arith.shrui %get3A_30, %shift_right_logical3A_31 : vector<16xi32>
      %ge3A = vector.broadcast %while3A_15 : i32 to vector<16xi32>
      %ge3A_33 = arith.cmpi sge, %shift_right_logical3A_32, %ge3A : vector<16xi32>
      %lt3A = vector.broadcast %while3A_16 : i32 to vector<16xi32>
      %lt3A_34 = arith.cmpi slt, %shift_right_logical3A_32, %lt3A : vector<16xi32>
      %and3A = arith.andi %ge3A_33, %lt3A_34 : vector<16xi1>
      %sub3A = vector.broadcast %while3A_15 : i32 to vector<16xi32>
      %sub3A_35 = arith.subi %shift_right_logical3A_32, %sub3A : vector<16xi32>
      %mul3A_36 = arith.constant 16 : i32
      %mul3A_37 = vector.broadcast %mul3A_36 : i32 to vector<16xi32>
      %mul3A_38 = arith.muli %sub3A_35, %mul3A_37 : vector<16xi32>
      %add3A_39 = arith.addi %mul3A_38, %iota3A : vector<16xi32>
      %and3A_40 = arith.constant 127 : i32
      %and3A_41 = vector.broadcast %and3A_40 : i32 to vector<16xi32>
      %and3A_42 = arith.andi %get3A_30, %and3A_41 : vector<16xi32>
      tpu.vector_store_idx %arg6[%add3A_39, %and3A_42], %broadcast_in_dim3A_1 masked %and3A {add = true} : memref<640x128xf32, #tpu.memory_space<vmem>>[vector<16xi32>, vector<16xi32>], vector<16xf32>, vector<16xi1>
      %get3A_43 = arith.index_cast %while3A_28 : i32 to index
      %get3A_44 = arith.constant 16 : index
      %get3A_45 = tpu.vector_load %arg5[%get3A_43, %get3A_44] {strides = array<i32>} : memref<80x128xi32, #tpu.memory_space<vmem>>, vector<16xi32>,
      %shift_right_logical3A_46 = arith.constant 7 : i32
      %shift_right_logical3A_47 = vector.broadcast %shift_right_logical3A_46 : i32 to vector<16xi32>
      %shift_right_logical3A_48 = arith.shrui %get3A_45, %shift_right_logical3A_47 : vector<16xi32>
      %ge3A_49 = vector.broadcast %while3A_15 : i32 to vector<16xi32>
      %ge3A_50 = arith.cmpi sge, %shift_right_logical3A_48, %ge3A_49 : vector<16xi32>
      %lt3A_51 = vector.broadcast %while3A_16 : i32 to vector<16xi32>
      %lt3A_52 = arith.cmpi slt, %shift_right_logical3A_48, %lt3A_51 : vector<16xi32>
      %and3A_53 = arith.andi %ge3A_50, %lt3A_52 : vector<16xi1>
      %sub3A_54 = vector.broadcast %while3A_15 : i32 to vector<16xi32>
      %sub3A_55 = arith.subi %shift_right_logical3A_48, %sub3A_54 : vector<16xi32>
      %mul3A_56 = arith.constant 16 : i32
      %mul3A_57 = vector.broadcast %mul3A_56 : i32 to vector<16xi32>
      %mul3A_58 = arith.muli %sub3A_55, %mul3A_57 : vector<16xi32>
      %add3A_59 = arith.addi %mul3A_58, %iota3A : vector<16xi32>
      %and3A_60 = arith.constant 127 : i32
      %and3A_61 = vector.broadcast %and3A_60 : i32 to vector<16xi32>
      %and3A_62 = arith.andi %get3A_45, %and3A_61 : vector<16xi32>
      tpu.vector_store_idx %arg6[%add3A_59, %and3A_62], %broadcast_in_dim3A_1 masked %and3A_53 {add = true} : memref<640x128xf32, #tpu.memory_space<vmem>>[vector<16xi32>, vector<16xi32>], vector<16xf32>, vector<16xi1>
      %get3A_63 = arith.index_cast %while3A_28 : i32 to index
      %get3A_64 = arith.constant 32 : index
      %get3A_65 = tpu.vector_load %arg5[%get3A_63, %get3A_64] {strides = array<i32>} : memref<80x128xi32, #tpu.memory_space<vmem>>, vector<16xi32>,
      %shift_right_logical3A_66 = arith.constant 7 : i32
      %shift_right_logical3A_67 = vector.broadcast %shift_right_logical3A_66 : i32 to vector<16xi32>
      %shift_right_logical3A_68 = arith.shrui %get3A_65, %shift_right_logical3A_67 : vector<16xi32>
      %ge3A_69 = vector.broadcast %while3A_15 : i32 to vector<16xi32>
      %ge3A_70 = arith.cmpi sge, %shift_right_logical3A_68, %ge3A_69 : vector<16xi32>
      %lt3A_71 = vector.broadcast %while3A_16 : i32 to vector<16xi32>
      %lt3A_72 = arith.cmpi slt, %shift_right_logical3A_68, %lt3A_71 : vector<16xi32>
      %and3A_73 = arith.andi %ge3A_70, %lt3A_72 : vector<16xi1>
      %sub3A_74 = vector.broadcast %while3A_15 : i32 to vector<16xi32>
      %sub3A_75 = arith.subi %shift_right_logical3A_68, %sub3A_74 : vector<16xi32>
      %mul3A_76 = arith.constant 16 : i32
      %mul3A_77 = vector.broadcast %mul3A_76 : i32 to vector<16xi32>
      %mul3A_78 = arith.muli %sub3A_75, %mul3A_77 : vector<16xi32>
      %add3A_79 = arith.addi %mul3A_78, %iota3A : vector<16xi32>
      %and3A_80 = arith.constant 127 : i32
      %and3A_81 = vector.broadcast %and3A_80 : i32 to vector<16xi32>
      %and3A_82 = arith.andi %get3A_65, %and3A_81 : vector<16xi32>
      tpu.vector_store_idx %arg6[%add3A_79, %and3A_82], %broadcast_in_dim3A_1 masked %and3A_73 {add = true} : memref<640x128xf32, #tpu.memory_space<vmem>>[vector<16xi32>, vector<16xi32>], vector<16xf32>, vector<16xi1>
      %get3A_83 = arith.index_cast %while3A_28 : i32 to index
      %get3A_84 = arith.constant 48 : index
      %get3A_85 = tpu.vector_load %arg5[%get3A_83, %get3A_84] {strides = array<i32>} : memref<80x128xi32, #tpu.memory_space<vmem>>, vector<16xi32>,
      %shift_right_logical3A_86 = arith.constant 7 : i32
      %shift_right_logical3A_87 = vector.broadcast %shift_right_logical3A_86 : i32 to vector<16xi32>
      %shift_right_logical3A_88 = arith.shrui %get3A_85, %shift_right_logical3A_87 : vector<16xi32>
      %ge3A_89 = vector.broadcast %while3A_15 : i32 to vector<16xi32>
      %ge3A_90 = arith.cmpi sge, %shift_right_logical3A_88, %ge3A_89 : vector<16xi32>
      %lt3A_91 = vector.broadcast %while3A_16 : i32 to vector<16xi32>
      %lt3A_92 = arith.cmpi slt, %shift_right_logical3A_88, %lt3A_91 : vector<16xi32>
      %and3A_93 = arith.andi %ge3A_90, %lt3A_92 : vector<16xi1>
      %sub3A_94 = vector.broadcast %while3A_15 : i32 to vector<16xi32>
      %sub3A_95 = arith.subi %shift_right_logical3A_88, %sub3A_94 : vector<16xi32>
      %mul3A_96 = arith.constant 16 : i32
      %mul3A_97 = vector.broadcast %mul3A_96 : i32 to vector<16xi32>
      %mul3A_98 = arith.muli %sub3A_95, %mul3A_97 : vector<16xi32>
      %add3A_99 = arith.addi %mul3A_98, %iota3A : vector<16xi32>
      %and3A_100 = arith.constant 127 : i32
      %and3A_101 = vector.broadcast %and3A_100 : i32 to vector<16xi32>
      %and3A_102 = arith.andi %get3A_85, %and3A_101 : vector<16xi32>
      tpu.vector_store_idx %arg6[%add3A_99, %and3A_102], %broadcast_in_dim3A_1 masked %and3A_93 {add = true} : memref<640x128xf32, #tpu.memory_space<vmem>>[vector<16xi32>, vector<16xi32>], vector<16xf32>, vector<16xi1>
      %get3A_103 = arith.index_cast %while3A_28 : i32 to index
      %get3A_104 = arith.constant 64 : index
      %get3A_105 = tpu.vector_load %arg5[%get3A_103, %get3A_104] {strides = array<i32>} : memref<80x128xi32, #tpu.memory_space<vmem>>, vector<16xi32>,
      %shift_right_logical3A_106 = arith.constant 7 : i32
      %shift_right_logical3A_107 = vector.broadcast %shift_right_logical3A_106 : i32 to vector<16xi32>
      %shift_right_logical3A_108 = arith.shrui %get3A_105, %shift_right_logical3A_107 : vector<16xi32>
      %ge3A_109 = vector.broadcast %while3A_15 : i32 to vector<16xi32>
      %ge3A_110 = arith.cmpi sge, %shift_right_logical3A_108, %ge3A_109 : vector<16xi32>
      %lt3A_111 = vector.broadcast %while3A_16 : i32 to vector<16xi32>
      %lt3A_112 = arith.cmpi slt, %shift_right_logical3A_108, %lt3A_111 : vector<16xi32>
      %and3A_113 = arith.andi %ge3A_110, %lt3A_112 : vector<16xi1>
      %sub3A_114 = vector.broadcast %while3A_15 : i32 to vector<16xi32>
      %sub3A_115 = arith.subi %shift_right_logical3A_108, %sub3A_114 : vector<16xi32>
      %mul3A_116 = arith.constant 16 : i32
      %mul3A_117 = vector.broadcast %mul3A_116 : i32 to vector<16xi32>
      %mul3A_118 = arith.muli %sub3A_115, %mul3A_117 : vector<16xi32>
      %add3A_119 = arith.addi %mul3A_118, %iota3A : vector<16xi32>
      %and3A_120 = arith.constant 127 : i32
      %and3A_121 = vector.broadcast %and3A_120 : i32 to vector<16xi32>
      %and3A_122 = arith.andi %get3A_105, %and3A_121 : vector<16xi32>
      tpu.vector_store_idx %arg6[%add3A_119, %and3A_122], %broadcast_in_dim3A_1 masked %and3A_113 {add = true} : memref<640x128xf32, #tpu.memory_space<vmem>>[vector<16xi32>, vector<16xi32>], vector<16xf32>, vector<16xi1>
      %get3A_123 = arith.index_cast %while3A_28 : i32 to index
      %get3A_124 = arith.constant 80 : index
      %get3A_125 = tpu.vector_load %arg5[%get3A_123, %get3A_124] {strides = array<i32>} : memref<80x128xi32, #tpu.memory_space<vmem>>, vector<16xi32>,
      %shift_right_logical3A_126 = arith.constant 7 : i32
      %shift_right_logical3A_127 = vector.broadcast %shift_right_logical3A_126 : i32 to vector<16xi32>
      %shift_right_logical3A_128 = arith.shrui %get3A_125, %shift_right_logical3A_127 : vector<16xi32>
      %ge3A_129 = vector.broadcast %while3A_15 : i32 to vector<16xi32>
      %ge3A_130 = arith.cmpi sge, %shift_right_logical3A_128, %ge3A_129 : vector<16xi32>
      %lt3A_131 = vector.broadcast %while3A_16 : i32 to vector<16xi32>
      %lt3A_132 = arith.cmpi slt, %shift_right_logical3A_128, %lt3A_131 : vector<16xi32>
      %and3A_133 = arith.andi %ge3A_130, %lt3A_132 : vector<16xi1>
      %sub3A_134 = vector.broadcast %while3A_15 : i32 to vector<16xi32>
      %sub3A_135 = arith.subi %shift_right_logical3A_128, %sub3A_134 : vector<16xi32>
      %mul3A_136 = arith.constant 16 : i32
      %mul3A_137 = vector.broadcast %mul3A_136 : i32 to vector<16xi32>
      %mul3A_138 = arith.muli %sub3A_135, %mul3A_137 : vector<16xi32>
      %add3A_139 = arith.addi %mul3A_138, %iota3A : vector<16xi32>
      %and3A_140 = arith.constant 127 : i32
      %and3A_141 = vector.broadcast %and3A_140 : i32 to vector<16xi32>
      %and3A_142 = arith.andi %get3A_125, %and3A_141 : vector<16xi32>
      tpu.vector_store_idx %arg6[%add3A_139, %and3A_142], %broadcast_in_dim3A_1 masked %and3A_133 {add = true} : memref<640x128xf32, #tpu.memory_space<vmem>>[vector<16xi32>, vector<16xi32>], vector<16xf32>, vector<16xi1>
      %get3A_143 = arith.index_cast %while3A_28 : i32 to index
      %get3A_144 = arith.constant 96 : index
      %get3A_145 = tpu.vector_load %arg5[%get3A_143, %get3A_144] {strides = array<i32>} : memref<80x128xi32, #tpu.memory_space<vmem>>, vector<16xi32>,
      %shift_right_logical3A_146 = arith.constant 7 : i32
      %shift_right_logical3A_147 = vector.broadcast %shift_right_logical3A_146 : i32 to vector<16xi32>
      %shift_right_logical3A_148 = arith.shrui %get3A_145, %shift_right_logical3A_147 : vector<16xi32>
      %ge3A_149 = vector.broadcast %while3A_15 : i32 to vector<16xi32>
      %ge3A_150 = arith.cmpi sge, %shift_right_logical3A_148, %ge3A_149 : vector<16xi32>
      %lt3A_151 = vector.broadcast %while3A_16 : i32 to vector<16xi32>
      %lt3A_152 = arith.cmpi slt, %shift_right_logical3A_148, %lt3A_151 : vector<16xi32>
      %and3A_153 = arith.andi %ge3A_150, %lt3A_152 : vector<16xi1>
      %sub3A_154 = vector.broadcast %while3A_15 : i32 to vector<16xi32>
      %sub3A_155 = arith.subi %shift_right_logical3A_148, %sub3A_154 : vector<16xi32>
      %mul3A_156 = arith.constant 16 : i32
      %mul3A_157 = vector.broadcast %mul3A_156 : i32 to vector<16xi32>
      %mul3A_158 = arith.muli %sub3A_155, %mul3A_157 : vector<16xi32>
      %add3A_159 = arith.addi %mul3A_158, %iota3A : vector<16xi32>
      %and3A_160 = arith.constant 127 : i32
      %and3A_161 = vector.broadcast %and3A_160 : i32 to vector<16xi32>
      %and3A_162 = arith.andi %get3A_145, %and3A_161 : vector<16xi32>
      tpu.vector_store_idx %arg6[%add3A_159, %and3A_162], %broadcast_in_dim3A_1 masked %and3A_153 {add = true} : memref<640x128xf32, #tpu.memory_space<vmem>>[vector<16xi32>, vector<16xi32>], vector<16xf32>, vector<16xi1>
      %get3A_163 = arith.index_cast %while3A_28 : i32 to index
      %get3A_164 = arith.constant 112 : index
      %get3A_165 = tpu.vector_load %arg5[%get3A_163, %get3A_164] {strides = array<i32>} : memref<80x128xi32, #tpu.memory_space<vmem>>, vector<16xi32>,
      %shift_right_logical3A_166 = arith.constant 7 : i32
      %shift_right_logical3A_167 = vector.broadcast %shift_right_logical3A_166 : i32 to vector<16xi32>
      %shift_right_logical3A_168 = arith.shrui %get3A_165, %shift_right_logical3A_167 : vector<16xi32>
      %ge3A_169 = vector.broadcast %while3A_15 : i32 to vector<16xi32>
      %ge3A_170 = arith.cmpi sge, %shift_right_logical3A_168, %ge3A_169 : vector<16xi32>
      %lt3A_171 = vector.broadcast %while3A_16 : i32 to vector<16xi32>
      %lt3A_172 = arith.cmpi slt, %shift_right_logical3A_168, %lt3A_171 : vector<16xi32>
      %and3A_173 = arith.andi %ge3A_170, %lt3A_172 : vector<16xi1>
      %sub3A_174 = vector.broadcast %while3A_15 : i32 to vector<16xi32>
      %sub3A_175 = arith.subi %shift_right_logical3A_168, %sub3A_174 : vector<16xi32>
      %mul3A_176 = arith.constant 16 : i32
      %mul3A_177 = vector.broadcast %mul3A_176 : i32 to vector<16xi32>
      %mul3A_178 = arith.muli %sub3A_175, %mul3A_177 : vector<16xi32>
      %add3A_179 = arith.addi %mul3A_178, %iota3A : vector<16xi32>
      %and3A_180 = arith.constant 127 : i32
      %and3A_181 = vector.broadcast %and3A_180 : i32 to vector<16xi32>
      %and3A_182 = arith.andi %get3A_165, %and3A_181 : vector<16xi32>
      tpu.vector_store_idx %arg6[%add3A_179, %and3A_182], %broadcast_in_dim3A_1 masked %and3A_173 {add = true} : memref<640x128xf32, #tpu.memory_space<vmem>>[vector<16xi32>, vector<16xi32>], vector<16xf32>, vector<16xi1>
    }
    %run_scoped3A_27 = arith.constant 1 : i32
    "tpu.region"() ({
      %run_scoped3A_28 = tpu.sem_alloc : memref<!tpu.dma_semaphore, #tpu.memory_space<semaphore_mem>>
      %dma_start3A = arith.constant 0 : i32
      %dma_start3A_29 = arith.constant 0 : i32
      %dma_start3A_30 = tpu.memref_slice %arg4[%add3A, %run_scoped3A_27, %dma_start3A, %dma_start3A_29] : memref<32x2x640x128xf32, #tpu.memory_space<hbm>> -> memref<1x1x640x128xf32, #tpu.memory_space<hbm>>
      %dma_start3A_31 = tpu.memref_squeeze %dma_start3A_30 : memref<1x1x640x128xf32, #tpu.memory_space<hbm>> -> memref<640x128xf32, #tpu.memory_space<hbm>>
      %dma_start3A_32 = arith.constant 0 : i32
      %dma_start3A_33 = arith.constant 0 : i32
      %dma_start3A_34 = tpu.memref_slice %arg4[%add3A, %run_scoped3A_27, %dma_start3A_32, %dma_start3A_33] : memref<32x2x640x128xf32, #tpu.memory_space<hbm>> -> memref<1x1x640x128xf32, #tpu.memory_space<hbm>>
      %dma_start3A_35 = tpu.memref_squeeze %dma_start3A_34 : memref<1x1x640x128xf32, #tpu.memory_space<hbm>> -> memref<640x128xf32, #tpu.memory_space<hbm>>
      tpu.enqueue_dma source(%arg6 : memref<640x128xf32, #tpu.memory_space<vmem>>) target(%dma_start3A_35 : memref<640x128xf32, #tpu.memory_space<hbm>>) target_semaphore(%run_scoped3A_28 : memref<!tpu.dma_semaphore, #tpu.memory_space<semaphore_mem>>)
      %dma_wait3A = arith.constant 0 : i32
      %dma_wait3A_36 = arith.constant 0 : i32
      %dma_wait3A_37 = tpu.memref_slice %arg4[%add3A, %run_scoped3A_27, %dma_wait3A, %dma_wait3A_36] : memref<32x2x640x128xf32, #tpu.memory_space<hbm>> -> memref<1x1x640x128xf32, #tpu.memory_space<hbm>>
      %dma_wait3A_38 = tpu.memref_squeeze %dma_wait3A_37 : memref<1x1x640x128xf32, #tpu.memory_space<hbm>> -> memref<640x128xf32, #tpu.memory_space<hbm>>
      %dma_wait3A_39 = arith.constant 0 : i32
      %dma_wait3A_40 = arith.constant 0 : i32
      %dma_wait3A_41 = tpu.memref_slice %arg4[%add3A, %run_scoped3A_27, %dma_wait3A_39, %dma_wait3A_40] : memref<32x2x640x128xf32, #tpu.memory_space<hbm>> -> memref<1x1x640x128xf32, #tpu.memory_space<hbm>>
      %dma_wait3A_42 = tpu.memref_squeeze %dma_wait3A_41 : memref<1x1x640x128xf32, #tpu.memory_space<hbm>> -> memref<640x128xf32, #tpu.memory_space<hbm>>
      tpu.wait_dma2 semaphore(%run_scoped3A_28 : memref<!tpu.dma_semaphore, #tpu.memory_space<semaphore_mem>>) src(%arg6 : memref<640x128xf32, #tpu.memory_space<vmem>>) dst(%dma_wait3A_42 : memref<640x128xf32, #tpu.memory_space<hbm>>)
      tpu.yield
    }) : () -> ()
    return
  }
}

#map = affine_map<(d0, d1) -> (0, 0, 0)>
#map1 = affine_map<(d0, d1) -> (0, 0)>
module attributes {stable_mosaic.version = 14 : i64} {
  func.func @k(%arg0: i32, %arg1: i32, %arg2: memref<32x80x128xi32, #tpu.memory_space<hbm>>, %arg3: memref<32x80x128xi32, #tpu.memory_space<hbm>>, %arg4: memref<10112x128xf32, #tpu.memory_space<hbm>>, %arg5: memref<632x128xf32, #tpu.memory_space<hbm>>, %arg6: memref<2x10112x128xf32, #tpu.memory_space<hbm>>, %arg7: memref<80x128xi32, #tpu.memory_space<vmem>>, %arg8: memref<4x128xi32, #tpu.memory_space<vmem>>, %arg9: memref<4x128xi32, #tpu.memory_space<vmem>>, %arg10: memref<128x128xf32, #tpu.memory_space<vmem>>, %arg11: memref<128x128xf32, #tpu.memory_space<vmem>>, %arg12: memref<10112x128xf32, #tpu.memory_space<vmem_shared>>, %arg13: memref<!tpu.dma_semaphore, #tpu.memory_space<semaphore_mem>>, %arg14: memref<!tpu.dma_semaphore, #tpu.memory_space<semaphore_mem>>, %arg15: memref<!tpu.dma_semaphore, #tpu.memory_space<semaphore_mem>>, %arg16: memref<!tpu.dma_semaphore, #tpu.memory_space<semaphore_mem>>, %arg17: memref<!tpu.dma_semaphore, #tpu.memory_space<semaphore_mem>>) attributes {dimension_semantics = [#tpu.dimension_semantics<core_parallel>, #tpu.dimension_semantics<subcore_parallel>], iteration_bounds = array<i64: 2, 16>, scalar_prefetch = 0 : i64, scratch_operands = 11 : i64, tpu.core_type = #tpu.core_type<sc_vector_subcore>, window_params = [{transform_indices = #map}, {transform_indices = #map}, {transform_indices = #map1}, {transform_indices = #map1}, {transform_indices = #map}]} {
    %mul3A = arith.constant 2 : i32
    %mul3A_0 = arith.muli %arg1, %mul3A : i32
    %add3A = arith.addi %mul3A_0, %arg0 : i32
    %dma_start3A = arith.constant 0 : i32
    %dma_start3A_1 = arith.constant 0 : i32
    %dma_start3A_2 = tpu.memref_slice %arg2[%add3A, %dma_start3A, %dma_start3A_1] : memref<32x80x128xi32, #tpu.memory_space<hbm>> -> memref<1x80x128xi32, #tpu.memory_space<hbm>>
    %dma_start3A_3 = tpu.memref_squeeze %dma_start3A_2 : memref<1x80x128xi32, #tpu.memory_space<hbm>> -> memref<80x128xi32, #tpu.memory_space<hbm>>
    %dma_start3A_4 = arith.constant 0 : i32
    %dma_start3A_5 = arith.constant 0 : i32
    %dma_start3A_6 = tpu.memref_slice %arg2[%add3A, %dma_start3A_4, %dma_start3A_5] : memref<32x80x128xi32, #tpu.memory_space<hbm>> -> memref<1x80x128xi32, #tpu.memory_space<hbm>>
    %dma_start3A_7 = tpu.memref_squeeze %dma_start3A_6 : memref<1x80x128xi32, #tpu.memory_space<hbm>> -> memref<80x128xi32, #tpu.memory_space<hbm>>
    tpu.enqueue_dma source(%dma_start3A_7 : memref<80x128xi32, #tpu.memory_space<hbm>>) target(%arg7 : memref<80x128xi32, #tpu.memory_space<vmem>>) target_semaphore(%arg13 : memref<!tpu.dma_semaphore, #tpu.memory_space<semaphore_mem>>)
    %dma_start3A_8 = arith.constant 0 : i32
    %dma_start3A_9 = arith.constant 0 : i32
    %dma_start3A_10 = tpu.memref_slice %arg3[%add3A, %dma_start3A_8, %dma_start3A_9] : memref<32x80x128xi32, #tpu.memory_space<hbm>> -> memref<1x4x128xi32, #tpu.memory_space<hbm>>
    %dma_start3A_11 = tpu.memref_squeeze %dma_start3A_10 : memref<1x4x128xi32, #tpu.memory_space<hbm>> -> memref<4x128xi32, #tpu.memory_space<hbm>>
    %dma_start3A_12 = arith.constant 0 : i32
    %dma_start3A_13 = tpu.memref_slice %arg3[%add3A, %dma_start3A_8, %dma_start3A_12] : memref<32x80x128xi32, #tpu.memory_space<hbm>> -> memref<1x4x128xi32, #tpu.memory_space<hbm>>
    %dma_start3A_14 = tpu.memref_squeeze %dma_start3A_13 : memref<1x4x128xi32, #tpu.memory_space<hbm>> -> memref<4x128xi32, #tpu.memory_space<hbm>>
    tpu.enqueue_dma source(%dma_start3A_14 : memref<4x128xi32, #tpu.memory_space<hbm>>) target(%arg8 : memref<4x128xi32, #tpu.memory_space<vmem>>) target_semaphore(%arg14 : memref<!tpu.dma_semaphore, #tpu.memory_space<semaphore_mem>>)
    %dma_start3A_15 = arith.constant 4 : i32
    %dma_start3A_16 = arith.constant 0 : i32
    %dma_start3A_17 = tpu.memref_slice %arg3[%add3A, %dma_start3A_15, %dma_start3A_16] : memref<32x80x128xi32, #tpu.memory_space<hbm>> -> memref<1x4x128xi32, #tpu.memory_space<hbm>>
    %dma_start3A_18 = tpu.memref_squeeze %dma_start3A_17 : memref<1x4x128xi32, #tpu.memory_space<hbm>> -> memref<4x128xi32, #tpu.memory_space<hbm>>
    %dma_start3A_19 = arith.constant 0 : i32
    %dma_start3A_20 = tpu.memref_slice %arg3[%add3A, %dma_start3A_15, %dma_start3A_19] : memref<32x80x128xi32, #tpu.memory_space<hbm>> -> memref<1x4x128xi32, #tpu.memory_space<hbm>>
    %dma_start3A_21 = tpu.memref_squeeze %dma_start3A_20 : memref<1x4x128xi32, #tpu.memory_space<hbm>> -> memref<4x128xi32, #tpu.memory_space<hbm>>
    tpu.enqueue_dma source(%dma_start3A_21 : memref<4x128xi32, #tpu.memory_space<hbm>>) target(%arg9 : memref<4x128xi32, #tpu.memory_space<vmem>>) target_semaphore(%arg15 : memref<!tpu.dma_semaphore, #tpu.memory_space<semaphore_mem>>)
    %mul3A_22 = arith.constant 632 : i32
    %mul3A_23 = arith.muli %arg1, %mul3A_22 : i32
    "tpu.region"() ({
      %run_scoped3A = tpu.sem_alloc : memref<!tpu.dma_semaphore, #tpu.memory_space<semaphore_mem>>
      %dma_start3A_53 = arith.constant 0 : i32
      %dma_start3A_54 = tpu.memref_slice %arg12[%mul3A_23, %dma_start3A_53] : memref<10112x128xf32, #tpu.memory_space<vmem_shared>> -> memref<632x128xf32, #tpu.memory_space<vmem_shared>>
      tpu.enqueue_dma source(%arg5 : memref<632x128xf32, #tpu.memory_space<hbm>>) target(%dma_start3A_54 : memref<632x128xf32, #tpu.memory_space<vmem_shared>>) target_semaphore(%run_scoped3A : memref<!tpu.dma_semaphore, #tpu.memory_space<semaphore_mem>>)
      %dma_wait3A_55 = arith.constant 0 : i32
      %dma_wait3A_56 = tpu.memref_slice %arg12[%mul3A_23, %dma_wait3A_55] : memref<10112x128xf32, #tpu.memory_space<vmem_shared>> -> memref<632x128xf32, #tpu.memory_space<vmem_shared>>
      tpu.wait_dma2 semaphore(%run_scoped3A : memref<!tpu.dma_semaphore, #tpu.memory_space<semaphore_mem>>) src(%arg5 : memref<632x128xf32, #tpu.memory_space<hbm>>) dst(%dma_wait3A_56 : memref<632x128xf32, #tpu.memory_space<vmem_shared>>)
      tpu.yield
    }) : () -> ()
    %dma_wait3A = arith.constant 0 : i32
    %dma_wait3A_24 = arith.constant 0 : i32
    %dma_wait3A_25 = tpu.memref_slice %arg2[%add3A, %dma_wait3A, %dma_wait3A_24] : memref<32x80x128xi32, #tpu.memory_space<hbm>> -> memref<1x80x128xi32, #tpu.memory_space<hbm>>
    %dma_wait3A_26 = tpu.memref_squeeze %dma_wait3A_25 : memref<1x80x128xi32, #tpu.memory_space<hbm>> -> memref<80x128xi32, #tpu.memory_space<hbm>>
    %dma_wait3A_27 = arith.constant 0 : i32
    %dma_wait3A_28 = arith.constant 0 : i32
    %dma_wait3A_29 = tpu.memref_slice %arg2[%add3A, %dma_wait3A_27, %dma_wait3A_28] : memref<32x80x128xi32, #tpu.memory_space<hbm>> -> memref<1x80x128xi32, #tpu.memory_space<hbm>>
    %dma_wait3A_30 = tpu.memref_squeeze %dma_wait3A_29 : memref<1x80x128xi32, #tpu.memory_space<hbm>> -> memref<80x128xi32, #tpu.memory_space<hbm>>
    tpu.wait_dma2 semaphore(%arg13 : memref<!tpu.dma_semaphore, #tpu.memory_space<semaphore_mem>>) src(%dma_wait3A_30 : memref<80x128xi32, #tpu.memory_space<hbm>>) dst(%arg7 : memref<80x128xi32, #tpu.memory_space<vmem>>)
    %barrier3A = arith.constant 0 : index
    tpu.barrier barrier_id(%barrier3A)
    %dma_start3A_31 = arith.constant 0 : i32
    %dma_start3A_32 = arith.constant 0 : i32
    %dma_start3A_33 = tpu.memref_slice %arg7[%dma_start3A_31, %dma_start3A_32] : memref<80x128xi32, #tpu.memory_space<vmem>> -> memref<1x128xi32, #tpu.memory_space<vmem>>
    %dma_start3A_34 = tpu.memref_squeeze %dma_start3A_33 : memref<1x128xi32, #tpu.memory_space<vmem>> -> memref<128xi32, #tpu.memory_space<vmem>>
    %dma_start3A_35 = arith.constant 0 : i32
    %dma_start3A_36 = arith.constant 0 : i32
    %dma_start3A_37 = tpu.memref_slice %arg4[%dma_start3A_35, %dma_start3A_36] : memref<10112x128xf32, #tpu.memory_space<hbm>> -> memref<10112x128xf32, #tpu.memory_space<hbm>>
    tpu.enqueue_indirect_dma source(%dma_start3A_37 : memref<10112x128xf32, #tpu.memory_space<hbm>>) target(%arg10 : memref<128x128xf32, #tpu.memory_space<vmem>>) offsets(%dma_start3A_34 : memref<128xi32, #tpu.memory_space<vmem>>) semaphore(%arg16 : memref<!tpu.dma_semaphore, #tpu.memory_space<semaphore_mem>>)
    %while3A = arith.constant 0 : i64
    %while3A_38 = arith.constant 0 : i32
    %while3A_39 = arith.constant 10 : i32
    %while3A_40 = arith.subi %while3A_39, %while3A_38 : i32
    %while3A_41 = arith.addi %while3A_38, %while3A_40 : i32
    %while3A_42 = arith.constant 1 : i32
    %while3A_43 = arith.divsi %while3A_40, %while3A_42 : i32
    %while3A_44 = arith.muli %while3A_43, %while3A_42 : i32
    %while3A_45 = arith.addi %while3A_38, %while3A_44 : i32
    %while3A_46 = arith.constant 1 : i32
    scf.for %while3A_53 = %while3A_38 to %while3A_45 step %while3A_46  : i32 {
      %mul3A_54 = arith.constant 2 : i32
      %mul3A_55 = arith.muli %while3A_53, %mul3A_54 : i32
      %add3A_56 = arith.constant 0 : i32
      %add3A_57 = arith.addi %mul3A_55, %add3A_56 : i32
      %mul3A_58 = arith.constant 4 : i32
      %mul3A_59 = arith.muli %add3A_57, %mul3A_58 : i32
      %dma_wait3A_60 = arith.constant 0 : i32
      %dma_wait3A_61 = arith.constant 0 : i32
      %dma_wait3A_62 = tpu.memref_slice %arg3[%add3A, %dma_wait3A_60, %dma_wait3A_61] : memref<32x80x128xi32, #tpu.memory_space<hbm>> -> memref<1x4x128xi32, #tpu.memory_space<hbm>>
      %dma_wait3A_63 = tpu.memref_squeeze %dma_wait3A_62 : memref<1x4x128xi32, #tpu.memory_space<hbm>> -> memref<4x128xi32, #tpu.memory_space<hbm>>
      %dma_wait3A_64 = arith.constant 0 : i32
      %dma_wait3A_65 = tpu.memref_slice %arg3[%add3A, %dma_wait3A_60, %dma_wait3A_64] : memref<32x80x128xi32, #tpu.memory_space<hbm>> -> memref<1x4x128xi32, #tpu.memory_space<hbm>>
      %dma_wait3A_66 = tpu.memref_squeeze %dma_wait3A_65 : memref<1x4x128xi32, #tpu.memory_space<hbm>> -> memref<4x128xi32, #tpu.memory_space<hbm>>
      tpu.wait_dma2 semaphore(%arg14 : memref<!tpu.dma_semaphore, #tpu.memory_space<semaphore_mem>>) src(%dma_wait3A_66 : memref<4x128xi32, #tpu.memory_space<hbm>>) dst(%arg8 : memref<4x128xi32, #tpu.memory_space<vmem>>)
      %add3A_67 = arith.constant 0 : i32
      %add3A_68 = arith.addi %mul3A_59, %add3A_67 : i32
      %add3A_69 = arith.constant 1 : i32
      %add3A_70 = arith.addi %add3A_68, %add3A_69 : i32
      %lt3A = arith.constant 80 : i32
      %lt3A_71 = arith.cmpi slt, %add3A_70, %lt3A : i32
      %convert_element_type3A = arith.extui %lt3A_71 : i1 to i32
      %cond3A = arith.constant 0 : i32
      %cond3A_72 = arith.cmpi ne, %convert_element_type3A, %cond3A : i32
      scf.if %cond3A_72 {
        %dma_start3A_218 = arith.constant 0 : i32
        %dma_start3A_219 = tpu.memref_slice %arg7[%add3A_70, %dma_start3A_218] : memref<80x128xi32, #tpu.memory_space<vmem>> -> memref<1x128xi32, #tpu.memory_space<vmem>>
        %dma_start3A_220 = tpu.memref_squeeze %dma_start3A_219 : memref<1x128xi32, #tpu.memory_space<vmem>> -> memref<128xi32, #tpu.memory_space<vmem>>
        %dma_start3A_221 = arith.constant 0 : i32
        %dma_start3A_222 = arith.constant 0 : i32
        %dma_start3A_223 = tpu.memref_slice %arg4[%dma_start3A_221, %dma_start3A_222] : memref<10112x128xf32, #tpu.memory_space<hbm>> -> memref<10112x128xf32, #tpu.memory_space<hbm>>
        tpu.enqueue_indirect_dma source(%dma_start3A_223 : memref<10112x128xf32, #tpu.memory_space<hbm>>) target(%arg11 : memref<128x128xf32, #tpu.memory_space<vmem>>) offsets(%dma_start3A_220 : memref<128xi32, #tpu.memory_space<vmem>>) semaphore(%arg17 : memref<!tpu.dma_semaphore, #tpu.memory_space<semaphore_mem>>)
      } else {
      }
      %dma_wait3A_73 = arith.constant 0 : i32
      %dma_wait3A_74 = tpu.memref_slice %arg7[%add3A_68, %dma_wait3A_73] : memref<80x128xi32, #tpu.memory_space<vmem>> -> memref<1x128xi32, #tpu.memory_space<vmem>>
      %dma_wait3A_75 = tpu.memref_squeeze %dma_wait3A_74 : memref<1x128xi32, #tpu.memory_space<vmem>> -> memref<128xi32, #tpu.memory_space<vmem>>
      %dma_wait3A_76 = arith.constant 0 : i32
      %dma_wait3A_77 = arith.constant 0 : i32
      %dma_wait3A_78 = tpu.memref_slice %arg4[%dma_wait3A_76, %dma_wait3A_77] : memref<10112x128xf32, #tpu.memory_space<hbm>> -> memref<10112x128xf32, #tpu.memory_space<hbm>>
      tpu.wait_indirect_dma semaphore(%arg16 : memref<!tpu.dma_semaphore, #tpu.memory_space<semaphore_mem>>) src(%dma_wait3A_78 : memref<10112x128xf32, #tpu.memory_space<hbm>>) dst(%arg10 : memref<128x128xf32, #tpu.memory_space<vmem>>)
      %run_scoped3A = arith.constant 0 : i32
      "tpu.region"() ({
        %run_scoped3A_218 = tpu.sem_alloc : memref<!tpu.dma_semaphore, #tpu.memory_space<semaphore_mem>>
        %dma_start3A_219 = arith.constant 0 : i32
        %dma_start3A_220 = tpu.memref_slice %arg8[%run_scoped3A, %dma_start3A_219] : memref<4x128xi32, #tpu.memory_space<vmem>> -> memref<1x128xi32, #tpu.memory_space<vmem>>
        %dma_start3A_221 = tpu.memref_squeeze %dma_start3A_220 : memref<1x128xi32, #tpu.memory_space<vmem>> -> memref<128xi32, #tpu.memory_space<vmem>>
        %dma_start3A_222 = arith.constant 0 : i32
        %dma_start3A_223 = arith.constant 0 : i32
        %dma_start3A_224 = tpu.memref_slice %arg12[%dma_start3A_222, %dma_start3A_223] : memref<10112x128xf32, #tpu.memory_space<vmem_shared>> -> memref<10112x128xf32, #tpu.memory_space<vmem_shared>>
        tpu.enqueue_indirect_dma source(%arg10 : memref<128x128xf32, #tpu.memory_space<vmem>>) target(%dma_start3A_224 : memref<10112x128xf32, #tpu.memory_space<vmem_shared>>) offsets(%dma_start3A_221 : memref<128xi32, #tpu.memory_space<vmem>>) semaphore(%run_scoped3A_218 : memref<!tpu.dma_semaphore, #tpu.memory_space<semaphore_mem>>) {add = true}
        %dma_wait3A_225 = arith.constant 0 : i32
        %dma_wait3A_226 = tpu.memref_slice %arg8[%run_scoped3A, %dma_wait3A_225] : memref<4x128xi32, #tpu.memory_space<vmem>> -> memref<1x128xi32, #tpu.memory_space<vmem>>
        %dma_wait3A_227 = tpu.memref_squeeze %dma_wait3A_226 : memref<1x128xi32, #tpu.memory_space<vmem>> -> memref<128xi32, #tpu.memory_space<vmem>>
        %dma_wait3A_228 = arith.constant 0 : i32
        %dma_wait3A_229 = arith.constant 0 : i32
        %dma_wait3A_230 = tpu.memref_slice %arg12[%dma_wait3A_228, %dma_wait3A_229] : memref<10112x128xf32, #tpu.memory_space<vmem_shared>> -> memref<10112x128xf32, #tpu.memory_space<vmem_shared>>
        tpu.wait_indirect_dma semaphore(%run_scoped3A_218 : memref<!tpu.dma_semaphore, #tpu.memory_space<semaphore_mem>>) src(%arg10 : memref<128x128xf32, #tpu.memory_space<vmem>>) dst(%dma_wait3A_230 : memref<10112x128xf32, #tpu.memory_space<vmem_shared>>)
        tpu.yield
      }) : () -> ()
      %add3A_79 = arith.constant 1 : i32
      %add3A_80 = arith.addi %mul3A_59, %add3A_79 : i32
      %add3A_81 = arith.constant 1 : i32
      %add3A_82 = arith.addi %add3A_80, %add3A_81 : i32
      %lt3A_83 = arith.constant 80 : i32
      %lt3A_84 = arith.cmpi slt, %add3A_82, %lt3A_83 : i32
      %convert_element_type3A_85 = arith.extui %lt3A_84 : i1 to i32
      %cond3A_86 = arith.constant 0 : i32
      %cond3A_87 = arith.cmpi ne, %convert_element_type3A_85, %cond3A_86 : i32
      scf.if %cond3A_87 {
        %dma_start3A_218 = arith.constant 0 : i32
        %dma_start3A_219 = tpu.memref_slice %arg7[%add3A_82, %dma_start3A_218] : memref<80x128xi32, #tpu.memory_space<vmem>> -> memref<1x128xi32, #tpu.memory_space<vmem>>
        %dma_start3A_220 = tpu.memref_squeeze %dma_start3A_219 : memref<1x128xi32, #tpu.memory_space<vmem>> -> memref<128xi32, #tpu.memory_space<vmem>>
        %dma_start3A_221 = arith.constant 0 : i32
        %dma_start3A_222 = arith.constant 0 : i32
        %dma_start3A_223 = tpu.memref_slice %arg4[%dma_start3A_221, %dma_start3A_222] : memref<10112x128xf32, #tpu.memory_space<hbm>> -> memref<10112x128xf32, #tpu.memory_space<hbm>>
        tpu.enqueue_indirect_dma source(%dma_start3A_223 : memref<10112x128xf32, #tpu.memory_space<hbm>>) target(%arg10 : memref<128x128xf32, #tpu.memory_space<vmem>>) offsets(%dma_start3A_220 : memref<128xi32, #tpu.memory_space<vmem>>) semaphore(%arg16 : memref<!tpu.dma_semaphore, #tpu.memory_space<semaphore_mem>>)
      } else {
      }
      %dma_wait3A_88 = arith.constant 0 : i32
      %dma_wait3A_89 = tpu.memref_slice %arg7[%add3A_80, %dma_wait3A_88] : memref<80x128xi32, #tpu.memory_space<vmem>> -> memref<1x128xi32, #tpu.memory_space<vmem>>
      %dma_wait3A_90 = tpu.memref_squeeze %dma_wait3A_89 : memref<1x128xi32, #tpu.memory_space<vmem>> -> memref<128xi32, #tpu.memory_space<vmem>>
      %dma_wait3A_91 = arith.constant 0 : i32
      %dma_wait3A_92 = arith.constant 0 : i32
      %dma_wait3A_93 = tpu.memref_slice %arg4[%dma_wait3A_91, %dma_wait3A_92] : memref<10112x128xf32, #tpu.memory_space<hbm>> -> memref<10112x128xf32, #tpu.memory_space<hbm>>
      tpu.wait_indirect_dma semaphore(%arg17 : memref<!tpu.dma_semaphore, #tpu.memory_space<semaphore_mem>>) src(%dma_wait3A_93 : memref<10112x128xf32, #tpu.memory_space<hbm>>) dst(%arg11 : memref<128x128xf32, #tpu.memory_space<vmem>>)
      %run_scoped3A_94 = arith.constant 1 : i32
      "tpu.region"() ({
        %run_scoped3A_218 = tpu.sem_alloc : memref<!tpu.dma_semaphore, #tpu.memory_space<semaphore_mem>>
        %dma_start3A_219 = arith.constant 0 : i32
        %dma_start3A_220 = tpu.memref_slice %arg8[%run_scoped3A_94, %dma_start3A_219] : memref<4x128xi32, #tpu.memory_space<vmem>> -> memref<1x128xi32, #tpu.memory_space<vmem>>
        %dma_start3A_221 = tpu.memref_squeeze %dma_start3A_220 : memref<1x128xi32, #tpu.memory_space<vmem>> -> memref<128xi32, #tpu.memory_space<vmem>>
        %dma_start3A_222 = arith.constant 0 : i32
        %dma_start3A_223 = arith.constant 0 : i32
        %dma_start3A_224 = tpu.memref_slice %arg12[%dma_start3A_222, %dma_start3A_223] : memref<10112x128xf32, #tpu.memory_space<vmem_shared>> -> memref<10112x128xf32, #tpu.memory_space<vmem_shared>>
        tpu.enqueue_indirect_dma source(%arg11 : memref<128x128xf32, #tpu.memory_space<vmem>>) target(%dma_start3A_224 : memref<10112x128xf32, #tpu.memory_space<vmem_shared>>) offsets(%dma_start3A_221 : memref<128xi32, #tpu.memory_space<vmem>>) semaphore(%run_scoped3A_218 : memref<!tpu.dma_semaphore, #tpu.memory_space<semaphore_mem>>) {add = true}
        %dma_wait3A_225 = arith.constant 0 : i32
        %dma_wait3A_226 = tpu.memref_slice %arg8[%run_scoped3A_94, %dma_wait3A_225] : memref<4x128xi32, #tpu.memory_space<vmem>> -> memref<1x128xi32, #tpu.memory_space<vmem>>
        %dma_wait3A_227 = tpu.memref_squeeze %dma_wait3A_226 : memref<1x128xi32, #tpu.memory_space<vmem>> -> memref<128xi32, #tpu.memory_space<vmem>>
        %dma_wait3A_228 = arith.constant 0 : i32
        %dma_wait3A_229 = arith.constant 0 : i32
        %dma_wait3A_230 = tpu.memref_slice %arg12[%dma_wait3A_228, %dma_wait3A_229] : memref<10112x128xf32, #tpu.memory_space<vmem_shared>> -> memref<10112x128xf32, #tpu.memory_space<vmem_shared>>
        tpu.wait_indirect_dma semaphore(%run_scoped3A_218 : memref<!tpu.dma_semaphore, #tpu.memory_space<semaphore_mem>>) src(%arg11 : memref<128x128xf32, #tpu.memory_space<vmem>>) dst(%dma_wait3A_230 : memref<10112x128xf32, #tpu.memory_space<vmem_shared>>)
        tpu.yield
      }) : () -> ()
      %add3A_95 = arith.constant 2 : i32
      %add3A_96 = arith.addi %mul3A_59, %add3A_95 : i32
      %add3A_97 = arith.constant 1 : i32
      %add3A_98 = arith.addi %add3A_96, %add3A_97 : i32
      %lt3A_99 = arith.constant 80 : i32
      %lt3A_100 = arith.cmpi slt, %add3A_98, %lt3A_99 : i32
      %convert_element_type3A_101 = arith.extui %lt3A_100 : i1 to i32
      %cond3A_102 = arith.constant 0 : i32
      %cond3A_103 = arith.cmpi ne, %convert_element_type3A_101, %cond3A_102 : i32
      scf.if %cond3A_103 {
        %dma_start3A_218 = arith.constant 0 : i32
        %dma_start3A_219 = tpu.memref_slice %arg7[%add3A_98, %dma_start3A_218] : memref<80x128xi32, #tpu.memory_space<vmem>> -> memref<1x128xi32, #tpu.memory_space<vmem>>
        %dma_start3A_220 = tpu.memref_squeeze %dma_start3A_219 : memref<1x128xi32, #tpu.memory_space<vmem>> -> memref<128xi32, #tpu.memory_space<vmem>>
        %dma_start3A_221 = arith.constant 0 : i32
        %dma_start3A_222 = arith.constant 0 : i32
        %dma_start3A_223 = tpu.memref_slice %arg4[%dma_start3A_221, %dma_start3A_222] : memref<10112x128xf32, #tpu.memory_space<hbm>> -> memref<10112x128xf32, #tpu.memory_space<hbm>>
        tpu.enqueue_indirect_dma source(%dma_start3A_223 : memref<10112x128xf32, #tpu.memory_space<hbm>>) target(%arg11 : memref<128x128xf32, #tpu.memory_space<vmem>>) offsets(%dma_start3A_220 : memref<128xi32, #tpu.memory_space<vmem>>) semaphore(%arg17 : memref<!tpu.dma_semaphore, #tpu.memory_space<semaphore_mem>>)
      } else {
      }
      %dma_wait3A_104 = arith.constant 0 : i32
      %dma_wait3A_105 = tpu.memref_slice %arg7[%add3A_96, %dma_wait3A_104] : memref<80x128xi32, #tpu.memory_space<vmem>> -> memref<1x128xi32, #tpu.memory_space<vmem>>
      %dma_wait3A_106 = tpu.memref_squeeze %dma_wait3A_105 : memref<1x128xi32, #tpu.memory_space<vmem>> -> memref<128xi32, #tpu.memory_space<vmem>>
      %dma_wait3A_107 = arith.constant 0 : i32
      %dma_wait3A_108 = arith.constant 0 : i32
      %dma_wait3A_109 = tpu.memref_slice %arg4[%dma_wait3A_107, %dma_wait3A_108] : memref<10112x128xf32, #tpu.memory_space<hbm>> -> memref<10112x128xf32, #tpu.memory_space<hbm>>
      tpu.wait_indirect_dma semaphore(%arg16 : memref<!tpu.dma_semaphore, #tpu.memory_space<semaphore_mem>>) src(%dma_wait3A_109 : memref<10112x128xf32, #tpu.memory_space<hbm>>) dst(%arg10 : memref<128x128xf32, #tpu.memory_space<vmem>>)
      %run_scoped3A_110 = arith.constant 2 : i32
      "tpu.region"() ({
        %run_scoped3A_218 = tpu.sem_alloc : memref<!tpu.dma_semaphore, #tpu.memory_space<semaphore_mem>>
        %dma_start3A_219 = arith.constant 0 : i32
        %dma_start3A_220 = tpu.memref_slice %arg8[%run_scoped3A_110, %dma_start3A_219] : memref<4x128xi32, #tpu.memory_space<vmem>> -> memref<1x128xi32, #tpu.memory_space<vmem>>
        %dma_start3A_221 = tpu.memref_squeeze %dma_start3A_220 : memref<1x128xi32, #tpu.memory_space<vmem>> -> memref<128xi32, #tpu.memory_space<vmem>>
        %dma_start3A_222 = arith.constant 0 : i32
        %dma_start3A_223 = arith.constant 0 : i32
        %dma_start3A_224 = tpu.memref_slice %arg12[%dma_start3A_222, %dma_start3A_223] : memref<10112x128xf32, #tpu.memory_space<vmem_shared>> -> memref<10112x128xf32, #tpu.memory_space<vmem_shared>>
        tpu.enqueue_indirect_dma source(%arg10 : memref<128x128xf32, #tpu.memory_space<vmem>>) target(%dma_start3A_224 : memref<10112x128xf32, #tpu.memory_space<vmem_shared>>) offsets(%dma_start3A_221 : memref<128xi32, #tpu.memory_space<vmem>>) semaphore(%run_scoped3A_218 : memref<!tpu.dma_semaphore, #tpu.memory_space<semaphore_mem>>) {add = true}
        %dma_wait3A_225 = arith.constant 0 : i32
        %dma_wait3A_226 = tpu.memref_slice %arg8[%run_scoped3A_110, %dma_wait3A_225] : memref<4x128xi32, #tpu.memory_space<vmem>> -> memref<1x128xi32, #tpu.memory_space<vmem>>
        %dma_wait3A_227 = tpu.memref_squeeze %dma_wait3A_226 : memref<1x128xi32, #tpu.memory_space<vmem>> -> memref<128xi32, #tpu.memory_space<vmem>>
        %dma_wait3A_228 = arith.constant 0 : i32
        %dma_wait3A_229 = arith.constant 0 : i32
        %dma_wait3A_230 = tpu.memref_slice %arg12[%dma_wait3A_228, %dma_wait3A_229] : memref<10112x128xf32, #tpu.memory_space<vmem_shared>> -> memref<10112x128xf32, #tpu.memory_space<vmem_shared>>
        tpu.wait_indirect_dma semaphore(%run_scoped3A_218 : memref<!tpu.dma_semaphore, #tpu.memory_space<semaphore_mem>>) src(%arg10 : memref<128x128xf32, #tpu.memory_space<vmem>>) dst(%dma_wait3A_230 : memref<10112x128xf32, #tpu.memory_space<vmem_shared>>)
        tpu.yield
      }) : () -> ()
      %add3A_111 = arith.constant 3 : i32
      %add3A_112 = arith.addi %mul3A_59, %add3A_111 : i32
      %add3A_113 = arith.constant 1 : i32
      %add3A_114 = arith.addi %add3A_112, %add3A_113 : i32
      %lt3A_115 = arith.constant 80 : i32
      %lt3A_116 = arith.cmpi slt, %add3A_114, %lt3A_115 : i32
      %convert_element_type3A_117 = arith.extui %lt3A_116 : i1 to i32
      %cond3A_118 = arith.constant 0 : i32
      %cond3A_119 = arith.cmpi ne, %convert_element_type3A_117, %cond3A_118 : i32
      scf.if %cond3A_119 {
        %dma_start3A_218 = arith.constant 0 : i32
        %dma_start3A_219 = tpu.memref_slice %arg7[%add3A_114, %dma_start3A_218] : memref<80x128xi32, #tpu.memory_space<vmem>> -> memref<1x128xi32, #tpu.memory_space<vmem>>
        %dma_start3A_220 = tpu.memref_squeeze %dma_start3A_219 : memref<1x128xi32, #tpu.memory_space<vmem>> -> memref<128xi32, #tpu.memory_space<vmem>>
        %dma_start3A_221 = arith.constant 0 : i32
        %dma_start3A_222 = arith.constant 0 : i32
        %dma_start3A_223 = tpu.memref_slice %arg4[%dma_start3A_221, %dma_start3A_222] : memref<10112x128xf32, #tpu.memory_space<hbm>> -> memref<10112x128xf32, #tpu.memory_space<hbm>>
        tpu.enqueue_indirect_dma source(%dma_start3A_223 : memref<10112x128xf32, #tpu.memory_space<hbm>>) target(%arg10 : memref<128x128xf32, #tpu.memory_space<vmem>>) offsets(%dma_start3A_220 : memref<128xi32, #tpu.memory_space<vmem>>) semaphore(%arg16 : memref<!tpu.dma_semaphore, #tpu.memory_space<semaphore_mem>>)
      } else {
      }
      %dma_wait3A_120 = arith.constant 0 : i32
      %dma_wait3A_121 = tpu.memref_slice %arg7[%add3A_112, %dma_wait3A_120] : memref<80x128xi32, #tpu.memory_space<vmem>> -> memref<1x128xi32, #tpu.memory_space<vmem>>
      %dma_wait3A_122 = tpu.memref_squeeze %dma_wait3A_121 : memref<1x128xi32, #tpu.memory_space<vmem>> -> memref<128xi32, #tpu.memory_space<vmem>>
      %dma_wait3A_123 = arith.constant 0 : i32
      %dma_wait3A_124 = arith.constant 0 : i32
      %dma_wait3A_125 = tpu.memref_slice %arg4[%dma_wait3A_123, %dma_wait3A_124] : memref<10112x128xf32, #tpu.memory_space<hbm>> -> memref<10112x128xf32, #tpu.memory_space<hbm>>
      tpu.wait_indirect_dma semaphore(%arg17 : memref<!tpu.dma_semaphore, #tpu.memory_space<semaphore_mem>>) src(%dma_wait3A_125 : memref<10112x128xf32, #tpu.memory_space<hbm>>) dst(%arg11 : memref<128x128xf32, #tpu.memory_space<vmem>>)
      %run_scoped3A_126 = arith.constant 3 : i32
      "tpu.region"() ({
        %run_scoped3A_218 = tpu.sem_alloc : memref<!tpu.dma_semaphore, #tpu.memory_space<semaphore_mem>>
        %dma_start3A_219 = arith.constant 0 : i32
        %dma_start3A_220 = tpu.memref_slice %arg8[%run_scoped3A_126, %dma_start3A_219] : memref<4x128xi32, #tpu.memory_space<vmem>> -> memref<1x128xi32, #tpu.memory_space<vmem>>
        %dma_start3A_221 = tpu.memref_squeeze %dma_start3A_220 : memref<1x128xi32, #tpu.memory_space<vmem>> -> memref<128xi32, #tpu.memory_space<vmem>>
        %dma_start3A_222 = arith.constant 0 : i32
        %dma_start3A_223 = arith.constant 0 : i32
        %dma_start3A_224 = tpu.memref_slice %arg12[%dma_start3A_222, %dma_start3A_223] : memref<10112x128xf32, #tpu.memory_space<vmem_shared>> -> memref<10112x128xf32, #tpu.memory_space<vmem_shared>>
        tpu.enqueue_indirect_dma source(%arg11 : memref<128x128xf32, #tpu.memory_space<vmem>>) target(%dma_start3A_224 : memref<10112x128xf32, #tpu.memory_space<vmem_shared>>) offsets(%dma_start3A_221 : memref<128xi32, #tpu.memory_space<vmem>>) semaphore(%run_scoped3A_218 : memref<!tpu.dma_semaphore, #tpu.memory_space<semaphore_mem>>) {add = true}
        %dma_wait3A_225 = arith.constant 0 : i32
        %dma_wait3A_226 = tpu.memref_slice %arg8[%run_scoped3A_126, %dma_wait3A_225] : memref<4x128xi32, #tpu.memory_space<vmem>> -> memref<1x128xi32, #tpu.memory_space<vmem>>
        %dma_wait3A_227 = tpu.memref_squeeze %dma_wait3A_226 : memref<1x128xi32, #tpu.memory_space<vmem>> -> memref<128xi32, #tpu.memory_space<vmem>>
        %dma_wait3A_228 = arith.constant 0 : i32
        %dma_wait3A_229 = arith.constant 0 : i32
        %dma_wait3A_230 = tpu.memref_slice %arg12[%dma_wait3A_228, %dma_wait3A_229] : memref<10112x128xf32, #tpu.memory_space<vmem_shared>> -> memref<10112x128xf32, #tpu.memory_space<vmem_shared>>
        tpu.wait_indirect_dma semaphore(%run_scoped3A_218 : memref<!tpu.dma_semaphore, #tpu.memory_space<semaphore_mem>>) src(%arg11 : memref<128x128xf32, #tpu.memory_space<vmem>>) dst(%dma_wait3A_230 : memref<10112x128xf32, #tpu.memory_space<vmem_shared>>)
        tpu.yield
      }) : () -> ()
      %add3A_127 = arith.constant 2 : i32
      %add3A_128 = arith.addi %add3A_57, %add3A_127 : i32
      %lt3A_129 = arith.constant 20 : i32
      %lt3A_130 = arith.cmpi slt, %add3A_128, %lt3A_129 : i32
      %convert_element_type3A_131 = arith.extui %lt3A_130 : i1 to i32
      %cond3A_132 = arith.constant 0 : i32
      %cond3A_133 = arith.cmpi ne, %convert_element_type3A_131, %cond3A_132 : i32
      scf.if %cond3A_133 {
        %add3A_218 = arith.constant 2 : i32
        %add3A_219 = arith.addi %add3A_57, %add3A_218 : i32
        %mul3A_220 = arith.constant 4 : i32
        %mul3A_221 = arith.muli %add3A_219, %mul3A_220 : i32
        %dma_start3A_222 = arith.constant 0 : i32
        %dma_start3A_223 = tpu.memref_slice %arg3[%add3A, %mul3A_221, %dma_start3A_222] : memref<32x80x128xi32, #tpu.memory_space<hbm>> -> memref<1x4x128xi32, #tpu.memory_space<hbm>>
        %dma_start3A_224 = tpu.memref_squeeze %dma_start3A_223 : memref<1x4x128xi32, #tpu.memory_space<hbm>> -> memref<4x128xi32, #tpu.memory_space<hbm>>
        %dma_start3A_225 = arith.constant 0 : i32
        %dma_start3A_226 = tpu.memref_slice %arg3[%add3A, %mul3A_221, %dma_start3A_225] : memref<32x80x128xi32, #tpu.memory_space<hbm>> -> memref<1x4x128xi32, #tpu.memory_space<hbm>>
        %dma_start3A_227 = tpu.memref_squeeze %dma_start3A_226 : memref<1x4x128xi32, #tpu.memory_space<hbm>> -> memref<4x128xi32, #tpu.memory_space<hbm>>
        tpu.enqueue_dma source(%dma_start3A_227 : memref<4x128xi32, #tpu.memory_space<hbm>>) target(%arg8 : memref<4x128xi32, #tpu.memory_space<vmem>>) target_semaphore(%arg14 : memref<!tpu.dma_semaphore, #tpu.memory_space<semaphore_mem>>)
      } else {
      }
      %mul3A_134 = arith.constant 2 : i32
      %mul3A_135 = arith.muli %while3A_53, %mul3A_134 : i32
      %add3A_136 = arith.constant 1 : i32
      %add3A_137 = arith.addi %mul3A_135, %add3A_136 : i32
      %mul3A_138 = arith.constant 4 : i32
      %mul3A_139 = arith.muli %add3A_137, %mul3A_138 : i32
      %dma_wait3A_140 = arith.constant 0 : i32
      %dma_wait3A_141 = arith.constant 0 : i32
      %dma_wait3A_142 = tpu.memref_slice %arg3[%add3A, %dma_wait3A_140, %dma_wait3A_141] : memref<32x80x128xi32, #tpu.memory_space<hbm>> -> memref<1x4x128xi32, #tpu.memory_space<hbm>>
      %dma_wait3A_143 = tpu.memref_squeeze %dma_wait3A_142 : memref<1x4x128xi32, #tpu.memory_space<hbm>> -> memref<4x128xi32, #tpu.memory_space<hbm>>
      %dma_wait3A_144 = arith.constant 0 : i32
      %dma_wait3A_145 = tpu.memref_slice %arg3[%add3A, %dma_wait3A_140, %dma_wait3A_144] : memref<32x80x128xi32, #tpu.memory_space<hbm>> -> memref<1x4x128xi32, #tpu.memory_space<hbm>>
      %dma_wait3A_146 = tpu.memref_squeeze %dma_wait3A_145 : memref<1x4x128xi32, #tpu.memory_space<hbm>> -> memref<4x128xi32, #tpu.memory_space<hbm>>
      tpu.wait_dma2 semaphore(%arg15 : memref<!tpu.dma_semaphore, #tpu.memory_space<semaphore_mem>>) src(%dma_wait3A_146 : memref<4x128xi32, #tpu.memory_space<hbm>>) dst(%arg9 : memref<4x128xi32, #tpu.memory_space<vmem>>)
      %add3A_147 = arith.constant 0 : i32
      %add3A_148 = arith.addi %mul3A_139, %add3A_147 : i32
      %add3A_149 = arith.constant 1 : i32
      %add3A_150 = arith.addi %add3A_148, %add3A_149 : i32
      %lt3A_151 = arith.constant 80 : i32
      %lt3A_152 = arith.cmpi slt, %add3A_150, %lt3A_151 : i32
      %convert_element_type3A_153 = arith.extui %lt3A_152 : i1 to i32
      %cond3A_154 = arith.constant 0 : i32
      %cond3A_155 = arith.cmpi ne, %convert_element_type3A_153, %cond3A_154 : i32
      scf.if %cond3A_155 {
        %dma_start3A_218 = arith.constant 0 : i32
        %dma_start3A_219 = tpu.memref_slice %arg7[%add3A_150, %dma_start3A_218] : memref<80x128xi32, #tpu.memory_space<vmem>> -> memref<1x128xi32, #tpu.memory_space<vmem>>
        %dma_start3A_220 = tpu.memref_squeeze %dma_start3A_219 : memref<1x128xi32, #tpu.memory_space<vmem>> -> memref<128xi32, #tpu.memory_space<vmem>>
        %dma_start3A_221 = arith.constant 0 : i32
        %dma_start3A_222 = arith.constant 0 : i32
        %dma_start3A_223 = tpu.memref_slice %arg4[%dma_start3A_221, %dma_start3A_222] : memref<10112x128xf32, #tpu.memory_space<hbm>> -> memref<10112x128xf32, #tpu.memory_space<hbm>>
        tpu.enqueue_indirect_dma source(%dma_start3A_223 : memref<10112x128xf32, #tpu.memory_space<hbm>>) target(%arg11 : memref<128x128xf32, #tpu.memory_space<vmem>>) offsets(%dma_start3A_220 : memref<128xi32, #tpu.memory_space<vmem>>) semaphore(%arg17 : memref<!tpu.dma_semaphore, #tpu.memory_space<semaphore_mem>>)
      } else {
      }
      %dma_wait3A_156 = arith.constant 0 : i32
      %dma_wait3A_157 = tpu.memref_slice %arg7[%add3A_148, %dma_wait3A_156] : memref<80x128xi32, #tpu.memory_space<vmem>> -> memref<1x128xi32, #tpu.memory_space<vmem>>
      %dma_wait3A_158 = tpu.memref_squeeze %dma_wait3A_157 : memref<1x128xi32, #tpu.memory_space<vmem>> -> memref<128xi32, #tpu.memory_space<vmem>>
      %dma_wait3A_159 = arith.constant 0 : i32
      %dma_wait3A_160 = arith.constant 0 : i32
      %dma_wait3A_161 = tpu.memref_slice %arg4[%dma_wait3A_159, %dma_wait3A_160] : memref<10112x128xf32, #tpu.memory_space<hbm>> -> memref<10112x128xf32, #tpu.memory_space<hbm>>
      tpu.wait_indirect_dma semaphore(%arg16 : memref<!tpu.dma_semaphore, #tpu.memory_space<semaphore_mem>>) src(%dma_wait3A_161 : memref<10112x128xf32, #tpu.memory_space<hbm>>) dst(%arg10 : memref<128x128xf32, #tpu.memory_space<vmem>>)
      %run_scoped3A_162 = arith.constant 0 : i32
      "tpu.region"() ({
        %run_scoped3A_218 = tpu.sem_alloc : memref<!tpu.dma_semaphore, #tpu.memory_space<semaphore_mem>>
        %dma_start3A_219 = arith.constant 0 : i32
        %dma_start3A_220 = tpu.memref_slice %arg9[%run_scoped3A_162, %dma_start3A_219] : memref<4x128xi32, #tpu.memory_space<vmem>> -> memref<1x128xi32, #tpu.memory_space<vmem>>
        %dma_start3A_221 = tpu.memref_squeeze %dma_start3A_220 : memref<1x128xi32, #tpu.memory_space<vmem>> -> memref<128xi32, #tpu.memory_space<vmem>>
        %dma_start3A_222 = arith.constant 0 : i32
        %dma_start3A_223 = arith.constant 0 : i32
        %dma_start3A_224 = tpu.memref_slice %arg12[%dma_start3A_222, %dma_start3A_223] : memref<10112x128xf32, #tpu.memory_space<vmem_shared>> -> memref<10112x128xf32, #tpu.memory_space<vmem_shared>>
        tpu.enqueue_indirect_dma source(%arg10 : memref<128x128xf32, #tpu.memory_space<vmem>>) target(%dma_start3A_224 : memref<10112x128xf32, #tpu.memory_space<vmem_shared>>) offsets(%dma_start3A_221 : memref<128xi32, #tpu.memory_space<vmem>>) semaphore(%run_scoped3A_218 : memref<!tpu.dma_semaphore, #tpu.memory_space<semaphore_mem>>) {add = true}
        %dma_wait3A_225 = arith.constant 0 : i32
        %dma_wait3A_226 = tpu.memref_slice %arg9[%run_scoped3A_162, %dma_wait3A_225] : memref<4x128xi32, #tpu.memory_space<vmem>> -> memref<1x128xi32, #tpu.memory_space<vmem>>
        %dma_wait3A_227 = tpu.memref_squeeze %dma_wait3A_226 : memref<1x128xi32, #tpu.memory_space<vmem>> -> memref<128xi32, #tpu.memory_space<vmem>>
        %dma_wait3A_228 = arith.constant 0 : i32
        %dma_wait3A_229 = arith.constant 0 : i32
        %dma_wait3A_230 = tpu.memref_slice %arg12[%dma_wait3A_228, %dma_wait3A_229] : memref<10112x128xf32, #tpu.memory_space<vmem_shared>> -> memref<10112x128xf32, #tpu.memory_space<vmem_shared>>
        tpu.wait_indirect_dma semaphore(%run_scoped3A_218 : memref<!tpu.dma_semaphore, #tpu.memory_space<semaphore_mem>>) src(%arg10 : memref<128x128xf32, #tpu.memory_space<vmem>>) dst(%dma_wait3A_230 : memref<10112x128xf32, #tpu.memory_space<vmem_shared>>)
        tpu.yield
      }) : () -> ()
      %add3A_163 = arith.constant 1 : i32
      %add3A_164 = arith.addi %mul3A_139, %add3A_163 : i32
      %add3A_165 = arith.constant 1 : i32
      %add3A_166 = arith.addi %add3A_164, %add3A_165 : i32
      %lt3A_167 = arith.constant 80 : i32
      %lt3A_168 = arith.cmpi slt, %add3A_166, %lt3A_167 : i32
      %convert_element_type3A_169 = arith.extui %lt3A_168 : i1 to i32
      %cond3A_170 = arith.constant 0 : i32
      %cond3A_171 = arith.cmpi ne, %convert_element_type3A_169, %cond3A_170 : i32
      scf.if %cond3A_171 {
        %dma_start3A_218 = arith.constant 0 : i32
        %dma_start3A_219 = tpu.memref_slice %arg7[%add3A_166, %dma_start3A_218] : memref<80x128xi32, #tpu.memory_space<vmem>> -> memref<1x128xi32, #tpu.memory_space<vmem>>
        %dma_start3A_220 = tpu.memref_squeeze %dma_start3A_219 : memref<1x128xi32, #tpu.memory_space<vmem>> -> memref<128xi32, #tpu.memory_space<vmem>>
        %dma_start3A_221 = arith.constant 0 : i32
        %dma_start3A_222 = arith.constant 0 : i32
        %dma_start3A_223 = tpu.memref_slice %arg4[%dma_start3A_221, %dma_start3A_222] : memref<10112x128xf32, #tpu.memory_space<hbm>> -> memref<10112x128xf32, #tpu.memory_space<hbm>>
        tpu.enqueue_indirect_dma source(%dma_start3A_223 : memref<10112x128xf32, #tpu.memory_space<hbm>>) target(%arg10 : memref<128x128xf32, #tpu.memory_space<vmem>>) offsets(%dma_start3A_220 : memref<128xi32, #tpu.memory_space<vmem>>) semaphore(%arg16 : memref<!tpu.dma_semaphore, #tpu.memory_space<semaphore_mem>>)
      } else {
      }
      %dma_wait3A_172 = arith.constant 0 : i32
      %dma_wait3A_173 = tpu.memref_slice %arg7[%add3A_164, %dma_wait3A_172] : memref<80x128xi32, #tpu.memory_space<vmem>> -> memref<1x128xi32, #tpu.memory_space<vmem>>
      %dma_wait3A_174 = tpu.memref_squeeze %dma_wait3A_173 : memref<1x128xi32, #tpu.memory_space<vmem>> -> memref<128xi32, #tpu.memory_space<vmem>>
      %dma_wait3A_175 = arith.constant 0 : i32
      %dma_wait3A_176 = arith.constant 0 : i32
      %dma_wait3A_177 = tpu.memref_slice %arg4[%dma_wait3A_175, %dma_wait3A_176] : memref<10112x128xf32, #tpu.memory_space<hbm>> -> memref<10112x128xf32, #tpu.memory_space<hbm>>
      tpu.wait_indirect_dma semaphore(%arg17 : memref<!tpu.dma_semaphore, #tpu.memory_space<semaphore_mem>>) src(%dma_wait3A_177 : memref<10112x128xf32, #tpu.memory_space<hbm>>) dst(%arg11 : memref<128x128xf32, #tpu.memory_space<vmem>>)
      %run_scoped3A_178 = arith.constant 1 : i32
      "tpu.region"() ({
        %run_scoped3A_218 = tpu.sem_alloc : memref<!tpu.dma_semaphore, #tpu.memory_space<semaphore_mem>>
        %dma_start3A_219 = arith.constant 0 : i32
        %dma_start3A_220 = tpu.memref_slice %arg9[%run_scoped3A_178, %dma_start3A_219] : memref<4x128xi32, #tpu.memory_space<vmem>> -> memref<1x128xi32, #tpu.memory_space<vmem>>
        %dma_start3A_221 = tpu.memref_squeeze %dma_start3A_220 : memref<1x128xi32, #tpu.memory_space<vmem>> -> memref<128xi32, #tpu.memory_space<vmem>>
        %dma_start3A_222 = arith.constant 0 : i32
        %dma_start3A_223 = arith.constant 0 : i32
        %dma_start3A_224 = tpu.memref_slice %arg12[%dma_start3A_222, %dma_start3A_223] : memref<10112x128xf32, #tpu.memory_space<vmem_shared>> -> memref<10112x128xf32, #tpu.memory_space<vmem_shared>>
        tpu.enqueue_indirect_dma source(%arg11 : memref<128x128xf32, #tpu.memory_space<vmem>>) target(%dma_start3A_224 : memref<10112x128xf32, #tpu.memory_space<vmem_shared>>) offsets(%dma_start3A_221 : memref<128xi32, #tpu.memory_space<vmem>>) semaphore(%run_scoped3A_218 : memref<!tpu.dma_semaphore, #tpu.memory_space<semaphore_mem>>) {add = true}
        %dma_wait3A_225 = arith.constant 0 : i32
        %dma_wait3A_226 = tpu.memref_slice %arg9[%run_scoped3A_178, %dma_wait3A_225] : memref<4x128xi32, #tpu.memory_space<vmem>> -> memref<1x128xi32, #tpu.memory_space<vmem>>
        %dma_wait3A_227 = tpu.memref_squeeze %dma_wait3A_226 : memref<1x128xi32, #tpu.memory_space<vmem>> -> memref<128xi32, #tpu.memory_space<vmem>>
        %dma_wait3A_228 = arith.constant 0 : i32
        %dma_wait3A_229 = arith.constant 0 : i32
        %dma_wait3A_230 = tpu.memref_slice %arg12[%dma_wait3A_228, %dma_wait3A_229] : memref<10112x128xf32, #tpu.memory_space<vmem_shared>> -> memref<10112x128xf32, #tpu.memory_space<vmem_shared>>
        tpu.wait_indirect_dma semaphore(%run_scoped3A_218 : memref<!tpu.dma_semaphore, #tpu.memory_space<semaphore_mem>>) src(%arg11 : memref<128x128xf32, #tpu.memory_space<vmem>>) dst(%dma_wait3A_230 : memref<10112x128xf32, #tpu.memory_space<vmem_shared>>)
        tpu.yield
      }) : () -> ()
      %add3A_179 = arith.constant 2 : i32
      %add3A_180 = arith.addi %mul3A_139, %add3A_179 : i32
      %add3A_181 = arith.constant 1 : i32
      %add3A_182 = arith.addi %add3A_180, %add3A_181 : i32
      %lt3A_183 = arith.constant 80 : i32
      %lt3A_184 = arith.cmpi slt, %add3A_182, %lt3A_183 : i32
      %convert_element_type3A_185 = arith.extui %lt3A_184 : i1 to i32
      %cond3A_186 = arith.constant 0 : i32
      %cond3A_187 = arith.cmpi ne, %convert_element_type3A_185, %cond3A_186 : i32
      scf.if %cond3A_187 {
        %dma_start3A_218 = arith.constant 0 : i32
        %dma_start3A_219 = tpu.memref_slice %arg7[%add3A_182, %dma_start3A_218] : memref<80x128xi32, #tpu.memory_space<vmem>> -> memref<1x128xi32, #tpu.memory_space<vmem>>
        %dma_start3A_220 = tpu.memref_squeeze %dma_start3A_219 : memref<1x128xi32, #tpu.memory_space<vmem>> -> memref<128xi32, #tpu.memory_space<vmem>>
        %dma_start3A_221 = arith.constant 0 : i32
        %dma_start3A_222 = arith.constant 0 : i32
        %dma_start3A_223 = tpu.memref_slice %arg4[%dma_start3A_221, %dma_start3A_222] : memref<10112x128xf32, #tpu.memory_space<hbm>> -> memref<10112x128xf32, #tpu.memory_space<hbm>>
        tpu.enqueue_indirect_dma source(%dma_start3A_223 : memref<10112x128xf32, #tpu.memory_space<hbm>>) target(%arg11 : memref<128x128xf32, #tpu.memory_space<vmem>>) offsets(%dma_start3A_220 : memref<128xi32, #tpu.memory_space<vmem>>) semaphore(%arg17 : memref<!tpu.dma_semaphore, #tpu.memory_space<semaphore_mem>>)
      } else {
      }
      %dma_wait3A_188 = arith.constant 0 : i32
      %dma_wait3A_189 = tpu.memref_slice %arg7[%add3A_180, %dma_wait3A_188] : memref<80x128xi32, #tpu.memory_space<vmem>> -> memref<1x128xi32, #tpu.memory_space<vmem>>
      %dma_wait3A_190 = tpu.memref_squeeze %dma_wait3A_189 : memref<1x128xi32, #tpu.memory_space<vmem>> -> memref<128xi32, #tpu.memory_space<vmem>>
      %dma_wait3A_191 = arith.constant 0 : i32
      %dma_wait3A_192 = arith.constant 0 : i32
      %dma_wait3A_193 = tpu.memref_slice %arg4[%dma_wait3A_191, %dma_wait3A_192] : memref<10112x128xf32, #tpu.memory_space<hbm>> -> memref<10112x128xf32, #tpu.memory_space<hbm>>
      tpu.wait_indirect_dma semaphore(%arg16 : memref<!tpu.dma_semaphore, #tpu.memory_space<semaphore_mem>>) src(%dma_wait3A_193 : memref<10112x128xf32, #tpu.memory_space<hbm>>) dst(%arg10 : memref<128x128xf32, #tpu.memory_space<vmem>>)
      %run_scoped3A_194 = arith.constant 2 : i32
      "tpu.region"() ({
        %run_scoped3A_218 = tpu.sem_alloc : memref<!tpu.dma_semaphore, #tpu.memory_space<semaphore_mem>>
        %dma_start3A_219 = arith.constant 0 : i32
        %dma_start3A_220 = tpu.memref_slice %arg9[%run_scoped3A_194, %dma_start3A_219] : memref<4x128xi32, #tpu.memory_space<vmem>> -> memref<1x128xi32, #tpu.memory_space<vmem>>
        %dma_start3A_221 = tpu.memref_squeeze %dma_start3A_220 : memref<1x128xi32, #tpu.memory_space<vmem>> -> memref<128xi32, #tpu.memory_space<vmem>>
        %dma_start3A_222 = arith.constant 0 : i32
        %dma_start3A_223 = arith.constant 0 : i32
        %dma_start3A_224 = tpu.memref_slice %arg12[%dma_start3A_222, %dma_start3A_223] : memref<10112x128xf32, #tpu.memory_space<vmem_shared>> -> memref<10112x128xf32, #tpu.memory_space<vmem_shared>>
        tpu.enqueue_indirect_dma source(%arg10 : memref<128x128xf32, #tpu.memory_space<vmem>>) target(%dma_start3A_224 : memref<10112x128xf32, #tpu.memory_space<vmem_shared>>) offsets(%dma_start3A_221 : memref<128xi32, #tpu.memory_space<vmem>>) semaphore(%run_scoped3A_218 : memref<!tpu.dma_semaphore, #tpu.memory_space<semaphore_mem>>) {add = true}
        %dma_wait3A_225 = arith.constant 0 : i32
        %dma_wait3A_226 = tpu.memref_slice %arg9[%run_scoped3A_194, %dma_wait3A_225] : memref<4x128xi32, #tpu.memory_space<vmem>> -> memref<1x128xi32, #tpu.memory_space<vmem>>
        %dma_wait3A_227 = tpu.memref_squeeze %dma_wait3A_226 : memref<1x128xi32, #tpu.memory_space<vmem>> -> memref<128xi32, #tpu.memory_space<vmem>>
        %dma_wait3A_228 = arith.constant 0 : i32
        %dma_wait3A_229 = arith.constant 0 : i32
        %dma_wait3A_230 = tpu.memref_slice %arg12[%dma_wait3A_228, %dma_wait3A_229] : memref<10112x128xf32, #tpu.memory_space<vmem_shared>> -> memref<10112x128xf32, #tpu.memory_space<vmem_shared>>
        tpu.wait_indirect_dma semaphore(%run_scoped3A_218 : memref<!tpu.dma_semaphore, #tpu.memory_space<semaphore_mem>>) src(%arg10 : memref<128x128xf32, #tpu.memory_space<vmem>>) dst(%dma_wait3A_230 : memref<10112x128xf32, #tpu.memory_space<vmem_shared>>)
        tpu.yield
      }) : () -> ()
      %add3A_195 = arith.constant 3 : i32
      %add3A_196 = arith.addi %mul3A_139, %add3A_195 : i32
      %add3A_197 = arith.constant 1 : i32
      %add3A_198 = arith.addi %add3A_196, %add3A_197 : i32
      %lt3A_199 = arith.constant 80 : i32
      %lt3A_200 = arith.cmpi slt, %add3A_198, %lt3A_199 : i32
      %convert_element_type3A_201 = arith.extui %lt3A_200 : i1 to i32
      %cond3A_202 = arith.constant 0 : i32
      %cond3A_203 = arith.cmpi ne, %convert_element_type3A_201, %cond3A_202 : i32
      scf.if %cond3A_203 {
        %dma_start3A_218 = arith.constant 0 : i32
        %dma_start3A_219 = tpu.memref_slice %arg7[%add3A_198, %dma_start3A_218] : memref<80x128xi32, #tpu.memory_space<vmem>> -> memref<1x128xi32, #tpu.memory_space<vmem>>
        %dma_start3A_220 = tpu.memref_squeeze %dma_start3A_219 : memref<1x128xi32, #tpu.memory_space<vmem>> -> memref<128xi32, #tpu.memory_space<vmem>>
        %dma_start3A_221 = arith.constant 0 : i32
        %dma_start3A_222 = arith.constant 0 : i32
        %dma_start3A_223 = tpu.memref_slice %arg4[%dma_start3A_221, %dma_start3A_222] : memref<10112x128xf32, #tpu.memory_space<hbm>> -> memref<10112x128xf32, #tpu.memory_space<hbm>>
        tpu.enqueue_indirect_dma source(%dma_start3A_223 : memref<10112x128xf32, #tpu.memory_space<hbm>>) target(%arg10 : memref<128x128xf32, #tpu.memory_space<vmem>>) offsets(%dma_start3A_220 : memref<128xi32, #tpu.memory_space<vmem>>) semaphore(%arg16 : memref<!tpu.dma_semaphore, #tpu.memory_space<semaphore_mem>>)
      } else {
      }
      %dma_wait3A_204 = arith.constant 0 : i32
      %dma_wait3A_205 = tpu.memref_slice %arg7[%add3A_196, %dma_wait3A_204] : memref<80x128xi32, #tpu.memory_space<vmem>> -> memref<1x128xi32, #tpu.memory_space<vmem>>
      %dma_wait3A_206 = tpu.memref_squeeze %dma_wait3A_205 : memref<1x128xi32, #tpu.memory_space<vmem>> -> memref<128xi32, #tpu.memory_space<vmem>>
      %dma_wait3A_207 = arith.constant 0 : i32
      %dma_wait3A_208 = arith.constant 0 : i32
      %dma_wait3A_209 = tpu.memref_slice %arg4[%dma_wait3A_207, %dma_wait3A_208] : memref<10112x128xf32, #tpu.memory_space<hbm>> -> memref<10112x128xf32, #tpu.memory_space<hbm>>
      tpu.wait_indirect_dma semaphore(%arg17 : memref<!tpu.dma_semaphore, #tpu.memory_space<semaphore_mem>>) src(%dma_wait3A_209 : memref<10112x128xf32, #tpu.memory_space<hbm>>) dst(%arg11 : memref<128x128xf32, #tpu.memory_space<vmem>>)
      %run_scoped3A_210 = arith.constant 3 : i32
      "tpu.region"() ({
        %run_scoped3A_218 = tpu.sem_alloc : memref<!tpu.dma_semaphore, #tpu.memory_space<semaphore_mem>>
        %dma_start3A_219 = arith.constant 0 : i32
        %dma_start3A_220 = tpu.memref_slice %arg9[%run_scoped3A_210, %dma_start3A_219] : memref<4x128xi32, #tpu.memory_space<vmem>> -> memref<1x128xi32, #tpu.memory_space<vmem>>
        %dma_start3A_221 = tpu.memref_squeeze %dma_start3A_220 : memref<1x128xi32, #tpu.memory_space<vmem>> -> memref<128xi32, #tpu.memory_space<vmem>>
        %dma_start3A_222 = arith.constant 0 : i32
        %dma_start3A_223 = arith.constant 0 : i32
        %dma_start3A_224 = tpu.memref_slice %arg12[%dma_start3A_222, %dma_start3A_223] : memref<10112x128xf32, #tpu.memory_space<vmem_shared>> -> memref<10112x128xf32, #tpu.memory_space<vmem_shared>>
        tpu.enqueue_indirect_dma source(%arg11 : memref<128x128xf32, #tpu.memory_space<vmem>>) target(%dma_start3A_224 : memref<10112x128xf32, #tpu.memory_space<vmem_shared>>) offsets(%dma_start3A_221 : memref<128xi32, #tpu.memory_space<vmem>>) semaphore(%run_scoped3A_218 : memref<!tpu.dma_semaphore, #tpu.memory_space<semaphore_mem>>) {add = true}
        %dma_wait3A_225 = arith.constant 0 : i32
        %dma_wait3A_226 = tpu.memref_slice %arg9[%run_scoped3A_210, %dma_wait3A_225] : memref<4x128xi32, #tpu.memory_space<vmem>> -> memref<1x128xi32, #tpu.memory_space<vmem>>
        %dma_wait3A_227 = tpu.memref_squeeze %dma_wait3A_226 : memref<1x128xi32, #tpu.memory_space<vmem>> -> memref<128xi32, #tpu.memory_space<vmem>>
        %dma_wait3A_228 = arith.constant 0 : i32
        %dma_wait3A_229 = arith.constant 0 : i32
        %dma_wait3A_230 = tpu.memref_slice %arg12[%dma_wait3A_228, %dma_wait3A_229] : memref<10112x128xf32, #tpu.memory_space<vmem_shared>> -> memref<10112x128xf32, #tpu.memory_space<vmem_shared>>
        tpu.wait_indirect_dma semaphore(%run_scoped3A_218 : memref<!tpu.dma_semaphore, #tpu.memory_space<semaphore_mem>>) src(%arg11 : memref<128x128xf32, #tpu.memory_space<vmem>>) dst(%dma_wait3A_230 : memref<10112x128xf32, #tpu.memory_space<vmem_shared>>)
        tpu.yield
      }) : () -> ()
      %add3A_211 = arith.constant 2 : i32
      %add3A_212 = arith.addi %add3A_137, %add3A_211 : i32
      %lt3A_213 = arith.constant 20 : i32
      %lt3A_214 = arith.cmpi slt, %add3A_212, %lt3A_213 : i32
      %convert_element_type3A_215 = arith.extui %lt3A_214 : i1 to i32
      %cond3A_216 = arith.constant 0 : i32
      %cond3A_217 = arith.cmpi ne, %convert_element_type3A_215, %cond3A_216 : i32
      scf.if %cond3A_217 {
        %add3A_218 = arith.constant 2 : i32
        %add3A_219 = arith.addi %add3A_137, %add3A_218 : i32
        %mul3A_220 = arith.constant 4 : i32
        %mul3A_221 = arith.muli %add3A_219, %mul3A_220 : i32
        %dma_start3A_222 = arith.constant 0 : i32
        %dma_start3A_223 = tpu.memref_slice %arg3[%add3A, %mul3A_221, %dma_start3A_222] : memref<32x80x128xi32, #tpu.memory_space<hbm>> -> memref<1x4x128xi32, #tpu.memory_space<hbm>>
        %dma_start3A_224 = tpu.memref_squeeze %dma_start3A_223 : memref<1x4x128xi32, #tpu.memory_space<hbm>> -> memref<4x128xi32, #tpu.memory_space<hbm>>
        %dma_start3A_225 = arith.constant 0 : i32
        %dma_start3A_226 = tpu.memref_slice %arg3[%add3A, %mul3A_221, %dma_start3A_225] : memref<32x80x128xi32, #tpu.memory_space<hbm>> -> memref<1x4x128xi32, #tpu.memory_space<hbm>>
        %dma_start3A_227 = tpu.memref_squeeze %dma_start3A_226 : memref<1x4x128xi32, #tpu.memory_space<hbm>> -> memref<4x128xi32, #tpu.memory_space<hbm>>
        tpu.enqueue_dma source(%dma_start3A_227 : memref<4x128xi32, #tpu.memory_space<hbm>>) target(%arg9 : memref<4x128xi32, #tpu.memory_space<vmem>>) target_semaphore(%arg15 : memref<!tpu.dma_semaphore, #tpu.memory_space<semaphore_mem>>)
      } else {
      }
    }
    %while3A_47 = arith.constant 1 : i32
    scf.for %while3A_53 = %while3A_45 to %while3A_41 step %while3A_47  : i32 {
      %mul3A_54 = arith.constant 2 : i32
      %mul3A_55 = arith.muli %while3A_53, %mul3A_54 : i32
      %add3A_56 = arith.constant 0 : i32
      %add3A_57 = arith.addi %mul3A_55, %add3A_56 : i32
      %mul3A_58 = arith.constant 4 : i32
      %mul3A_59 = arith.muli %add3A_57, %mul3A_58 : i32
      %dma_wait3A_60 = arith.constant 0 : i32
      %dma_wait3A_61 = arith.constant 0 : i32
      %dma_wait3A_62 = tpu.memref_slice %arg3[%add3A, %dma_wait3A_60, %dma_wait3A_61] : memref<32x80x128xi32, #tpu.memory_space<hbm>> -> memref<1x4x128xi32, #tpu.memory_space<hbm>>
      %dma_wait3A_63 = tpu.memref_squeeze %dma_wait3A_62 : memref<1x4x128xi32, #tpu.memory_space<hbm>> -> memref<4x128xi32, #tpu.memory_space<hbm>>
      %dma_wait3A_64 = arith.constant 0 : i32
      %dma_wait3A_65 = tpu.memref_slice %arg3[%add3A, %dma_wait3A_60, %dma_wait3A_64] : memref<32x80x128xi32, #tpu.memory_space<hbm>> -> memref<1x4x128xi32, #tpu.memory_space<hbm>>
      %dma_wait3A_66 = tpu.memref_squeeze %dma_wait3A_65 : memref<1x4x128xi32, #tpu.memory_space<hbm>> -> memref<4x128xi32, #tpu.memory_space<hbm>>
      tpu.wait_dma2 semaphore(%arg14 : memref<!tpu.dma_semaphore, #tpu.memory_space<semaphore_mem>>) src(%dma_wait3A_66 : memref<4x128xi32, #tpu.memory_space<hbm>>) dst(%arg8 : memref<4x128xi32, #tpu.memory_space<vmem>>)
      %add3A_67 = arith.constant 0 : i32
      %add3A_68 = arith.addi %mul3A_59, %add3A_67 : i32
      %add3A_69 = arith.constant 1 : i32
      %add3A_70 = arith.addi %add3A_68, %add3A_69 : i32
      %lt3A = arith.constant 80 : i32
      %lt3A_71 = arith.cmpi slt, %add3A_70, %lt3A : i32
      %convert_element_type3A = arith.extui %lt3A_71 : i1 to i32
      %cond3A = arith.constant 0 : i32
      %cond3A_72 = arith.cmpi ne, %convert_element_type3A, %cond3A : i32
      scf.if %cond3A_72 {
        %dma_start3A_218 = arith.constant 0 : i32
        %dma_start3A_219 = tpu.memref_slice %arg7[%add3A_70, %dma_start3A_218] : memref<80x128xi32, #tpu.memory_space<vmem>> -> memref<1x128xi32, #tpu.memory_space<vmem>>
        %dma_start3A_220 = tpu.memref_squeeze %dma_start3A_219 : memref<1x128xi32, #tpu.memory_space<vmem>> -> memref<128xi32, #tpu.memory_space<vmem>>
        %dma_start3A_221 = arith.constant 0 : i32
        %dma_start3A_222 = arith.constant 0 : i32
        %dma_start3A_223 = tpu.memref_slice %arg4[%dma_start3A_221, %dma_start3A_222] : memref<10112x128xf32, #tpu.memory_space<hbm>> -> memref<10112x128xf32, #tpu.memory_space<hbm>>
        tpu.enqueue_indirect_dma source(%dma_start3A_223 : memref<10112x128xf32, #tpu.memory_space<hbm>>) target(%arg11 : memref<128x128xf32, #tpu.memory_space<vmem>>) offsets(%dma_start3A_220 : memref<128xi32, #tpu.memory_space<vmem>>) semaphore(%arg17 : memref<!tpu.dma_semaphore, #tpu.memory_space<semaphore_mem>>)
      } else {
      }
      %dma_wait3A_73 = arith.constant 0 : i32
      %dma_wait3A_74 = tpu.memref_slice %arg7[%add3A_68, %dma_wait3A_73] : memref<80x128xi32, #tpu.memory_space<vmem>> -> memref<1x128xi32, #tpu.memory_space<vmem>>
      %dma_wait3A_75 = tpu.memref_squeeze %dma_wait3A_74 : memref<1x128xi32, #tpu.memory_space<vmem>> -> memref<128xi32, #tpu.memory_space<vmem>>
      %dma_wait3A_76 = arith.constant 0 : i32
      %dma_wait3A_77 = arith.constant 0 : i32
      %dma_wait3A_78 = tpu.memref_slice %arg4[%dma_wait3A_76, %dma_wait3A_77] : memref<10112x128xf32, #tpu.memory_space<hbm>> -> memref<10112x128xf32, #tpu.memory_space<hbm>>
      tpu.wait_indirect_dma semaphore(%arg16 : memref<!tpu.dma_semaphore, #tpu.memory_space<semaphore_mem>>) src(%dma_wait3A_78 : memref<10112x128xf32, #tpu.memory_space<hbm>>) dst(%arg10 : memref<128x128xf32, #tpu.memory_space<vmem>>)
      %run_scoped3A = arith.constant 0 : i32
      "tpu.region"() ({
        %run_scoped3A_218 = tpu.sem_alloc : memref<!tpu.dma_semaphore, #tpu.memory_space<semaphore_mem>>
        %dma_start3A_219 = arith.constant 0 : i32
        %dma_start3A_220 = tpu.memref_slice %arg8[%run_scoped3A, %dma_start3A_219] : memref<4x128xi32, #tpu.memory_space<vmem>> -> memref<1x128xi32, #tpu.memory_space<vmem>>
        %dma_start3A_221 = tpu.memref_squeeze %dma_start3A_220 : memref<1x128xi32, #tpu.memory_space<vmem>> -> memref<128xi32, #tpu.memory_space<vmem>>
        %dma_start3A_222 = arith.constant 0 : i32
        %dma_start3A_223 = arith.constant 0 : i32
        %dma_start3A_224 = tpu.memref_slice %arg12[%dma_start3A_222, %dma_start3A_223] : memref<10112x128xf32, #tpu.memory_space<vmem_shared>> -> memref<10112x128xf32, #tpu.memory_space<vmem_shared>>
        tpu.enqueue_indirect_dma source(%arg10 : memref<128x128xf32, #tpu.memory_space<vmem>>) target(%dma_start3A_224 : memref<10112x128xf32, #tpu.memory_space<vmem_shared>>) offsets(%dma_start3A_221 : memref<128xi32, #tpu.memory_space<vmem>>) semaphore(%run_scoped3A_218 : memref<!tpu.dma_semaphore, #tpu.memory_space<semaphore_mem>>) {add = true}
        %dma_wait3A_225 = arith.constant 0 : i32
        %dma_wait3A_226 = tpu.memref_slice %arg8[%run_scoped3A, %dma_wait3A_225] : memref<4x128xi32, #tpu.memory_space<vmem>> -> memref<1x128xi32, #tpu.memory_space<vmem>>
        %dma_wait3A_227 = tpu.memref_squeeze %dma_wait3A_226 : memref<1x128xi32, #tpu.memory_space<vmem>> -> memref<128xi32, #tpu.memory_space<vmem>>
        %dma_wait3A_228 = arith.constant 0 : i32
        %dma_wait3A_229 = arith.constant 0 : i32
        %dma_wait3A_230 = tpu.memref_slice %arg12[%dma_wait3A_228, %dma_wait3A_229] : memref<10112x128xf32, #tpu.memory_space<vmem_shared>> -> memref<10112x128xf32, #tpu.memory_space<vmem_shared>>
        tpu.wait_indirect_dma semaphore(%run_scoped3A_218 : memref<!tpu.dma_semaphore, #tpu.memory_space<semaphore_mem>>) src(%arg10 : memref<128x128xf32, #tpu.memory_space<vmem>>) dst(%dma_wait3A_230 : memref<10112x128xf32, #tpu.memory_space<vmem_shared>>)
        tpu.yield
      }) : () -> ()
      %add3A_79 = arith.constant 1 : i32
      %add3A_80 = arith.addi %mul3A_59, %add3A_79 : i32
      %add3A_81 = arith.constant 1 : i32
      %add3A_82 = arith.addi %add3A_80, %add3A_81 : i32
      %lt3A_83 = arith.constant 80 : i32
      %lt3A_84 = arith.cmpi slt, %add3A_82, %lt3A_83 : i32
      %convert_element_type3A_85 = arith.extui %lt3A_84 : i1 to i32
      %cond3A_86 = arith.constant 0 : i32
      %cond3A_87 = arith.cmpi ne, %convert_element_type3A_85, %cond3A_86 : i32
      scf.if %cond3A_87 {
        %dma_start3A_218 = arith.constant 0 : i32
        %dma_start3A_219 = tpu.memref_slice %arg7[%add3A_82, %dma_start3A_218] : memref<80x128xi32, #tpu.memory_space<vmem>> -> memref<1x128xi32, #tpu.memory_space<vmem>>
        %dma_start3A_220 = tpu.memref_squeeze %dma_start3A_219 : memref<1x128xi32, #tpu.memory_space<vmem>> -> memref<128xi32, #tpu.memory_space<vmem>>
        %dma_start3A_221 = arith.constant 0 : i32
        %dma_start3A_222 = arith.constant 0 : i32
        %dma_start3A_223 = tpu.memref_slice %arg4[%dma_start3A_221, %dma_start3A_222] : memref<10112x128xf32, #tpu.memory_space<hbm>> -> memref<10112x128xf32, #tpu.memory_space<hbm>>
        tpu.enqueue_indirect_dma source(%dma_start3A_223 : memref<10112x128xf32, #tpu.memory_space<hbm>>) target(%arg10 : memref<128x128xf32, #tpu.memory_space<vmem>>) offsets(%dma_start3A_220 : memref<128xi32, #tpu.memory_space<vmem>>) semaphore(%arg16 : memref<!tpu.dma_semaphore, #tpu.memory_space<semaphore_mem>>)
      } else {
      }
      %dma_wait3A_88 = arith.constant 0 : i32
      %dma_wait3A_89 = tpu.memref_slice %arg7[%add3A_80, %dma_wait3A_88] : memref<80x128xi32, #tpu.memory_space<vmem>> -> memref<1x128xi32, #tpu.memory_space<vmem>>
      %dma_wait3A_90 = tpu.memref_squeeze %dma_wait3A_89 : memref<1x128xi32, #tpu.memory_space<vmem>> -> memref<128xi32, #tpu.memory_space<vmem>>
      %dma_wait3A_91 = arith.constant 0 : i32
      %dma_wait3A_92 = arith.constant 0 : i32
      %dma_wait3A_93 = tpu.memref_slice %arg4[%dma_wait3A_91, %dma_wait3A_92] : memref<10112x128xf32, #tpu.memory_space<hbm>> -> memref<10112x128xf32, #tpu.memory_space<hbm>>
      tpu.wait_indirect_dma semaphore(%arg17 : memref<!tpu.dma_semaphore, #tpu.memory_space<semaphore_mem>>) src(%dma_wait3A_93 : memref<10112x128xf32, #tpu.memory_space<hbm>>) dst(%arg11 : memref<128x128xf32, #tpu.memory_space<vmem>>)
      %run_scoped3A_94 = arith.constant 1 : i32
      "tpu.region"() ({
        %run_scoped3A_218 = tpu.sem_alloc : memref<!tpu.dma_semaphore, #tpu.memory_space<semaphore_mem>>
        %dma_start3A_219 = arith.constant 0 : i32
        %dma_start3A_220 = tpu.memref_slice %arg8[%run_scoped3A_94, %dma_start3A_219] : memref<4x128xi32, #tpu.memory_space<vmem>> -> memref<1x128xi32, #tpu.memory_space<vmem>>
        %dma_start3A_221 = tpu.memref_squeeze %dma_start3A_220 : memref<1x128xi32, #tpu.memory_space<vmem>> -> memref<128xi32, #tpu.memory_space<vmem>>
        %dma_start3A_222 = arith.constant 0 : i32
        %dma_start3A_223 = arith.constant 0 : i32
        %dma_start3A_224 = tpu.memref_slice %arg12[%dma_start3A_222, %dma_start3A_223] : memref<10112x128xf32, #tpu.memory_space<vmem_shared>> -> memref<10112x128xf32, #tpu.memory_space<vmem_shared>>
        tpu.enqueue_indirect_dma source(%arg11 : memref<128x128xf32, #tpu.memory_space<vmem>>) target(%dma_start3A_224 : memref<10112x128xf32, #tpu.memory_space<vmem_shared>>) offsets(%dma_start3A_221 : memref<128xi32, #tpu.memory_space<vmem>>) semaphore(%run_scoped3A_218 : memref<!tpu.dma_semaphore, #tpu.memory_space<semaphore_mem>>) {add = true}
        %dma_wait3A_225 = arith.constant 0 : i32
        %dma_wait3A_226 = tpu.memref_slice %arg8[%run_scoped3A_94, %dma_wait3A_225] : memref<4x128xi32, #tpu.memory_space<vmem>> -> memref<1x128xi32, #tpu.memory_space<vmem>>
        %dma_wait3A_227 = tpu.memref_squeeze %dma_wait3A_226 : memref<1x128xi32, #tpu.memory_space<vmem>> -> memref<128xi32, #tpu.memory_space<vmem>>
        %dma_wait3A_228 = arith.constant 0 : i32
        %dma_wait3A_229 = arith.constant 0 : i32
        %dma_wait3A_230 = tpu.memref_slice %arg12[%dma_wait3A_228, %dma_wait3A_229] : memref<10112x128xf32, #tpu.memory_space<vmem_shared>> -> memref<10112x128xf32, #tpu.memory_space<vmem_shared>>
        tpu.wait_indirect_dma semaphore(%run_scoped3A_218 : memref<!tpu.dma_semaphore, #tpu.memory_space<semaphore_mem>>) src(%arg11 : memref<128x128xf32, #tpu.memory_space<vmem>>) dst(%dma_wait3A_230 : memref<10112x128xf32, #tpu.memory_space<vmem_shared>>)
        tpu.yield
      }) : () -> ()
      %add3A_95 = arith.constant 2 : i32
      %add3A_96 = arith.addi %mul3A_59, %add3A_95 : i32
      %add3A_97 = arith.constant 1 : i32
      %add3A_98 = arith.addi %add3A_96, %add3A_97 : i32
      %lt3A_99 = arith.constant 80 : i32
      %lt3A_100 = arith.cmpi slt, %add3A_98, %lt3A_99 : i32
      %convert_element_type3A_101 = arith.extui %lt3A_100 : i1 to i32
      %cond3A_102 = arith.constant 0 : i32
      %cond3A_103 = arith.cmpi ne, %convert_element_type3A_101, %cond3A_102 : i32
      scf.if %cond3A_103 {
        %dma_start3A_218 = arith.constant 0 : i32
        %dma_start3A_219 = tpu.memref_slice %arg7[%add3A_98, %dma_start3A_218] : memref<80x128xi32, #tpu.memory_space<vmem>> -> memref<1x128xi32, #tpu.memory_space<vmem>>
        %dma_start3A_220 = tpu.memref_squeeze %dma_start3A_219 : memref<1x128xi32, #tpu.memory_space<vmem>> -> memref<128xi32, #tpu.memory_space<vmem>>
        %dma_start3A_221 = arith.constant 0 : i32
        %dma_start3A_222 = arith.constant 0 : i32
        %dma_start3A_223 = tpu.memref_slice %arg4[%dma_start3A_221, %dma_start3A_222] : memref<10112x128xf32, #tpu.memory_space<hbm>> -> memref<10112x128xf32, #tpu.memory_space<hbm>>
        tpu.enqueue_indirect_dma source(%dma_start3A_223 : memref<10112x128xf32, #tpu.memory_space<hbm>>) target(%arg11 : memref<128x128xf32, #tpu.memory_space<vmem>>) offsets(%dma_start3A_220 : memref<128xi32, #tpu.memory_space<vmem>>) semaphore(%arg17 : memref<!tpu.dma_semaphore, #tpu.memory_space<semaphore_mem>>)
      } else {
      }
      %dma_wait3A_104 = arith.constant 0 : i32
      %dma_wait3A_105 = tpu.memref_slice %arg7[%add3A_96, %dma_wait3A_104] : memref<80x128xi32, #tpu.memory_space<vmem>> -> memref<1x128xi32, #tpu.memory_space<vmem>>
      %dma_wait3A_106 = tpu.memref_squeeze %dma_wait3A_105 : memref<1x128xi32, #tpu.memory_space<vmem>> -> memref<128xi32, #tpu.memory_space<vmem>>
      %dma_wait3A_107 = arith.constant 0 : i32
      %dma_wait3A_108 = arith.constant 0 : i32
      %dma_wait3A_109 = tpu.memref_slice %arg4[%dma_wait3A_107, %dma_wait3A_108] : memref<10112x128xf32, #tpu.memory_space<hbm>> -> memref<10112x128xf32, #tpu.memory_space<hbm>>
      tpu.wait_indirect_dma semaphore(%arg16 : memref<!tpu.dma_semaphore, #tpu.memory_space<semaphore_mem>>) src(%dma_wait3A_109 : memref<10112x128xf32, #tpu.memory_space<hbm>>) dst(%arg10 : memref<128x128xf32, #tpu.memory_space<vmem>>)
      %run_scoped3A_110 = arith.constant 2 : i32
      "tpu.region"() ({
        %run_scoped3A_218 = tpu.sem_alloc : memref<!tpu.dma_semaphore, #tpu.memory_space<semaphore_mem>>
        %dma_start3A_219 = arith.constant 0 : i32
        %dma_start3A_220 = tpu.memref_slice %arg8[%run_scoped3A_110, %dma_start3A_219] : memref<4x128xi32, #tpu.memory_space<vmem>> -> memref<1x128xi32, #tpu.memory_space<vmem>>
        %dma_start3A_221 = tpu.memref_squeeze %dma_start3A_220 : memref<1x128xi32, #tpu.memory_space<vmem>> -> memref<128xi32, #tpu.memory_space<vmem>>
        %dma_start3A_222 = arith.constant 0 : i32
        %dma_start3A_223 = arith.constant 0 : i32
        %dma_start3A_224 = tpu.memref_slice %arg12[%dma_start3A_222, %dma_start3A_223] : memref<10112x128xf32, #tpu.memory_space<vmem_shared>> -> memref<10112x128xf32, #tpu.memory_space<vmem_shared>>
        tpu.enqueue_indirect_dma source(%arg10 : memref<128x128xf32, #tpu.memory_space<vmem>>) target(%dma_start3A_224 : memref<10112x128xf32, #tpu.memory_space<vmem_shared>>) offsets(%dma_start3A_221 : memref<128xi32, #tpu.memory_space<vmem>>) semaphore(%run_scoped3A_218 : memref<!tpu.dma_semaphore, #tpu.memory_space<semaphore_mem>>) {add = true}
        %dma_wait3A_225 = arith.constant 0 : i32
        %dma_wait3A_226 = tpu.memref_slice %arg8[%run_scoped3A_110, %dma_wait3A_225] : memref<4x128xi32, #tpu.memory_space<vmem>> -> memref<1x128xi32, #tpu.memory_space<vmem>>
        %dma_wait3A_227 = tpu.memref_squeeze %dma_wait3A_226 : memref<1x128xi32, #tpu.memory_space<vmem>> -> memref<128xi32, #tpu.memory_space<vmem>>
        %dma_wait3A_228 = arith.constant 0 : i32
        %dma_wait3A_229 = arith.constant 0 : i32
        %dma_wait3A_230 = tpu.memref_slice %arg12[%dma_wait3A_228, %dma_wait3A_229] : memref<10112x128xf32, #tpu.memory_space<vmem_shared>> -> memref<10112x128xf32, #tpu.memory_space<vmem_shared>>
        tpu.wait_indirect_dma semaphore(%run_scoped3A_218 : memref<!tpu.dma_semaphore, #tpu.memory_space<semaphore_mem>>) src(%arg10 : memref<128x128xf32, #tpu.memory_space<vmem>>) dst(%dma_wait3A_230 : memref<10112x128xf32, #tpu.memory_space<vmem_shared>>)
        tpu.yield
      }) : () -> ()
      %add3A_111 = arith.constant 3 : i32
      %add3A_112 = arith.addi %mul3A_59, %add3A_111 : i32
      %add3A_113 = arith.constant 1 : i32
      %add3A_114 = arith.addi %add3A_112, %add3A_113 : i32
      %lt3A_115 = arith.constant 80 : i32
      %lt3A_116 = arith.cmpi slt, %add3A_114, %lt3A_115 : i32
      %convert_element_type3A_117 = arith.extui %lt3A_116 : i1 to i32
      %cond3A_118 = arith.constant 0 : i32
      %cond3A_119 = arith.cmpi ne, %convert_element_type3A_117, %cond3A_118 : i32
      scf.if %cond3A_119 {
        %dma_start3A_218 = arith.constant 0 : i32
        %dma_start3A_219 = tpu.memref_slice %arg7[%add3A_114, %dma_start3A_218] : memref<80x128xi32, #tpu.memory_space<vmem>> -> memref<1x128xi32, #tpu.memory_space<vmem>>
        %dma_start3A_220 = tpu.memref_squeeze %dma_start3A_219 : memref<1x128xi32, #tpu.memory_space<vmem>> -> memref<128xi32, #tpu.memory_space<vmem>>
        %dma_start3A_221 = arith.constant 0 : i32
        %dma_start3A_222 = arith.constant 0 : i32
        %dma_start3A_223 = tpu.memref_slice %arg4[%dma_start3A_221, %dma_start3A_222] : memref<10112x128xf32, #tpu.memory_space<hbm>> -> memref<10112x128xf32, #tpu.memory_space<hbm>>
        tpu.enqueue_indirect_dma source(%dma_start3A_223 : memref<10112x128xf32, #tpu.memory_space<hbm>>) target(%arg10 : memref<128x128xf32, #tpu.memory_space<vmem>>) offsets(%dma_start3A_220 : memref<128xi32, #tpu.memory_space<vmem>>) semaphore(%arg16 : memref<!tpu.dma_semaphore, #tpu.memory_space<semaphore_mem>>)
      } else {
      }
      %dma_wait3A_120 = arith.constant 0 : i32
      %dma_wait3A_121 = tpu.memref_slice %arg7[%add3A_112, %dma_wait3A_120] : memref<80x128xi32, #tpu.memory_space<vmem>> -> memref<1x128xi32, #tpu.memory_space<vmem>>
      %dma_wait3A_122 = tpu.memref_squeeze %dma_wait3A_121 : memref<1x128xi32, #tpu.memory_space<vmem>> -> memref<128xi32, #tpu.memory_space<vmem>>
      %dma_wait3A_123 = arith.constant 0 : i32
      %dma_wait3A_124 = arith.constant 0 : i32
      %dma_wait3A_125 = tpu.memref_slice %arg4[%dma_wait3A_123, %dma_wait3A_124] : memref<10112x128xf32, #tpu.memory_space<hbm>> -> memref<10112x128xf32, #tpu.memory_space<hbm>>
      tpu.wait_indirect_dma semaphore(%arg17 : memref<!tpu.dma_semaphore, #tpu.memory_space<semaphore_mem>>) src(%dma_wait3A_125 : memref<10112x128xf32, #tpu.memory_space<hbm>>) dst(%arg11 : memref<128x128xf32, #tpu.memory_space<vmem>>)
      %run_scoped3A_126 = arith.constant 3 : i32
      "tpu.region"() ({
        %run_scoped3A_218 = tpu.sem_alloc : memref<!tpu.dma_semaphore, #tpu.memory_space<semaphore_mem>>
        %dma_start3A_219 = arith.constant 0 : i32
        %dma_start3A_220 = tpu.memref_slice %arg8[%run_scoped3A_126, %dma_start3A_219] : memref<4x128xi32, #tpu.memory_space<vmem>> -> memref<1x128xi32, #tpu.memory_space<vmem>>
        %dma_start3A_221 = tpu.memref_squeeze %dma_start3A_220 : memref<1x128xi32, #tpu.memory_space<vmem>> -> memref<128xi32, #tpu.memory_space<vmem>>
        %dma_start3A_222 = arith.constant 0 : i32
        %dma_start3A_223 = arith.constant 0 : i32
        %dma_start3A_224 = tpu.memref_slice %arg12[%dma_start3A_222, %dma_start3A_223] : memref<10112x128xf32, #tpu.memory_space<vmem_shared>> -> memref<10112x128xf32, #tpu.memory_space<vmem_shared>>
        tpu.enqueue_indirect_dma source(%arg11 : memref<128x128xf32, #tpu.memory_space<vmem>>) target(%dma_start3A_224 : memref<10112x128xf32, #tpu.memory_space<vmem_shared>>) offsets(%dma_start3A_221 : memref<128xi32, #tpu.memory_space<vmem>>) semaphore(%run_scoped3A_218 : memref<!tpu.dma_semaphore, #tpu.memory_space<semaphore_mem>>) {add = true}
        %dma_wait3A_225 = arith.constant 0 : i32
        %dma_wait3A_226 = tpu.memref_slice %arg8[%run_scoped3A_126, %dma_wait3A_225] : memref<4x128xi32, #tpu.memory_space<vmem>> -> memref<1x128xi32, #tpu.memory_space<vmem>>
        %dma_wait3A_227 = tpu.memref_squeeze %dma_wait3A_226 : memref<1x128xi32, #tpu.memory_space<vmem>> -> memref<128xi32, #tpu.memory_space<vmem>>
        %dma_wait3A_228 = arith.constant 0 : i32
        %dma_wait3A_229 = arith.constant 0 : i32
        %dma_wait3A_230 = tpu.memref_slice %arg12[%dma_wait3A_228, %dma_wait3A_229] : memref<10112x128xf32, #tpu.memory_space<vmem_shared>> -> memref<10112x128xf32, #tpu.memory_space<vmem_shared>>
        tpu.wait_indirect_dma semaphore(%run_scoped3A_218 : memref<!tpu.dma_semaphore, #tpu.memory_space<semaphore_mem>>) src(%arg11 : memref<128x128xf32, #tpu.memory_space<vmem>>) dst(%dma_wait3A_230 : memref<10112x128xf32, #tpu.memory_space<vmem_shared>>)
        tpu.yield
      }) : () -> ()
      %add3A_127 = arith.constant 2 : i32
      %add3A_128 = arith.addi %add3A_57, %add3A_127 : i32
      %lt3A_129 = arith.constant 20 : i32
      %lt3A_130 = arith.cmpi slt, %add3A_128, %lt3A_129 : i32
      %convert_element_type3A_131 = arith.extui %lt3A_130 : i1 to i32
      %cond3A_132 = arith.constant 0 : i32
      %cond3A_133 = arith.cmpi ne, %convert_element_type3A_131, %cond3A_132 : i32
      scf.if %cond3A_133 {
        %add3A_218 = arith.constant 2 : i32
        %add3A_219 = arith.addi %add3A_57, %add3A_218 : i32
        %mul3A_220 = arith.constant 4 : i32
        %mul3A_221 = arith.muli %add3A_219, %mul3A_220 : i32
        %dma_start3A_222 = arith.constant 0 : i32
        %dma_start3A_223 = tpu.memref_slice %arg3[%add3A, %mul3A_221, %dma_start3A_222] : memref<32x80x128xi32, #tpu.memory_space<hbm>> -> memref<1x4x128xi32, #tpu.memory_space<hbm>>
        %dma_start3A_224 = tpu.memref_squeeze %dma_start3A_223 : memref<1x4x128xi32, #tpu.memory_space<hbm>> -> memref<4x128xi32, #tpu.memory_space<hbm>>
        %dma_start3A_225 = arith.constant 0 : i32
        %dma_start3A_226 = tpu.memref_slice %arg3[%add3A, %mul3A_221, %dma_start3A_225] : memref<32x80x128xi32, #tpu.memory_space<hbm>> -> memref<1x4x128xi32, #tpu.memory_space<hbm>>
        %dma_start3A_227 = tpu.memref_squeeze %dma_start3A_226 : memref<1x4x128xi32, #tpu.memory_space<hbm>> -> memref<4x128xi32, #tpu.memory_space<hbm>>
        tpu.enqueue_dma source(%dma_start3A_227 : memref<4x128xi32, #tpu.memory_space<hbm>>) target(%arg8 : memref<4x128xi32, #tpu.memory_space<vmem>>) target_semaphore(%arg14 : memref<!tpu.dma_semaphore, #tpu.memory_space<semaphore_mem>>)
      } else {
      }
      %mul3A_134 = arith.constant 2 : i32
      %mul3A_135 = arith.muli %while3A_53, %mul3A_134 : i32
      %add3A_136 = arith.constant 1 : i32
      %add3A_137 = arith.addi %mul3A_135, %add3A_136 : i32
      %mul3A_138 = arith.constant 4 : i32
      %mul3A_139 = arith.muli %add3A_137, %mul3A_138 : i32
      %dma_wait3A_140 = arith.constant 0 : i32
      %dma_wait3A_141 = arith.constant 0 : i32
      %dma_wait3A_142 = tpu.memref_slice %arg3[%add3A, %dma_wait3A_140, %dma_wait3A_141] : memref<32x80x128xi32, #tpu.memory_space<hbm>> -> memref<1x4x128xi32, #tpu.memory_space<hbm>>
      %dma_wait3A_143 = tpu.memref_squeeze %dma_wait3A_142 : memref<1x4x128xi32, #tpu.memory_space<hbm>> -> memref<4x128xi32, #tpu.memory_space<hbm>>
      %dma_wait3A_144 = arith.constant 0 : i32
      %dma_wait3A_145 = tpu.memref_slice %arg3[%add3A, %dma_wait3A_140, %dma_wait3A_144] : memref<32x80x128xi32, #tpu.memory_space<hbm>> -> memref<1x4x128xi32, #tpu.memory_space<hbm>>
      %dma_wait3A_146 = tpu.memref_squeeze %dma_wait3A_145 : memref<1x4x128xi32, #tpu.memory_space<hbm>> -> memref<4x128xi32, #tpu.memory_space<hbm>>
      tpu.wait_dma2 semaphore(%arg15 : memref<!tpu.dma_semaphore, #tpu.memory_space<semaphore_mem>>) src(%dma_wait3A_146 : memref<4x128xi32, #tpu.memory_space<hbm>>) dst(%arg9 : memref<4x128xi32, #tpu.memory_space<vmem>>)
      %add3A_147 = arith.constant 0 : i32
      %add3A_148 = arith.addi %mul3A_139, %add3A_147 : i32
      %add3A_149 = arith.constant 1 : i32
      %add3A_150 = arith.addi %add3A_148, %add3A_149 : i32
      %lt3A_151 = arith.constant 80 : i32
      %lt3A_152 = arith.cmpi slt, %add3A_150, %lt3A_151 : i32
      %convert_element_type3A_153 = arith.extui %lt3A_152 : i1 to i32
      %cond3A_154 = arith.constant 0 : i32
      %cond3A_155 = arith.cmpi ne, %convert_element_type3A_153, %cond3A_154 : i32
      scf.if %cond3A_155 {
        %dma_start3A_218 = arith.constant 0 : i32
        %dma_start3A_219 = tpu.memref_slice %arg7[%add3A_150, %dma_start3A_218] : memref<80x128xi32, #tpu.memory_space<vmem>> -> memref<1x128xi32, #tpu.memory_space<vmem>>
        %dma_start3A_220 = tpu.memref_squeeze %dma_start3A_219 : memref<1x128xi32, #tpu.memory_space<vmem>> -> memref<128xi32, #tpu.memory_space<vmem>>
        %dma_start3A_221 = arith.constant 0 : i32
        %dma_start3A_222 = arith.constant 0 : i32
        %dma_start3A_223 = tpu.memref_slice %arg4[%dma_start3A_221, %dma_start3A_222] : memref<10112x128xf32, #tpu.memory_space<hbm>> -> memref<10112x128xf32, #tpu.memory_space<hbm>>
        tpu.enqueue_indirect_dma source(%dma_start3A_223 : memref<10112x128xf32, #tpu.memory_space<hbm>>) target(%arg11 : memref<128x128xf32, #tpu.memory_space<vmem>>) offsets(%dma_start3A_220 : memref<128xi32, #tpu.memory_space<vmem>>) semaphore(%arg17 : memref<!tpu.dma_semaphore, #tpu.memory_space<semaphore_mem>>)
      } else {
      }
      %dma_wait3A_156 = arith.constant 0 : i32
      %dma_wait3A_157 = tpu.memref_slice %arg7[%add3A_148, %dma_wait3A_156] : memref<80x128xi32, #tpu.memory_space<vmem>> -> memref<1x128xi32, #tpu.memory_space<vmem>>
      %dma_wait3A_158 = tpu.memref_squeeze %dma_wait3A_157 : memref<1x128xi32, #tpu.memory_space<vmem>> -> memref<128xi32, #tpu.memory_space<vmem>>
      %dma_wait3A_159 = arith.constant 0 : i32
      %dma_wait3A_160 = arith.constant 0 : i32
      %dma_wait3A_161 = tpu.memref_slice %arg4[%dma_wait3A_159, %dma_wait3A_160] : memref<10112x128xf32, #tpu.memory_space<hbm>> -> memref<10112x128xf32, #tpu.memory_space<hbm>>
      tpu.wait_indirect_dma semaphore(%arg16 : memref<!tpu.dma_semaphore, #tpu.memory_space<semaphore_mem>>) src(%dma_wait3A_161 : memref<10112x128xf32, #tpu.memory_space<hbm>>) dst(%arg10 : memref<128x128xf32, #tpu.memory_space<vmem>>)
      %run_scoped3A_162 = arith.constant 0 : i32
      "tpu.region"() ({
        %run_scoped3A_218 = tpu.sem_alloc : memref<!tpu.dma_semaphore, #tpu.memory_space<semaphore_mem>>
        %dma_start3A_219 = arith.constant 0 : i32
        %dma_start3A_220 = tpu.memref_slice %arg9[%run_scoped3A_162, %dma_start3A_219] : memref<4x128xi32, #tpu.memory_space<vmem>> -> memref<1x128xi32, #tpu.memory_space<vmem>>
        %dma_start3A_221 = tpu.memref_squeeze %dma_start3A_220 : memref<1x128xi32, #tpu.memory_space<vmem>> -> memref<128xi32, #tpu.memory_space<vmem>>
        %dma_start3A_222 = arith.constant 0 : i32
        %dma_start3A_223 = arith.constant 0 : i32
        %dma_start3A_224 = tpu.memref_slice %arg12[%dma_start3A_222, %dma_start3A_223] : memref<10112x128xf32, #tpu.memory_space<vmem_shared>> -> memref<10112x128xf32, #tpu.memory_space<vmem_shared>>
        tpu.enqueue_indirect_dma source(%arg10 : memref<128x128xf32, #tpu.memory_space<vmem>>) target(%dma_start3A_224 : memref<10112x128xf32, #tpu.memory_space<vmem_shared>>) offsets(%dma_start3A_221 : memref<128xi32, #tpu.memory_space<vmem>>) semaphore(%run_scoped3A_218 : memref<!tpu.dma_semaphore, #tpu.memory_space<semaphore_mem>>) {add = true}
        %dma_wait3A_225 = arith.constant 0 : i32
        %dma_wait3A_226 = tpu.memref_slice %arg9[%run_scoped3A_162, %dma_wait3A_225] : memref<4x128xi32, #tpu.memory_space<vmem>> -> memref<1x128xi32, #tpu.memory_space<vmem>>
        %dma_wait3A_227 = tpu.memref_squeeze %dma_wait3A_226 : memref<1x128xi32, #tpu.memory_space<vmem>> -> memref<128xi32, #tpu.memory_space<vmem>>
        %dma_wait3A_228 = arith.constant 0 : i32
        %dma_wait3A_229 = arith.constant 0 : i32
        %dma_wait3A_230 = tpu.memref_slice %arg12[%dma_wait3A_228, %dma_wait3A_229] : memref<10112x128xf32, #tpu.memory_space<vmem_shared>> -> memref<10112x128xf32, #tpu.memory_space<vmem_shared>>
        tpu.wait_indirect_dma semaphore(%run_scoped3A_218 : memref<!tpu.dma_semaphore, #tpu.memory_space<semaphore_mem>>) src(%arg10 : memref<128x128xf32, #tpu.memory_space<vmem>>) dst(%dma_wait3A_230 : memref<10112x128xf32, #tpu.memory_space<vmem_shared>>)
        tpu.yield
      }) : () -> ()
      %add3A_163 = arith.constant 1 : i32
      %add3A_164 = arith.addi %mul3A_139, %add3A_163 : i32
      %add3A_165 = arith.constant 1 : i32
      %add3A_166 = arith.addi %add3A_164, %add3A_165 : i32
      %lt3A_167 = arith.constant 80 : i32
      %lt3A_168 = arith.cmpi slt, %add3A_166, %lt3A_167 : i32
      %convert_element_type3A_169 = arith.extui %lt3A_168 : i1 to i32
      %cond3A_170 = arith.constant 0 : i32
      %cond3A_171 = arith.cmpi ne, %convert_element_type3A_169, %cond3A_170 : i32
      scf.if %cond3A_171 {
        %dma_start3A_218 = arith.constant 0 : i32
        %dma_start3A_219 = tpu.memref_slice %arg7[%add3A_166, %dma_start3A_218] : memref<80x128xi32, #tpu.memory_space<vmem>> -> memref<1x128xi32, #tpu.memory_space<vmem>>
        %dma_start3A_220 = tpu.memref_squeeze %dma_start3A_219 : memref<1x128xi32, #tpu.memory_space<vmem>> -> memref<128xi32, #tpu.memory_space<vmem>>
        %dma_start3A_221 = arith.constant 0 : i32
        %dma_start3A_222 = arith.constant 0 : i32
        %dma_start3A_223 = tpu.memref_slice %arg4[%dma_start3A_221, %dma_start3A_222] : memref<10112x128xf32, #tpu.memory_space<hbm>> -> memref<10112x128xf32, #tpu.memory_space<hbm>>
        tpu.enqueue_indirect_dma source(%dma_start3A_223 : memref<10112x128xf32, #tpu.memory_space<hbm>>) target(%arg10 : memref<128x128xf32, #tpu.memory_space<vmem>>) offsets(%dma_start3A_220 : memref<128xi32, #tpu.memory_space<vmem>>) semaphore(%arg16 : memref<!tpu.dma_semaphore, #tpu.memory_space<semaphore_mem>>)
      } else {
      }
      %dma_wait3A_172 = arith.constant 0 : i32
      %dma_wait3A_173 = tpu.memref_slice %arg7[%add3A_164, %dma_wait3A_172] : memref<80x128xi32, #tpu.memory_space<vmem>> -> memref<1x128xi32, #tpu.memory_space<vmem>>
      %dma_wait3A_174 = tpu.memref_squeeze %dma_wait3A_173 : memref<1x128xi32, #tpu.memory_space<vmem>> -> memref<128xi32, #tpu.memory_space<vmem>>
      %dma_wait3A_175 = arith.constant 0 : i32
      %dma_wait3A_176 = arith.constant 0 : i32
      %dma_wait3A_177 = tpu.memref_slice %arg4[%dma_wait3A_175, %dma_wait3A_176] : memref<10112x128xf32, #tpu.memory_space<hbm>> -> memref<10112x128xf32, #tpu.memory_space<hbm>>
      tpu.wait_indirect_dma semaphore(%arg17 : memref<!tpu.dma_semaphore, #tpu.memory_space<semaphore_mem>>) src(%dma_wait3A_177 : memref<10112x128xf32, #tpu.memory_space<hbm>>) dst(%arg11 : memref<128x128xf32, #tpu.memory_space<vmem>>)
      %run_scoped3A_178 = arith.constant 1 : i32
      "tpu.region"() ({
        %run_scoped3A_218 = tpu.sem_alloc : memref<!tpu.dma_semaphore, #tpu.memory_space<semaphore_mem>>
        %dma_start3A_219 = arith.constant 0 : i32
        %dma_start3A_220 = tpu.memref_slice %arg9[%run_scoped3A_178, %dma_start3A_219] : memref<4x128xi32, #tpu.memory_space<vmem>> -> memref<1x128xi32, #tpu.memory_space<vmem>>
        %dma_start3A_221 = tpu.memref_squeeze %dma_start3A_220 : memref<1x128xi32, #tpu.memory_space<vmem>> -> memref<128xi32, #tpu.memory_space<vmem>>
        %dma_start3A_222 = arith.constant 0 : i32
        %dma_start3A_223 = arith.constant 0 : i32
        %dma_start3A_224 = tpu.memref_slice %arg12[%dma_start3A_222, %dma_start3A_223] : memref<10112x128xf32, #tpu.memory_space<vmem_shared>> -> memref<10112x128xf32, #tpu.memory_space<vmem_shared>>
        tpu.enqueue_indirect_dma source(%arg11 : memref<128x128xf32, #tpu.memory_space<vmem>>) target(%dma_start3A_224 : memref<10112x128xf32, #tpu.memory_space<vmem_shared>>) offsets(%dma_start3A_221 : memref<128xi32, #tpu.memory_space<vmem>>) semaphore(%run_scoped3A_218 : memref<!tpu.dma_semaphore, #tpu.memory_space<semaphore_mem>>) {add = true}
        %dma_wait3A_225 = arith.constant 0 : i32
        %dma_wait3A_226 = tpu.memref_slice %arg9[%run_scoped3A_178, %dma_wait3A_225] : memref<4x128xi32, #tpu.memory_space<vmem>> -> memref<1x128xi32, #tpu.memory_space<vmem>>
        %dma_wait3A_227 = tpu.memref_squeeze %dma_wait3A_226 : memref<1x128xi32, #tpu.memory_space<vmem>> -> memref<128xi32, #tpu.memory_space<vmem>>
        %dma_wait3A_228 = arith.constant 0 : i32
        %dma_wait3A_229 = arith.constant 0 : i32
        %dma_wait3A_230 = tpu.memref_slice %arg12[%dma_wait3A_228, %dma_wait3A_229] : memref<10112x128xf32, #tpu.memory_space<vmem_shared>> -> memref<10112x128xf32, #tpu.memory_space<vmem_shared>>
        tpu.wait_indirect_dma semaphore(%run_scoped3A_218 : memref<!tpu.dma_semaphore, #tpu.memory_space<semaphore_mem>>) src(%arg11 : memref<128x128xf32, #tpu.memory_space<vmem>>) dst(%dma_wait3A_230 : memref<10112x128xf32, #tpu.memory_space<vmem_shared>>)
        tpu.yield
      }) : () -> ()
      %add3A_179 = arith.constant 2 : i32
      %add3A_180 = arith.addi %mul3A_139, %add3A_179 : i32
      %add3A_181 = arith.constant 1 : i32
      %add3A_182 = arith.addi %add3A_180, %add3A_181 : i32
      %lt3A_183 = arith.constant 80 : i32
      %lt3A_184 = arith.cmpi slt, %add3A_182, %lt3A_183 : i32
      %convert_element_type3A_185 = arith.extui %lt3A_184 : i1 to i32
      %cond3A_186 = arith.constant 0 : i32
      %cond3A_187 = arith.cmpi ne, %convert_element_type3A_185, %cond3A_186 : i32
      scf.if %cond3A_187 {
        %dma_start3A_218 = arith.constant 0 : i32
        %dma_start3A_219 = tpu.memref_slice %arg7[%add3A_182, %dma_start3A_218] : memref<80x128xi32, #tpu.memory_space<vmem>> -> memref<1x128xi32, #tpu.memory_space<vmem>>
        %dma_start3A_220 = tpu.memref_squeeze %dma_start3A_219 : memref<1x128xi32, #tpu.memory_space<vmem>> -> memref<128xi32, #tpu.memory_space<vmem>>
        %dma_start3A_221 = arith.constant 0 : i32
        %dma_start3A_222 = arith.constant 0 : i32
        %dma_start3A_223 = tpu.memref_slice %arg4[%dma_start3A_221, %dma_start3A_222] : memref<10112x128xf32, #tpu.memory_space<hbm>> -> memref<10112x128xf32, #tpu.memory_space<hbm>>
        tpu.enqueue_indirect_dma source(%dma_start3A_223 : memref<10112x128xf32, #tpu.memory_space<hbm>>) target(%arg11 : memref<128x128xf32, #tpu.memory_space<vmem>>) offsets(%dma_start3A_220 : memref<128xi32, #tpu.memory_space<vmem>>) semaphore(%arg17 : memref<!tpu.dma_semaphore, #tpu.memory_space<semaphore_mem>>)
      } else {
      }
      %dma_wait3A_188 = arith.constant 0 : i32
      %dma_wait3A_189 = tpu.memref_slice %arg7[%add3A_180, %dma_wait3A_188] : memref<80x128xi32, #tpu.memory_space<vmem>> -> memref<1x128xi32, #tpu.memory_space<vmem>>
      %dma_wait3A_190 = tpu.memref_squeeze %dma_wait3A_189 : memref<1x128xi32, #tpu.memory_space<vmem>> -> memref<128xi32, #tpu.memory_space<vmem>>
      %dma_wait3A_191 = arith.constant 0 : i32
      %dma_wait3A_192 = arith.constant 0 : i32
      %dma_wait3A_193 = tpu.memref_slice %arg4[%dma_wait3A_191, %dma_wait3A_192] : memref<10112x128xf32, #tpu.memory_space<hbm>> -> memref<10112x128xf32, #tpu.memory_space<hbm>>
      tpu.wait_indirect_dma semaphore(%arg16 : memref<!tpu.dma_semaphore, #tpu.memory_space<semaphore_mem>>) src(%dma_wait3A_193 : memref<10112x128xf32, #tpu.memory_space<hbm>>) dst(%arg10 : memref<128x128xf32, #tpu.memory_space<vmem>>)
      %run_scoped3A_194 = arith.constant 2 : i32
      "tpu.region"() ({
        %run_scoped3A_218 = tpu.sem_alloc : memref<!tpu.dma_semaphore, #tpu.memory_space<semaphore_mem>>
        %dma_start3A_219 = arith.constant 0 : i32
        %dma_start3A_220 = tpu.memref_slice %arg9[%run_scoped3A_194, %dma_start3A_219] : memref<4x128xi32, #tpu.memory_space<vmem>> -> memref<1x128xi32, #tpu.memory_space<vmem>>
        %dma_start3A_221 = tpu.memref_squeeze %dma_start3A_220 : memref<1x128xi32, #tpu.memory_space<vmem>> -> memref<128xi32, #tpu.memory_space<vmem>>
        %dma_start3A_222 = arith.constant 0 : i32
        %dma_start3A_223 = arith.constant 0 : i32
        %dma_start3A_224 = tpu.memref_slice %arg12[%dma_start3A_222, %dma_start3A_223] : memref<10112x128xf32, #tpu.memory_space<vmem_shared>> -> memref<10112x128xf32, #tpu.memory_space<vmem_shared>>
        tpu.enqueue_indirect_dma source(%arg10 : memref<128x128xf32, #tpu.memory_space<vmem>>) target(%dma_start3A_224 : memref<10112x128xf32, #tpu.memory_space<vmem_shared>>) offsets(%dma_start3A_221 : memref<128xi32, #tpu.memory_space<vmem>>) semaphore(%run_scoped3A_218 : memref<!tpu.dma_semaphore, #tpu.memory_space<semaphore_mem>>) {add = true}
        %dma_wait3A_225 = arith.constant 0 : i32
        %dma_wait3A_226 = tpu.memref_slice %arg9[%run_scoped3A_194, %dma_wait3A_225] : memref<4x128xi32, #tpu.memory_space<vmem>> -> memref<1x128xi32, #tpu.memory_space<vmem>>
        %dma_wait3A_227 = tpu.memref_squeeze %dma_wait3A_226 : memref<1x128xi32, #tpu.memory_space<vmem>> -> memref<128xi32, #tpu.memory_space<vmem>>
        %dma_wait3A_228 = arith.constant 0 : i32
        %dma_wait3A_229 = arith.constant 0 : i32
        %dma_wait3A_230 = tpu.memref_slice %arg12[%dma_wait3A_228, %dma_wait3A_229] : memref<10112x128xf32, #tpu.memory_space<vmem_shared>> -> memref<10112x128xf32, #tpu.memory_space<vmem_shared>>
        tpu.wait_indirect_dma semaphore(%run_scoped3A_218 : memref<!tpu.dma_semaphore, #tpu.memory_space<semaphore_mem>>) src(%arg10 : memref<128x128xf32, #tpu.memory_space<vmem>>) dst(%dma_wait3A_230 : memref<10112x128xf32, #tpu.memory_space<vmem_shared>>)
        tpu.yield
      }) : () -> ()
      %add3A_195 = arith.constant 3 : i32
      %add3A_196 = arith.addi %mul3A_139, %add3A_195 : i32
      %add3A_197 = arith.constant 1 : i32
      %add3A_198 = arith.addi %add3A_196, %add3A_197 : i32
      %lt3A_199 = arith.constant 80 : i32
      %lt3A_200 = arith.cmpi slt, %add3A_198, %lt3A_199 : i32
      %convert_element_type3A_201 = arith.extui %lt3A_200 : i1 to i32
      %cond3A_202 = arith.constant 0 : i32
      %cond3A_203 = arith.cmpi ne, %convert_element_type3A_201, %cond3A_202 : i32
      scf.if %cond3A_203 {
        %dma_start3A_218 = arith.constant 0 : i32
        %dma_start3A_219 = tpu.memref_slice %arg7[%add3A_198, %dma_start3A_218] : memref<80x128xi32, #tpu.memory_space<vmem>> -> memref<1x128xi32, #tpu.memory_space<vmem>>
        %dma_start3A_220 = tpu.memref_squeeze %dma_start3A_219 : memref<1x128xi32, #tpu.memory_space<vmem>> -> memref<128xi32, #tpu.memory_space<vmem>>
        %dma_start3A_221 = arith.constant 0 : i32
        %dma_start3A_222 = arith.constant 0 : i32
        %dma_start3A_223 = tpu.memref_slice %arg4[%dma_start3A_221, %dma_start3A_222] : memref<10112x128xf32, #tpu.memory_space<hbm>> -> memref<10112x128xf32, #tpu.memory_space<hbm>>
        tpu.enqueue_indirect_dma source(%dma_start3A_223 : memref<10112x128xf32, #tpu.memory_space<hbm>>) target(%arg10 : memref<128x128xf32, #tpu.memory_space<vmem>>) offsets(%dma_start3A_220 : memref<128xi32, #tpu.memory_space<vmem>>) semaphore(%arg16 : memref<!tpu.dma_semaphore, #tpu.memory_space<semaphore_mem>>)
      } else {
      }
      %dma_wait3A_204 = arith.constant 0 : i32
      %dma_wait3A_205 = tpu.memref_slice %arg7[%add3A_196, %dma_wait3A_204] : memref<80x128xi32, #tpu.memory_space<vmem>> -> memref<1x128xi32, #tpu.memory_space<vmem>>
      %dma_wait3A_206 = tpu.memref_squeeze %dma_wait3A_205 : memref<1x128xi32, #tpu.memory_space<vmem>> -> memref<128xi32, #tpu.memory_space<vmem>>
      %dma_wait3A_207 = arith.constant 0 : i32
      %dma_wait3A_208 = arith.constant 0 : i32
      %dma_wait3A_209 = tpu.memref_slice %arg4[%dma_wait3A_207, %dma_wait3A_208] : memref<10112x128xf32, #tpu.memory_space<hbm>> -> memref<10112x128xf32, #tpu.memory_space<hbm>>
      tpu.wait_indirect_dma semaphore(%arg17 : memref<!tpu.dma_semaphore, #tpu.memory_space<semaphore_mem>>) src(%dma_wait3A_209 : memref<10112x128xf32, #tpu.memory_space<hbm>>) dst(%arg11 : memref<128x128xf32, #tpu.memory_space<vmem>>)
      %run_scoped3A_210 = arith.constant 3 : i32
      "tpu.region"() ({
        %run_scoped3A_218 = tpu.sem_alloc : memref<!tpu.dma_semaphore, #tpu.memory_space<semaphore_mem>>
        %dma_start3A_219 = arith.constant 0 : i32
        %dma_start3A_220 = tpu.memref_slice %arg9[%run_scoped3A_210, %dma_start3A_219] : memref<4x128xi32, #tpu.memory_space<vmem>> -> memref<1x128xi32, #tpu.memory_space<vmem>>
        %dma_start3A_221 = tpu.memref_squeeze %dma_start3A_220 : memref<1x128xi32, #tpu.memory_space<vmem>> -> memref<128xi32, #tpu.memory_space<vmem>>
        %dma_start3A_222 = arith.constant 0 : i32
        %dma_start3A_223 = arith.constant 0 : i32
        %dma_start3A_224 = tpu.memref_slice %arg12[%dma_start3A_222, %dma_start3A_223] : memref<10112x128xf32, #tpu.memory_space<vmem_shared>> -> memref<10112x128xf32, #tpu.memory_space<vmem_shared>>
        tpu.enqueue_indirect_dma source(%arg11 : memref<128x128xf32, #tpu.memory_space<vmem>>) target(%dma_start3A_224 : memref<10112x128xf32, #tpu.memory_space<vmem_shared>>) offsets(%dma_start3A_221 : memref<128xi32, #tpu.memory_space<vmem>>) semaphore(%run_scoped3A_218 : memref<!tpu.dma_semaphore, #tpu.memory_space<semaphore_mem>>) {add = true}
        %dma_wait3A_225 = arith.constant 0 : i32
        %dma_wait3A_226 = tpu.memref_slice %arg9[%run_scoped3A_210, %dma_wait3A_225] : memref<4x128xi32, #tpu.memory_space<vmem>> -> memref<1x128xi32, #tpu.memory_space<vmem>>
        %dma_wait3A_227 = tpu.memref_squeeze %dma_wait3A_226 : memref<1x128xi32, #tpu.memory_space<vmem>> -> memref<128xi32, #tpu.memory_space<vmem>>
        %dma_wait3A_228 = arith.constant 0 : i32
        %dma_wait3A_229 = arith.constant 0 : i32
        %dma_wait3A_230 = tpu.memref_slice %arg12[%dma_wait3A_228, %dma_wait3A_229] : memref<10112x128xf32, #tpu.memory_space<vmem_shared>> -> memref<10112x128xf32, #tpu.memory_space<vmem_shared>>
        tpu.wait_indirect_dma semaphore(%run_scoped3A_218 : memref<!tpu.dma_semaphore, #tpu.memory_space<semaphore_mem>>) src(%arg11 : memref<128x128xf32, #tpu.memory_space<vmem>>) dst(%dma_wait3A_230 : memref<10112x128xf32, #tpu.memory_space<vmem_shared>>)
        tpu.yield
      }) : () -> ()
      %add3A_211 = arith.constant 2 : i32
      %add3A_212 = arith.addi %add3A_137, %add3A_211 : i32
      %lt3A_213 = arith.constant 20 : i32
      %lt3A_214 = arith.cmpi slt, %add3A_212, %lt3A_213 : i32
      %convert_element_type3A_215 = arith.extui %lt3A_214 : i1 to i32
      %cond3A_216 = arith.constant 0 : i32
      %cond3A_217 = arith.cmpi ne, %convert_element_type3A_215, %cond3A_216 : i32
      scf.if %cond3A_217 {
        %add3A_218 = arith.constant 2 : i32
        %add3A_219 = arith.addi %add3A_137, %add3A_218 : i32
        %mul3A_220 = arith.constant 4 : i32
        %mul3A_221 = arith.muli %add3A_219, %mul3A_220 : i32
        %dma_start3A_222 = arith.constant 0 : i32
        %dma_start3A_223 = tpu.memref_slice %arg3[%add3A, %mul3A_221, %dma_start3A_222] : memref<32x80x128xi32, #tpu.memory_space<hbm>> -> memref<1x4x128xi32, #tpu.memory_space<hbm>>
        %dma_start3A_224 = tpu.memref_squeeze %dma_start3A_223 : memref<1x4x128xi32, #tpu.memory_space<hbm>> -> memref<4x128xi32, #tpu.memory_space<hbm>>
        %dma_start3A_225 = arith.constant 0 : i32
        %dma_start3A_226 = tpu.memref_slice %arg3[%add3A, %mul3A_221, %dma_start3A_225] : memref<32x80x128xi32, #tpu.memory_space<hbm>> -> memref<1x4x128xi32, #tpu.memory_space<hbm>>
        %dma_start3A_227 = tpu.memref_squeeze %dma_start3A_226 : memref<1x4x128xi32, #tpu.memory_space<hbm>> -> memref<4x128xi32, #tpu.memory_space<hbm>>
        tpu.enqueue_dma source(%dma_start3A_227 : memref<4x128xi32, #tpu.memory_space<hbm>>) target(%arg9 : memref<4x128xi32, #tpu.memory_space<vmem>>) target_semaphore(%arg15 : memref<!tpu.dma_semaphore, #tpu.memory_space<semaphore_mem>>)
      } else {
      }
    }
    %barrier3A_48 = arith.constant 0 : index
    tpu.barrier barrier_id(%barrier3A_48)
    %mul3A_49 = arith.constant 632 : i32
    %mul3A_50 = arith.muli %arg1, %mul3A_49 : i32
    %mul3A_51 = arith.constant 632 : i32
    %mul3A_52 = arith.muli %arg1, %mul3A_51 : i32
    "tpu.region"() ({
      %run_scoped3A = tpu.sem_alloc : memref<!tpu.dma_semaphore, #tpu.memory_space<semaphore_mem>>
      %dma_start3A_53 = arith.constant 0 : i32
      %dma_start3A_54 = tpu.memref_slice %arg6[%arg0, %mul3A_52, %dma_start3A_53] : memref<2x10112x128xf32, #tpu.memory_space<hbm>> -> memref<1x632x128xf32, #tpu.memory_space<hbm>>
      %dma_start3A_55 = tpu.memref_squeeze %dma_start3A_54 : memref<1x632x128xf32, #tpu.memory_space<hbm>> -> memref<632x128xf32, #tpu.memory_space<hbm>>
      %dma_start3A_56 = arith.constant 0 : i32
      %dma_start3A_57 = tpu.memref_slice %arg12[%mul3A_50, %dma_start3A_56] : memref<10112x128xf32, #tpu.memory_space<vmem_shared>> -> memref<632x128xf32, #tpu.memory_space<vmem_shared>>
      tpu.enqueue_dma source(%dma_start3A_57 : memref<632x128xf32, #tpu.memory_space<vmem_shared>>) target(%dma_start3A_55 : memref<632x128xf32, #tpu.memory_space<hbm>>) target_semaphore(%run_scoped3A : memref<!tpu.dma_semaphore, #tpu.memory_space<semaphore_mem>>)
      %dma_wait3A_58 = arith.constant 0 : i32
      %dma_wait3A_59 = tpu.memref_slice %arg6[%arg0, %mul3A_52, %dma_wait3A_58] : memref<2x10112x128xf32, #tpu.memory_space<hbm>> -> memref<1x632x128xf32, #tpu.memory_space<hbm>>
      %dma_wait3A_60 = tpu.memref_squeeze %dma_wait3A_59 : memref<1x632x128xf32, #tpu.memory_space<hbm>> -> memref<632x128xf32, #tpu.memory_space<hbm>>
      %dma_wait3A_61 = arith.constant 0 : i32
      %dma_wait3A_62 = tpu.memref_slice %arg12[%mul3A_50, %dma_wait3A_61] : memref<10112x128xf32, #tpu.memory_space<vmem_shared>> -> memref<632x128xf32, #tpu.memory_space<vmem_shared>>
      tpu.wait_dma2 semaphore(%run_scoped3A : memref<!tpu.dma_semaphore, #tpu.memory_space<semaphore_mem>>) src(%dma_wait3A_62 : memref<632x128xf32, #tpu.memory_space<vmem_shared>>) dst(%dma_wait3A_60 : memref<632x128xf32, #tpu.memory_space<hbm>>)
      tpu.yield
    }) : () -> ()
    return
  }
}

module attributes {stable_mosaic.version = 14 : i64} {
  func.func @body(%arg0: memref<1x1xf32, #tpu.memory_space<vmem>>, %arg1: memref<1x1xf32, #tpu.memory_space<vmem>>, %arg2: memref<32x2x640x128xf32, #tpu.memory_space<vmem>>, %arg3: memref<10112x128xf32, #tpu.memory_space<vmem>>, %arg4: memref<10112x128xf32, #tpu.memory_space<vmem>>, %arg5: memref<10112x128xf32, #tpu.memory_space<vmem>>, %arg6: memref<10112x128xf32, #tpu.memory_space<vmem>>, %arg7: memref<79x128xf32, #tpu.memory_space<vmem>>) attributes {dimension_semantics = [], scalar_prefetch = 0 : i64, scratch_operands = 0 : i64, tpu.core_type = #tpu.core_type<tc>} {
    %get3A = arith.constant 0 : index
    %get3A_0 = arith.constant 0 : index
    %get3A_1 = vector.load %arg0[%get3A, %get3A_0] : memref<1x1xf32, #tpu.memory_space<vmem>>, vector<1x1xf32>
    %get3A_2 = vector.extract %get3A_1[0, 0] : f32 from vector<1x1xf32>
    %get3A_3 = arith.constant 0 : index
    %get3A_4 = arith.constant 0 : index
    %get3A_5 = vector.load %arg1[%get3A_3, %get3A_4] : memref<1x1xf32, #tpu.memory_space<vmem>>, vector<1x1xf32>
    %get3A_6 = vector.extract %get3A_5[0, 0] : f32 from vector<1x1xf32>
    %get3A_7 = arith.constant 0 : index
    %get3A_8 = arith.constant 0 : index
    %get3A_9 = arith.constant 0 : index
    %get3A_10 = arith.constant 0 : index
    %get3A_11 = vector.load %arg2[%get3A_7, %get3A_8, %get3A_9, %get3A_10] : memref<32x2x640x128xf32, #tpu.memory_space<vmem>>, vector<32x2x640x128xf32>
    %slice3A = vector.extract_strided_slice %get3A_11 {offsets = [0, 0, 0, 0], sizes = [32, 1, 640, 128], strides = [1, 1, 1, 1]} : vector<32x2x640x128xf32> to vector<32x1x640x128xf32>
    %squeeze3A = vector.shape_cast %slice3A : vector<32x1x640x128xf32> to vector<32x640x128xf32>
    %reshape3A = vector.shape_cast %squeeze3A : vector<32x640x128xf32> to vector<32x40x16x128xf32>
    %reduce_sum3A = arith.constant dense<0.000000e+00> : vector<40x128xf32>
    %reduce_sum3A_12 = vector.multi_reduction <add>, %reshape3A, %reduce_sum3A [0, 2] : vector<32x40x16x128xf32> to vector<40x128xf32>
    %slice3A_13 = vector.extract_strided_slice %get3A_11 {offsets = [0, 1, 0, 0], sizes = [32, 1, 640, 128], strides = [1, 1, 1, 1]} : vector<32x2x640x128xf32> to vector<32x1x640x128xf32>
    %squeeze3A_14 = vector.shape_cast %slice3A_13 : vector<32x1x640x128xf32> to vector<32x640x128xf32>
    %reshape3A_15 = vector.shape_cast %squeeze3A_14 : vector<32x640x128xf32> to vector<32x40x16x128xf32>
    %reduce_sum3A_16 = arith.constant dense<0.000000e+00> : vector<40x128xf32>
    %reduce_sum3A_17 = vector.multi_reduction <add>, %reshape3A_15, %reduce_sum3A_16 [0, 2] : vector<32x40x16x128xf32> to vector<40x128xf32>
    %concatenate3A = tpu.concatenate %reduce_sum3A_12, %reduce_sum3A_17 in 0 : vector<40x128xf32>, vector<40x128xf32> -> vector<80x128xf32>
    %slice3A_18 = vector.extract_strided_slice %concatenate3A {offsets = [0, 0], sizes = [79, 128], strides = [1, 1]} : vector<80x128xf32> to vector<79x128xf32>
    %mul3A = vector.broadcast %get3A_6 : f32 to vector<79x128xf32>
    %mul3A_19 = arith.mulf %mul3A, %slice3A_18 : vector<79x128xf32>
    %sub3A = arith.constant 1.000000e+00 : f32
    %sub3A_20 = arith.subf %sub3A, %get3A_6 : f32
    %add3A = vector.broadcast %sub3A_20 : f32 to vector<79x128xf32>
    %add3A_21 = arith.addf %mul3A_19, %add3A : vector<79x128xf32>
    %rsqrt3A = math.rsqrt %add3A_21 : vector<79x128xf32>
    %get3A_22 = arith.constant 0 : index
    %get3A_23 = arith.constant 0 : index
    %get3A_24 = vector.load %arg3[%get3A_22, %get3A_23] : memref<10112x128xf32, #tpu.memory_space<vmem>>, vector<10112x128xf32>
    %reshape3A_25 = vector.shape_cast %get3A_24 : vector<10112x128xf32> to vector<79x128x128xf32>
    %broadcast_in_dim3A = vector.shape_cast %rsqrt3A : vector<79x128xf32> to vector<79x128x1xf32>
    %mul3A_26 = vector.broadcast %broadcast_in_dim3A : vector<79x128x1xf32> to vector<79x128x128xf32>
    %mul3A_27 = arith.mulf %reshape3A_25, %mul3A_26 : vector<79x128x128xf32>
    %reshape3A_28 = vector.shape_cast %mul3A_27 : vector<79x128x128xf32> to vector<10112x128xf32>
    %swap3A = arith.constant 0 : index
    %swap3A_29 = arith.constant 0 : index
    %swap3A_30 = vector.load %arg5[%swap3A, %swap3A_29] : memref<10112x128xf32, #tpu.memory_space<vmem>>, vector<10112x128xf32>
    tpu.vector_store %arg5[%swap3A, %swap3A_29], %reshape3A_28 {strides = array<i32>} : memref<10112x128xf32, #tpu.memory_space<vmem>>, vector<10112x128xf32>,
    %get3A_31 = arith.constant 0 : index
    %get3A_32 = arith.constant 0 : index
    %get3A_33 = vector.load %arg4[%get3A_31, %get3A_32] : memref<10112x128xf32, #tpu.memory_space<vmem>>, vector<10112x128xf32>
    %reshape3A_34 = vector.shape_cast %get3A_33 : vector<10112x128xf32> to vector<79x128x128xf32>
    %sub3A_35 = arith.constant 1.000000e+00 : f32
    %sub3A_36 = arith.subf %sub3A_35, %get3A_2 : f32
    %mul3A_37 = vector.broadcast %sub3A_36 : f32 to vector<79x128x128xf32>
    %mul3A_38 = arith.mulf %mul3A_37, %reshape3A_25 : vector<79x128x128xf32>
    %div3A = vector.broadcast %get3A_2 : f32 to vector<79x128xf32>
    %div3A_39 = arith.divf %div3A, %add3A_21 : vector<79x128xf32>
    %broadcast_in_dim3A_40 = vector.shape_cast %div3A_39 : vector<79x128xf32> to vector<79x128x1xf32>
    %mul3A_41 = vector.broadcast %broadcast_in_dim3A_40 : vector<79x128x1xf32> to vector<79x128x128xf32>
    %mul3A_42 = arith.mulf %mul3A_41, %reshape3A_34 : vector<79x128x128xf32>
    %add3A_43 = arith.addf %mul3A_38, %mul3A_42 : vector<79x128x128xf32>
    %reshape3A_44 = vector.shape_cast %add3A_43 : vector<79x128x128xf32> to vector<10112x128xf32>
    %swap3A_45 = arith.constant 0 : index
    %swap3A_46 = arith.constant 0 : index
    %swap3A_47 = vector.load %arg6[%swap3A_45, %swap3A_46] : memref<10112x128xf32, #tpu.memory_space<vmem>>, vector<10112x128xf32>
    tpu.vector_store %arg6[%swap3A_45, %swap3A_46], %reshape3A_44 {strides = array<i32>} : memref<10112x128xf32, #tpu.memory_space<vmem>>, vector<10112x128xf32>,
    %mul3A_48 = arith.mulf %get3A_2, %get3A_6 : f32
    %mul3A_49 = vector.broadcast %mul3A_48 : f32 to vector<79x128xf32>
    %mul3A_50 = arith.mulf %mul3A_49, %rsqrt3A : vector<79x128xf32>
    %swap3A_51 = arith.constant 0 : index
    %swap3A_52 = arith.constant 0 : index
    %swap3A_53 = vector.load %arg7[%swap3A_51, %swap3A_52] : memref<79x128xf32, #tpu.memory_space<vmem>>, vector<79x128xf32>
    tpu.vector_store %arg7[%swap3A_51, %swap3A_52], %mul3A_50 {strides = array<i32>} : memref<79x128xf32, #tpu.memory_space<vmem>>, vector<79x128xf32>,
    return
  }
}

module attributes {stable_mosaic.version = 14 : i64} {
  func.func @body(%arg0: memref<2x10112x128xf32, #tpu.memory_space<vmem>>, %arg1: memref<10112x128xf32, #tpu.memory_space<vmem>>, %arg2: memref<79x128xf32, #tpu.memory_space<vmem>>, %arg3: memref<10112x128xf32, #tpu.memory_space<vmem>>) attributes {dimension_semantics = [], scalar_prefetch = 0 : i64, scratch_operands = 0 : i64, tpu.core_type = #tpu.core_type<tc>} {
    %get3A = arith.constant 0 : index
    %get3A_0 = arith.constant 0 : index
    %get3A_1 = arith.constant 0 : index
    %get3A_2 = vector.load %arg0[%get3A, %get3A_0, %get3A_1] : memref<2x10112x128xf32, #tpu.memory_space<vmem>>, vector<1x10112x128xf32>
    %get3A_3 = vector.shape_cast %get3A_2 : vector<1x10112x128xf32> to vector<10112x128xf32>
    %get3A_4 = arith.constant 1 : index
    %get3A_5 = arith.constant 0 : index
    %get3A_6 = arith.constant 0 : index
    %get3A_7 = vector.load %arg0[%get3A_4, %get3A_5, %get3A_6] : memref<2x10112x128xf32, #tpu.memory_space<vmem>>, vector<1x10112x128xf32>
    %get3A_8 = vector.shape_cast %get3A_7 : vector<1x10112x128xf32> to vector<10112x128xf32>
    %add3A = arith.addf %get3A_3, %get3A_8 : vector<10112x128xf32>
    %reshape3A = vector.shape_cast %add3A : vector<10112x128xf32> to vector<79x128x128xf32>
    %get3A_9 = arith.constant 0 : index
    %get3A_10 = arith.constant 0 : index
    %get3A_11 = vector.load %arg2[%get3A_9, %get3A_10] : memref<79x128xf32, #tpu.memory_space<vmem>>, vector<79x128xf32>
    %broadcast_in_dim3A = vector.shape_cast %get3A_11 : vector<79x128xf32> to vector<79x128x1xf32>
    %mul3A = vector.broadcast %broadcast_in_dim3A : vector<79x128x1xf32> to vector<79x128x128xf32>
    %mul3A_12 = arith.mulf %reshape3A, %mul3A : vector<79x128x128xf32>
    %get3A_13 = arith.constant 0 : index
    %get3A_14 = arith.constant 0 : index
    %get3A_15 = vector.load %arg1[%get3A_13, %get3A_14] : memref<10112x128xf32, #tpu.memory_space<vmem>>, vector<10112x128xf32>
    %reshape3A_16 = vector.shape_cast %mul3A_12 : vector<79x128x128xf32> to vector<10112x128xf32>
    %add3A_17 = arith.addf %get3A_15, %reshape3A_16 : vector<10112x128xf32>
    %swap3A = arith.constant 0 : index
    %swap3A_18 = arith.constant 0 : index
    %swap3A_19 = vector.load %arg3[%swap3A, %swap3A_18] : memref<10112x128xf32, #tpu.memory_space<vmem>>, vector<10112x128xf32>
    tpu.vector_store %arg3[%swap3A, %swap3A_18], %add3A_17 {strides = array<i32>} : memref<10112x128xf32, #tpu.memory_space<vmem>>, vector<10112x128xf32>,
    return
  }
}

</mosaic_0001>

<sc_bundles>
// kernel: kernel.6.cloned.1.call-start
scs
__scs_entry_jumppad:
0x0: {  	(pc) =	sbr.rel $0x88, $3  }
0x1: {  	(tag) =	ssettag $0x0;
	lr =	simm.s32 $0x1  }
0x2: {  	[smem:$0x3F9C] =	sst lr;
	_ =	strace $0xD0000000  }
0x3: {  	_ = 	snop  }
0x4: {  	_ = 	snop  }
0x5: {  	_ = 	snop  }
0x6: {  	_ = 	snop  }
0x7: {  	_ = 	snop  }
__scs_overlays_trampoline_lowered:
0x8: {  	[smem:$0x3FAB] =	sst s0  }
0x9: {  	[smem:$0x3FAC] =	sst s1  }
0xa: {  	[smem:$0x3FAD] =	sst s2  }
0xb: {  	[smem:$0x3FAE] =	sst s3  }
0xc: {  	[smem:$0x3FAF] =	sst s4  }
0xd: {  	[smem:$0x3FB0] =	sst s5  }
0xe: {  	[smem:$0x3FB1] =	sst s6  }
0xf: {  	[smem:$0x3FB2] =	sst s7  }
0x10: {  	[smem:$0x3FB3] =	sst s8  }
0x11: {  	[smem:$0x3FB4] =	sst s9;
	s0 =	simm.s32 @!p0 $0x0  }
0x12: {  	s1 =	sld [smem:$0x3F9A];
	s0 =	simm.s32 @p0 $0x1  }
0x13: {  	[smem:$0x3FB5] =	sst s0;
	s0 =	simm.s32 @!p1 $0x0  }
0x14: {  	s2 =	sld [smem:$0x3F99];
	s0 =	simm.s32 @p1 $0x1  }
0x15: {  	[smem:$0x3FB6] =	sst s0;
	s0 =	simm.s32 @!p2 $0x0  }
0x16: {  	s3 =	sld [smem:$0x3FDB];
	s0 =	simm.s32 @p2 $0x1  }
0x17: {  	s4 =	simm.s32 $0x1BF5;
	[smem:$0x3FB8] =	sst s0  }
0x18: {  	s0 =	sld [smem:$0x3F9B];
	_ =	swait.ge [sflag:s4], $0x0  }
0x19: {  	s7 =	sld [smem:$0x3F9C]  }
0x1a: {  	s8 =	sadd.s32 $0xFFFFE003, lr  }
0x1b: {  	s9 =	sadd.s32 $0xFFFFFEF7, lr;
	s5 =	simm.s32 $0xFFFFFFFF;
	p2 =	slt.u32 s8, $0xFFFFF086  }
0x1c: {  	p1 =	slt.u32 s9, $0xF7A;
	s5 =	simm.s32 @!p2 $0x0  }
0x1d: {  	s5 =	simm.s32 @p1 $0x1;
	p0 =	seq.s32 s7, s2  }
0x1e: {  	s7 =	smul.u32 @!p0 $0xF7A, s2;
	p2 =	seq.s32 @!p0 s5, $0x0  }
0x1f: {  	s9 =	smul.u32 $0xF7A, s1;
	s8 =	simm.s32 @!p0 $0x1BF5;
	p2 =	por !p2, p0  }
0x20: {  	[sflag:s8] =	ssyncset.s32 @!p0 $0xFFFFF086;
	s6 =	sadd.s32 @!p0 s3, s7;
	s7 =	simm.s32 @!p0 $0x108  }
0x21: {  	s3 =	sadd.s32 s3, s9;
	s6 =	sadd.s32 @!p0 $0x88, s6;
	s7 =	simm.s32 @p2 $0x1082  }
0x22: {  	[simem:s7], [sflag:s8] =	dma.local @!p0 [hbm:s6], $0xF7A  }
0x23: {  	s9 =	sor.u32 $0xD0000000, s2;
	s6 =	simm.s32 $0x108;
	_ =	swait.ge @!p0 [sflag:s8], $0x0  }
0x24: {  	s3 =	sadd.s32 $0x88, s3;
	s6 =	simm.s32 @!p1 $0x1082;
	[sflag:s4] =	ssyncset.s32 $0xFFFFF086  }
0x25: {  	[simem:s6], [sflag:s4] =	dma.local [hbm:s3], $0xF7A  }
0x26: {  	[smem:$0x3F9C] =	sst s1;
	(tag) =	ssettag s2;
	_ =	strace s9  }
0x27: {  	s1 =	sld [smem:$0x3FAC]  }
0x28: {  	s2 =	sld [smem:$0x3FAD]  }
0x29: {  	s4 =	sld [smem:$0x3FAF]  }
0x2a: {  	p0 =	seq.s32 s5, $0x0;
	s5 =	sld [smem:$0x3FB0]  }
0x2b: {  	s6 =	sld [smem:$0x3FB1]  }
0x2c: {  	s7 =	sld [smem:$0x3FB2]  }
0x2d: {  	s3 =	simm.s32 $0x108;
	s8 =	sld [smem:$0x3FB3]  }
0x2e: {  	s3 =	simm.s32 @!p0 $0x1082;
	s9 =	sld [smem:$0x3FB4]  }
0x2f: {  	lr =	sadd.s32 s0, s3;
	s0 =	sld [smem:$0x3FAB]  }
0x30: {  	s3 =	sld [smem:$0x3FAE]  }
0x31: {  	[smem:$0x3FB7] =	sst s10  }
0x32: {  	s10 =	sld [smem:$0x3FB5];
	_ =	sdelay $0x3  }
0x33: {  	p0 =	seq.s32 s10, $0x1;
	s10 =	sld [smem:$0x3FB7];
	_ =	sdelay $0x3  }
0x34: {  	[smem:$0x3FB7] =	sst s10  }
0x35: {  	s10 =	sld [smem:$0x3FB6];
	_ =	sdelay $0x3  }
0x36: {  	p1 =	seq.s32 s10, $0x1;
	s10 =	sld [smem:$0x3FB7];
	_ =	sdelay $0x3  }
0x37: {  	[smem:$0x3FB7] =	sst s10  }
0x38: {  	s10 =	sld [smem:$0x3FB8]  }
0x39: {  	_ = 	snop;
	(pc) =	sbr.ind lr, $3  }
0x3a: {  	_ = 	snop  }
0x3b: {  	_ = 	snop  }
0x3c: {  	p2 =	seq.s32 s10, $0x1;
	s10 =	sld [smem:$0x3FB7]  }
0x3d: {  	_ =	shalt  }
0x3e: {  	_ =	shalt  }
0x3f: {  	_ =	shalt  }
0x40: {  	_ =	shalt  }
0x41: {  	_ =	shalt  }
0x42: {  	_ =	shalt  }
0x43: {  	_ =	shalt  }
0x44: {  	_ =	shalt  }
0x45: {  	_ =	shalt  }
0x46: {  	_ =	shalt  }
0x47: {  	_ =	shalt  }
0x48: {  	_ =	shalt  }
0x49: {  	_ =	shalt  }
0x4a: {  	_ =	shalt  }
0x4b: {  	_ =	shalt  }
0x4c: {  	_ =	shalt  }
0x4d: {  	_ =	shalt  }
0x4e: {  	_ =	shalt  }
0x4f: {  	_ =	shalt  }
0x50: {  	_ =	shalt  }
0x51: {  	_ =	shalt  }
0x52: {  	_ =	shalt  }
0x53: {  	_ =	shalt  }
0x54: {  	_ =	shalt  }
0x55: {  	_ =	shalt  }
0x56: {  	_ =	shalt  }
0x57: {  	_ =	shalt  }
0x58: {  	_ =	shalt  }
0x59: {  	_ =	shalt  }
0x5a: {  	_ =	shalt  }
0x5b: {  	_ =	shalt  }
0x5c: {  	_ =	shalt  }
0x5d: {  	_ =	shalt  }
0x5e: {  	_ =	shalt  }
0x5f: {  	_ =	shalt  }
0x60: {  	_ =	shalt  }
0x61: {  	_ =	shalt  }
0x62: {  	_ =	shalt  }
0x63: {  	_ =	shalt  }
0x64: {  	_ =	shalt  }
0x65: {  	_ =	shalt  }
0x66: {  	_ =	shalt  }
0x67: {  	_ =	shalt  }
0x68: {  	_ =	shalt  }
0x69: {  	_ =	shalt  }
0x6a: {  	_ =	shalt  }
0x6b: {  	_ =	shalt  }
0x6c: {  	_ =	shalt  }
0x6d: {  	_ =	shalt  }
0x6e: {  	_ =	shalt  }
0x6f: {  	_ =	shalt  }
0x70: {  	_ =	shalt  }
0x71: {  	_ =	shalt  }
0x72: {  	_ =	shalt  }
0x73: {  	_ =	shalt  }
0x74: {  	_ =	shalt  }
0x75: {  	_ =	shalt  }
0x76: {  	_ =	shalt  }
0x77: {  	_ =	shalt  }
0x78: {  	_ =	shalt  }
0x79: {  	_ =	shalt  }
0x7a: {  	_ =	shalt  }
0x7b: {  	_ =	shalt  }
0x7c: {  	_ =	shalt  }
0x7d: {  	_ =	shalt  }
0x7e: {  	_ =	shalt  }
0x7f: {  	_ =	shalt  }
0x80: {  	_ =	shalt  }
0x81: {  	_ =	shalt  }
0x82: {  	_ =	shalt  }
0x83: {  	_ =	shalt  }
0x84: {  	_ =	shalt  }
0x85: {  	_ =	shalt  }
0x86: {  	_ =	shalt  }
0x87: {  	_ =	shalt  }
.Lfunc_end0:
.L_simem_size_0:
called_computation_lowered:
.L_overlay_start_0:
0x88: {  	s2 =	sld [smem:$0x3FD9]  }
0x89: {  	s3 =	sld [smem:$0x3FFE];
	_ =	sdelay $0x1  }
0x8a: {  	s1 =	srdreg.scid  }
0x8b: {  	s0 =	sand.u32 $0x1, s1  }
0x8c: {  	s16 =	sshll.u32 s0, $0xA;
	s2 =	sadd.s32 s3, s2  }
0x8d: {  	s2 =	sadd.s32 s2, s16  }
0x8e: {  	[smem:$0x3FC3] =	sst s2  }
0x8f: {  	_ = 	snop  }
0x90: {  	(tm) =	ssettm $0x1  }
0x91: {  	s17 =	sld [smem:$0x3FFB];
	_ =	sdelay $0x3  }
0x92: {  	_ =	strace s17  }
0x93: {  	s2 =	sld [smem:$0x3FFC];
	_ =	sdelay $0x3  }
0x94: {  	_ =	strace s2  }
0x95: {  	s2 =	sld [smem:$0x3FFD];
	_ =	sdelay $0x3  }
0x96: {  	_ =	strace s2  }
0x97: {  	_ =	strace $0x8FFFFFFF  }
0x98: {  	s18 =	sld [smem:$0x3FDB];
	_ =	sdelay $0x1  }
0x99: {  	s19 =	simm.s32 $_scs_section_size  }
0x9a: {  	s4 =	simm.s32 $_size__tile_overlayer_lowered;
	s5 =	simm.s32 $_tile_overlayer_lowered  }
0x9b: {  	s22 =	simm.s32 $0x1BFF;
	s21 =	sshll.u32 s5, $0x1;
	s2 =	sadd.s32 s19, s18  }
0x9c: {  	s6 =	simm.s32 $0x0;
	s20 =	sshll.u32 s4, $0x1;
	s4 =	sadd.s32 s21, s2  }
0x9d: {  	[timem:s6], [sflag:s22] =	dma.local [hbm:s4], s20  }
0x9e: {  	_ =	swait.ge [sflag:s22], s20  }
0x9f: {  	s3 =	ssub.s32 $0x0, s20;
	[sflag:s22] =	ssyncset.done $0x0  }
0xa0: {  	[sflag:s22] =	ssyncadd.s32 s3;
	_ =	sdelay $0x1  }
0xa1: {  	s23 =	simm.s32 $0x1B8B  }
0xa2: {  	_ =	swait.ge [sflag:s23], $0x1  }
0xa3: {  	[sflag:s23] =	ssyncset.done $0x0  }
0xa4: {  	s25 =	simm.s32 $0x1B8E;
	s24 =	sld [smem:$0x3FFE];
	[sflag:s23] =	ssyncadd.s32 $0xFFFFFFFF  }
0xa5: {  	s26 =	simm.s32 $execute0_lowered;
	[smem:$0x3FD2] =	sst s25  }
0xa6: {  	s4 =	sshll.u32 s26, $0x1;
	_ =	strace $0x80000046;
	[dreg:$0x1] =	wrdreg $0xFFFFFFFF  }
0xa7: {  	s28 =	simm.s32 $_size_execute0_lowered;
	s2 =	sadd.s32 s2, s4;
	[dreg:$0x0] =	wrdreg $0x0  }
0xa8: {  	s4 =	sshll.u32 s28, $0x1;
	[dreg:$0x2] =	wrdreg s2  }
0xa9: {  	[dreg:$0x3] =	wrdreg s4  }
0xaa: {  	[dreg:$0x4] =	wrdreg $0xC0  }
0xab: {  	_ =	task [dreg:s6], $0x5FFFF  }
0xac: {  	[dreg:$0x1] =	wrdreg $0xFFFFFFFF  }
0xad: {  	[dreg:$0x0] =	wrdreg $0x60  }
0xae: {  	[dreg:$0x2] =	wrdreg s24  }
0xaf: {  	[dreg:$0x3] =	wrdreg $0x9  }
0xb0: {  	_ =	task.clear_ibuf [dreg:s6], $0x4FFFF;
	_ =	strace $0x90000046  }
0xb1: {  	s29 =	simm.s32 $0x9;
	_ =	strace $0x80000048  }
0xb2: {  	_ =	swait.ge [sflag:s29], $0x1  }
0xb3: {  	[sflag:s29] =	ssyncadd.s32 $0xFFFFFFFF  }
0xb4: {  	_ =	strace $0x90000048  }
0xb5: {  	_ =	sfence  }
0xb6: {  	s30 =	sld [smem:$0x0];
	_ =	sdelay $0x2  }
0xb7: {  	s31 =	sshll.u32 s1, $0xD;
	s1 =	sshrl.u32 s1, $0x2  }
0xb8: {  	s3 =	sand.u32 $0x4000, s31;
	s1 =	sadd.s32 s1, s30  }
0xb9: {  	s0 =	sor.u32 s3, s0;
	s1 =	sshll.u32 s1, $0x11  }
0xba: {  	s0 =	sor.u32 s1, s0  }
0xbb: {  	s0 =	sadd.s32 $0x8F2B, s0  }
0xbc: {  	[sflag:s0] =	ssyncadd.remote.s32 $0x1  }
0xbd: {  	_ =	sfence.sel $0xFFFF  }
0xbe: {  	[dreg:$0x0] =	wrdreg $0xFFFFFFFF;
	(pc) =	sbr.abs _section_cstart, $3  }
0xbf: {  	[dreg:$0x1] =	wrdreg $0xFFFFFFFF  }
0xc0: {  	_ =	task.clear_ibuf [dreg:s6], $0x2FFFF;
	_ =	strace $0x9FFFFFFF  }
0xc1: {  	(tm) =	ssettm $0x7FFFFFFF  }
tec
execute0_lowered:
.L_overlay_start_1:
0x0: {  	(tag) =	ssettag $0x1  }
0x1: {  	s1 =	srdreg.scid;
	s0 =	stileid.u32  }
0x2: {  	s4 =	rddreg [dreg:$0x0];
	s3 =	sand.u32 $0x1, s1;
	s31 =	sshll.u32 s0, $0x1  }
0x3: {  	s2 =	simm.s32 $0x0;
	s10 =	simm.s32 $0x0;
	s5 =	sor.u32 s3, s31  }
0x4: {  	s1 =	rddreg [dreg:$0x1];
	s7 =	ssub.s32 $0x2, s3;
	s6 =	smul.u32 $0x500, s5  }
0x5: {  	[smem:$0x7FF] =	sst s2;
	s5 =	smul.u32 $0x28000, s5;
	s8 =	sshrl.u32 s7, $0x1  }
0x6: {  	v0 =	vlaneseq.u32;
	_ =	strace $0x80000047;
	s3 =	sadd.s32 $0xB800, s4;
	s7 =	ssub.s32 s7, s8  }
0x7: {  	v0 =	vmul.u32 $0x80, v0;
	s8 =	simm.s32 $0x1;
	s6 =	sadd.s32 s6, s4;
	s5 =	sshrl.u32 s5, $0x3  }
0x8: {  	s7 =	smax.u32 s7, $0x1;
	s9 =	sadd.s32 s5, s4;
	s4 =	sadd.s32 $0x1800, s6  }
0x9: {  	v1 =	vimm.f32 $1.000000000e+00;
	v2 =	vor.u32 $0xFFFEC000, v0;
	s5 =	sadd.s32 $0xE000, s9;
	s6 =	sadd.s32 $0x10800, s9;
	s9 =	simm.s32 $0x2800  }
.LBB2_1:
0xa: {  	[tilespmem:s2], [sflag:$0x1] =	stream.linear.gather [hbm4b:s4+s2], $0x2800, $0x38;
	[tilespmem:$0x16800] =	vst v63  }
0xb: {  	_ =	swait.ge [sflag:s8], $0x2800  }
0xc: {  	[sflag:s8] =	ssyncset.done $0x0  }
0xd: {  	[sflag:s8] =	ssyncadd.s32 $0xFFFFD800  }
0xe: {  	[tilespmem:s9], [sflag:$0x1] =	stream.linear.gather [hbm4b:s3+s2], $0x14000, $0x38;
	[tilespmem:$0x16800] =	vst v63  }
0xf: {  	_ =	swait.ge [sflag:s8], $0x14000  }
0x10: {  	[sflag:s8] =	ssyncset.done $0x0  }
0x11: {  	s11 =	simm.s32 $0x0;
	[sflag:s8] =	ssyncadd.s32 $0xFFFEC000  }
.LBB2_2:
0x12: {  	s12 =	sshra.s32 s11, $0x2  }
0x13: {  	v3 =	vld [tilespmem:s12+$0x0];
	_ =	sdelay $0x4  }
0x14: {  	v4 =	vshrl.u32 v3, $0x3  }
0x15: {  	v4 =	vand.u32 $0x1FFFFF0, v4  }
0x16: {  	v4 =	vshll.u32 v4, $0x7  }
0x17: {  	vm0 =	vlt.u32 v3, $0x1400;
	v3 =	vand.u32 $0x7F, v3;
	v4 =	vor.u32 v0, v4  }
0x18: {  	v3 =	vor.u32 v3, v4;
	_ =	sdelay $0x4  }
0x19: {  	[tilespmem:v3+s9+$0x0] =	vst.idx.add.f32.msk vm0, v1  }
0x1a: {  	v3 =	vld [tilespmem:s12+$0x10];
	_ =	sdelay $0x4  }
0x1b: {  	v57 =	vshrl.u32 v3, $0x3  }
0x1c: {  	v4 =	vand.u32 $0x1FFFFF0, v57  }
0x1d: {  	v4 =	vshll.u32 v4, $0x7  }
0x1e: {  	vm9 =	vlt.u32 v3, $0x1400;
	v3 =	vand.u32 $0x7F, v3;
	v4 =	vor.u32 v0, v4  }
0x1f: {  	v3 =	vor.u32 v3, v4;
	_ =	sdelay $0x4  }
0x20: {  	[tilespmem:v3+s9+$0x0] =	vst.idx.add.f32.msk vm9, v1  }
0x21: {  	v3 =	vld [tilespmem:s12+$0x20];
	_ =	sdelay $0x4  }
0x22: {  	v58 =	vshrl.u32 v3, $0x3  }
0x23: {  	v4 =	vand.u32 $0x1FFFFF0, v58  }
0x24: {  	v4 =	vshll.u32 v4, $0x7  }
0x25: {  	vm10 =	vlt.u32 v3, $0x1400;
	v3 =	vand.u32 $0x7F, v3;
	v4 =	vor.u32 v0, v4  }
0x26: {  	v3 =	vor.u32 v3, v4;
	_ =	sdelay $0x4  }
0x27: {  	[tilespmem:v3+s9+$0x0] =	vst.idx.add.f32.msk vm10, v1  }
0x28: {  	v3 =	vld [tilespmem:s12+$0x30];
	_ =	sdelay $0x4  }
0x29: {  	v59 =	vshrl.u32 v3, $0x3  }
0x2a: {  	v4 =	vand.u32 $0x1FFFFF0, v59  }
0x2b: {  	v4 =	vshll.u32 v4, $0x7  }
0x2c: {  	vm11 =	vlt.u32 v3, $0x1400;
	v3 =	vand.u32 $0x7F, v3;
	v4 =	vor.u32 v0, v4  }
0x2d: {  	v3 =	vor.u32 v3, v4;
	_ =	sdelay $0x4  }
0x2e: {  	[tilespmem:v3+s9+$0x0] =	vst.idx.add.f32.msk vm11, v1  }
0x2f: {  	v3 =	vld [tilespmem:s12+$0x40];
	_ =	sdelay $0x4  }
0x30: {  	v60 =	vshrl.u32 v3, $0x3  }
0x31: {  	v4 =	vand.u32 $0x1FFFFF0, v60  }
0x32: {  	v4 =	vshll.u32 v4, $0x7  }
0x33: {  	vm12 =	vlt.u32 v3, $0x1400;
	v3 =	vand.u32 $0x7F, v3;
	v4 =	vor.u32 v0, v4  }
0x34: {  	v3 =	vor.u32 v3, v4;
	_ =	sdelay $0x4  }
0x35: {  	[tilespmem:v3+s9+$0x0] =	vst.idx.add.f32.msk vm12, v1  }
0x36: {  	v3 =	vld [tilespmem:s12+$0x50];
	_ =	sdelay $0x4  }
0x37: {  	v61 =	vshrl.u32 v3, $0x3  }
0x38: {  	v4 =	vand.u32 $0x1FFFFF0, v61  }
0x39: {  	v4 =	vshll.u32 v4, $0x7  }
0x3a: {  	vm13 =	vlt.u32 v3, $0x1400;
	v3 =	vand.u32 $0x7F, v3;
	v4 =	vor.u32 v0, v4  }
0x3b: {  	v3 =	vor.u32 v3, v4;
	_ =	sdelay $0x4  }
0x3c: {  	[tilespmem:v3+s9+$0x0] =	vst.idx.add.f32.msk vm13, v1  }
0x3d: {  	v3 =	vld [tilespmem:s12+$0x60];
	_ =	sdelay $0x4  }
0x3e: {  	v62 =	vshrl.u32 v3, $0x3  }
0x3f: {  	v4 =	vand.u32 $0x1FFFFF0, v62  }
0x40: {  	v4 =	vshll.u32 v4, $0x7  }
0x41: {  	vm14 =	vlt.u32 v3, $0x1400;
	v3 =	vand.u32 $0x7F, v3;
	v4 =	vor.u32 v0, v4  }
0x42: {  	v3 =	vor.u32 v3, v4;
	_ =	sdelay $0x4  }
0x43: {  	[tilespmem:v3+s9+$0x0] =	vst.idx.add.f32.msk vm14, v1  }
0x44: {  	v3 =	vld [tilespmem:s12+$0x70];
	_ =	sdelay $0x4  }
0x45: {  	v63 =	vshrl.u32 v3, $0x3  }
0x46: {  	v4 =	vand.u32 $0x1FFFFF0, v63  }
0x47: {  	v4 =	vshll.u32 v4, $0x7  }
0x48: {  	vm15 =	vlt.u32 v3, $0x1400;
	v3 =	vand.u32 $0x7F, v3;
	v4 =	vor.u32 v0, v4  }
0x49: {  	p0 =	sne.s32 s11, $0x9E00;
	v3 =	vor.u32 v3, v4  }
.Ltmp0:
0x4a: {  	_ = 	snop;
	(pc) =	sbr.rel @p0 .LBB2_2-.Ltmp0, $2  }
0x4b: {  	_ =	sdelay $0x2  }
0x4c: {  	s11 =	sadd.s32 $0x200, s11;
	[tilespmem:v3+s9+$0x0] =	vst.idx.add.f32.msk vm15, v1  }
0x4d: {  	s11 =	simm.s32 $0x0  }
0x4e: {  	[hbm4b:s5+s11] =	stream.linear.scatter [tilespmem:s9], [sflag:$0x1], $0x14000, $0x38;
	[tilespmem:$0x16800] =	vst v63  }
0x4f: {  	_ =	swait.ge [sflag:s8], $0x14000  }
0x50: {  	[sflag:s8] =	ssyncset.done $0x0  }
0x51: {  	[sflag:s8] =	ssyncadd.s32 $0xFFFEC000  }
0x52: {  	[tilespmem:s9], [sflag:$0x1] =	stream.linear.gather [hbm4b:s3+s11], $0x14000, $0x38;
	[tilespmem:$0x16800] =	vst v63  }
0x53: {  	_ =	swait.ge [sflag:s8], $0x14000  }
0x54: {  	[sflag:s8] =	ssyncset.done $0x0  }
0x55: {  	[sflag:s8] =	ssyncadd.s32 $0xFFFEC000  }
.LBB2_4:
0x56: {  	s12 =	sshra.s32 s11, $0x2  }
0x57: {  	v3 =	vld [tilespmem:s12+$0x0];
	_ =	sdelay $0x4  }
0x58: {  	v4 =	vshrl.u32 v3, $0x3  }
0x59: {  	v4 =	vand.u32 $0x1FFFFF0, v4  }
0x5a: {  	v5 =	vadd.s32 $0xFFFFEC00, v3;
	v4 =	vshll.u32 v4, $0x7  }
0x5b: {  	v3 =	vand.u32 $0x7F, v3;
	vm0 =	vlt.u32 v5, $0x1380;
	v4 =	vadd.s32 v2, v4  }
0x5c: {  	v3 =	vor.u32 v3, v4;
	_ =	sdelay $0x4  }
0x5d: {  	[tilespmem:v3+s9+$0x0] =	vst.idx.add.f32.msk vm0, v1  }
0x5e: {  	v3 =	vld [tilespmem:s12+$0x10];
	_ =	sdelay $0x4  }
0x5f: {  	v50 =	vshrl.u32 v3, $0x3  }
0x60: {  	v4 =	vand.u32 $0x1FFFFF0, v50  }
0x61: {  	v51 =	vadd.s32 $0xFFFFEC00, v3;
	v4 =	vshll.u32 v4, $0x7  }
0x62: {  	v3 =	vand.u32 $0x7F, v3;
	vm9 =	vlt.u32 v51, $0x1380;
	v4 =	vadd.s32 v2, v4  }
0x63: {  	v3 =	vor.u32 v3, v4;
	_ =	sdelay $0x4  }
0x64: {  	[tilespmem:v3+s9+$0x0] =	vst.idx.add.f32.msk vm9, v1  }
0x65: {  	v3 =	vld [tilespmem:s12+$0x20];
	_ =	sdelay $0x4  }
0x66: {  	v52 =	vshrl.u32 v3, $0x3  }
0x67: {  	v4 =	vand.u32 $0x1FFFFF0, v52  }
0x68: {  	v53 =	vadd.s32 $0xFFFFEC00, v3;
	v4 =	vshll.u32 v4, $0x7  }
0x69: {  	v3 =	vand.u32 $0x7F, v3;
	vm10 =	vlt.u32 v53, $0x1380;
	v4 =	vadd.s32 v2, v4  }
0x6a: {  	v3 =	vor.u32 v3, v4;
	_ =	sdelay $0x4  }
0x6b: {  	[tilespmem:v3+s9+$0x0] =	vst.idx.add.f32.msk vm10, v1  }
0x6c: {  	v3 =	vld [tilespmem:s12+$0x30];
	_ =	sdelay $0x4  }
0x6d: {  	v54 =	vshrl.u32 v3, $0x3  }
0x6e: {  	v4 =	vand.u32 $0x1FFFFF0, v54  }
0x6f: {  	v55 =	vadd.s32 $0xFFFFEC00, v3;
	v4 =	vshll.u32 v4, $0x7  }
0x70: {  	v3 =	vand.u32 $0x7F, v3;
	vm11 =	vlt.u32 v55, $0x1380;
	v4 =	vadd.s32 v2, v4  }
0x71: {  	v3 =	vor.u32 v3, v4;
	_ =	sdelay $0x4  }
0x72: {  	[tilespmem:v3+s9+$0x0] =	vst.idx.add.f32.msk vm11, v1  }
0x73: {  	v3 =	vld [tilespmem:s12+$0x40];
	_ =	sdelay $0x4  }
0x74: {  	v56 =	vshrl.u32 v3, $0x3  }
0x75: {  	v4 =	vand.u32 $0x1FFFFF0, v56  }
0x76: {  	v57 =	vadd.s32 $0xFFFFEC00, v3;
	v4 =	vshll.u32 v4, $0x7  }
0x77: {  	v3 =	vand.u32 $0x7F, v3;
	vm12 =	vlt.u32 v57, $0x1380;
	v4 =	vadd.s32 v2, v4  }
0x78: {  	v3 =	vor.u32 v3, v4;
	_ =	sdelay $0x4  }
0x79: {  	[tilespmem:v3+s9+$0x0] =	vst.idx.add.f32.msk vm12, v1  }
0x7a: {  	v3 =	vld [tilespmem:s12+$0x50];
	_ =	sdelay $0x4  }
0x7b: {  	v58 =	vshrl.u32 v3, $0x3  }
0x7c: {  	v4 =	vand.u32 $0x1FFFFF0, v58  }
0x7d: {  	v59 =	vadd.s32 $0xFFFFEC00, v3;
	v4 =	vshll.u32 v4, $0x7  }
0x7e: {  	v3 =	vand.u32 $0x7F, v3;
	vm13 =	vlt.u32 v59, $0x1380;
	v4 =	vadd.s32 v2, v4  }
0x7f: {  	v3 =	vor.u32 v3, v4;
	_ =	sdelay $0x4  }
0x80: {  	[tilespmem:v3+s9+$0x0] =	vst.idx.add.f32.msk vm13, v1  }
0x81: {  	v3 =	vld [tilespmem:s12+$0x60];
	_ =	sdelay $0x4  }
0x82: {  	v60 =	vshrl.u32 v3, $0x3  }
0x83: {  	v4 =	vand.u32 $0x1FFFFF0, v60  }
0x84: {  	v61 =	vadd.s32 $0xFFFFEC00, v3;
	v4 =	vshll.u32 v4, $0x7  }
0x85: {  	v3 =	vand.u32 $0x7F, v3;
	vm14 =	vlt.u32 v61, $0x1380;
	v4 =	vadd.s32 v2, v4  }
0x86: {  	v3 =	vor.u32 v3, v4;
	_ =	sdelay $0x4  }
0x87: {  	[tilespmem:v3+s9+$0x0] =	vst.idx.add.f32.msk vm14, v1  }
0x88: {  	v3 =	vld [tilespmem:s12+$0x70];
	_ =	sdelay $0x4  }
0x89: {  	v62 =	vshrl.u32 v3, $0x3  }
0x8a: {  	v4 =	vand.u32 $0x1FFFFF0, v62  }
0x8b: {  	v63 =	vadd.s32 $0xFFFFEC00, v3;
	v4 =	vshll.u32 v4, $0x7  }
0x8c: {  	v3 =	vand.u32 $0x7F, v3;
	vm15 =	vlt.u32 v63, $0x1380;
	v4 =	vadd.s32 v2, v4  }
0x8d: {  	p0 =	sne.s32 s11, $0x9E00;
	v3 =	vor.u32 v3, v4  }
.Ltmp1:
0x8e: {  	_ = 	snop;
	(pc) =	sbr.rel @p0 .LBB2_4-.Ltmp1, $2  }
0x8f: {  	_ =	sdelay $0x2  }
0x90: {  	s11 =	sadd.s32 $0x200, s11;
	[tilespmem:v3+s9+$0x0] =	vst.idx.add.f32.msk vm15, v1  }
0x91: {  	s10 =	sadd.s32 $0x1, s10  }
0x92: {  	p0 =	sne.s32 s10, s7  }
.Ltmp2:
0x93: {  	_ = 	snop;
	(pc) =	sbr.rel @p0 .LBB2_1-.Ltmp2, $4  }
0x94: {  	[hbm4b:s6+s2] =	stream.linear.scatter [tilespmem:s9], [sflag:$0x1], $0x14000, $0x38;
	[tilespmem:$0x16800] =	vst v63  }
0x95: {  	_ =	swait.ge [sflag:s8], $0x14000  }
0x96: {  	[sflag:s8] =	ssyncset.done $0x0  }
0x97: {  	[sflag:s8] =	ssyncadd.s32 $0xFFFEC000  }
0x98: {  	_ =	sfence.sel $0x180000  }
0x99: {  	[bflag:$0x0] =	sbarrier.arrive $0xFFFF  }
0x9a: {  	p0 =	sne.s32 s0, $0x0;
	_ =	strace $0x90000047  }
0x9b: {  	s0 =	sadd.s32 @!p0 $0x100000, s1;
	[bflag:$0x2] =	sbarrier.arrive $0xFFFF  }
0x9c: {  	[sflag:s0] =	ssyncadd.tile.s32 @!p0 $0x1;
	_ =	shalt  }
.Lfunc_end2:
_tile_overlayer_lowered:
.L_overlay_start_2:
0x9d: {  	(tag) =	ssettag $0x2  }
0x9e: {  	s0 =	rddreg [dreg:$0x0];
	s2 =	stileid.u32  }
0x9f: {  	s1 =	rddreg [dreg:$0x1];
	p0 =	sne.s32 s2, $0x0  }
0xa0: {  	s3 =	rddreg [dreg:$0x2];
	[bflag:$0x3] =	sbarrier.arrive $0xFFFF;
	s2 =	simm.s32 @!p0 $0x1C01  }
0xa1: {  	[timem:s3], [sflag:s2] =	dma.local @!p0 [hbm:s0], s1  }
0xa2: {  	s0 =	simm.s32 @!p0 $0x1  }
0xa3: {  	_ =	swait.ge @!p0 [sflag:s0], s1  }
0xa4: {  	s1 =	ssub.s32 @!p0 $0x0, s1;
	[sflag:s0] =	ssyncset.done @!p0 $0x0  }
0xa5: {  	[sflag:s0] =	ssyncadd.s32 @!p0 s1  }
0xa6: {  	[bflag:$0x3] =	sbarrier.arrive $0xFFFF  }
0xa7: {  	_ =	shalt  }

// kernel: kernel.9.cloned.1.call-start
scs
__scs_entry_jumppad:
0x0: {  	(pc) =	sbr.rel $0x88, $3  }
0x1: {  	(tag) =	ssettag $0x0;
	lr =	simm.s32 $0x1  }
0x2: {  	[smem:$0x3F9C] =	sst lr;
	_ =	strace $0xD0000000  }
0x3: {  	_ = 	snop  }
0x4: {  	_ = 	snop  }
0x5: {  	_ = 	snop  }
0x6: {  	_ = 	snop  }
0x7: {  	_ = 	snop  }
__scs_overlays_trampoline_lowered:
0x8: {  	[smem:$0x3FAB] =	sst s0  }
0x9: {  	[smem:$0x3FAC] =	sst s1  }
0xa: {  	[smem:$0x3FAD] =	sst s2  }
0xb: {  	[smem:$0x3FAE] =	sst s3  }
0xc: {  	[smem:$0x3FAF] =	sst s4  }
0xd: {  	[smem:$0x3FB0] =	sst s5  }
0xe: {  	[smem:$0x3FB1] =	sst s6  }
0xf: {  	[smem:$0x3FB2] =	sst s7  }
0x10: {  	[smem:$0x3FB3] =	sst s8  }
0x11: {  	[smem:$0x3FB4] =	sst s9;
	s0 =	simm.s32 @!p0 $0x0  }
0x12: {  	s1 =	sld [smem:$0x3F9A];
	s0 =	simm.s32 @p0 $0x1  }
0x13: {  	[smem:$0x3FB5] =	sst s0;
	s0 =	simm.s32 @!p1 $0x0  }
0x14: {  	s2 =	sld [smem:$0x3F99];
	s0 =	simm.s32 @p1 $0x1  }
0x15: {  	[smem:$0x3FB6] =	sst s0;
	s0 =	simm.s32 @!p2 $0x0  }
0x16: {  	s3 =	sld [smem:$0x3FDB];
	s0 =	simm.s32 @p2 $0x1  }
0x17: {  	s4 =	simm.s32 $0x1BF5;
	[smem:$0x3FB8] =	sst s0  }
0x18: {  	s0 =	sld [smem:$0x3F9B];
	_ =	swait.ge [sflag:s4], $0x0  }
0x19: {  	s7 =	sld [smem:$0x3F9C]  }
0x1a: {  	s8 =	sadd.s32 $0xFFFFE003, lr  }
0x1b: {  	s9 =	sadd.s32 $0xFFFFFEF7, lr;
	s5 =	simm.s32 $0xFFFFFFFF;
	p2 =	slt.u32 s8, $0xFFFFF086  }
0x1c: {  	p1 =	slt.u32 s9, $0xF7A;
	s5 =	simm.s32 @!p2 $0x0  }
0x1d: {  	s5 =	simm.s32 @p1 $0x1;
	p0 =	seq.s32 s7, s2  }
0x1e: {  	s7 =	smul.u32 @!p0 $0xF7A, s2;
	p2 =	seq.s32 @!p0 s5, $0x0  }
0x1f: {  	s9 =	smul.u32 $0xF7A, s1;
	s8 =	simm.s32 @!p0 $0x1BF5;
	p2 =	por !p2, p0  }
0x20: {  	[sflag:s8] =	ssyncset.s32 @!p0 $0xFFFFF086;
	s6 =	sadd.s32 @!p0 s3, s7;
	s7 =	simm.s32 @!p0 $0x108  }
0x21: {  	s3 =	sadd.s32 s3, s9;
	s6 =	sadd.s32 @!p0 $0x88, s6;
	s7 =	simm.s32 @p2 $0x1082  }
0x22: {  	[simem:s7], [sflag:s8] =	dma.local @!p0 [hbm:s6], $0xF7A  }
0x23: {  	s9 =	sor.u32 $0xD0000000, s2;
	s6 =	simm.s32 $0x108;
	_ =	swait.ge @!p0 [sflag:s8], $0x0  }
0x24: {  	s3 =	sadd.s32 $0x88, s3;
	s6 =	simm.s32 @!p1 $0x1082;
	[sflag:s4] =	ssyncset.s32 $0xFFFFF086  }
0x25: {  	[simem:s6], [sflag:s4] =	dma.local [hbm:s3], $0xF7A  }
0x26: {  	[smem:$0x3F9C] =	sst s1;
	(tag) =	ssettag s2;
	_ =	strace s9  }
0x27: {  	s1 =	sld [smem:$0x3FAC]  }
0x28: {  	s2 =	sld [smem:$0x3FAD]  }
0x29: {  	s4 =	sld [smem:$0x3FAF]  }
0x2a: {  	p0 =	seq.s32 s5, $0x0;
	s5 =	sld [smem:$0x3FB0]  }
0x2b: {  	s6 =	sld [smem:$0x3FB1]  }
0x2c: {  	s7 =	sld [smem:$0x3FB2]  }
0x2d: {  	s3 =	simm.s32 $0x108;
	s8 =	sld [smem:$0x3FB3]  }
0x2e: {  	s3 =	simm.s32 @!p0 $0x1082;
	s9 =	sld [smem:$0x3FB4]  }
0x2f: {  	lr =	sadd.s32 s0, s3;
	s0 =	sld [smem:$0x3FAB]  }
0x30: {  	s3 =	sld [smem:$0x3FAE]  }
0x31: {  	[smem:$0x3FB7] =	sst s10  }
0x32: {  	s10 =	sld [smem:$0x3FB5];
	_ =	sdelay $0x3  }
0x33: {  	p0 =	seq.s32 s10, $0x1;
	s10 =	sld [smem:$0x3FB7];
	_ =	sdelay $0x3  }
0x34: {  	[smem:$0x3FB7] =	sst s10  }
0x35: {  	s10 =	sld [smem:$0x3FB6];
	_ =	sdelay $0x3  }
0x36: {  	p1 =	seq.s32 s10, $0x1;
	s10 =	sld [smem:$0x3FB7];
	_ =	sdelay $0x3  }
0x37: {  	[smem:$0x3FB7] =	sst s10  }
0x38: {  	s10 =	sld [smem:$0x3FB8]  }
0x39: {  	_ = 	snop;
	(pc) =	sbr.ind lr, $3  }
0x3a: {  	_ = 	snop  }
0x3b: {  	_ = 	snop  }
0x3c: {  	p2 =	seq.s32 s10, $0x1;
	s10 =	sld [smem:$0x3FB7]  }
0x3d: {  	_ =	shalt  }
0x3e: {  	_ =	shalt  }
0x3f: {  	_ =	shalt  }
0x40: {  	_ =	shalt  }
0x41: {  	_ =	shalt  }
0x42: {  	_ =	shalt  }
0x43: {  	_ =	shalt  }
0x44: {  	_ =	shalt  }
0x45: {  	_ =	shalt  }
0x46: {  	_ =	shalt  }
0x47: {  	_ =	shalt  }
0x48: {  	_ =	shalt  }
0x49: {  	_ =	shalt  }
0x4a: {  	_ =	shalt  }
0x4b: {  	_ =	shalt  }
0x4c: {  	_ =	shalt  }
0x4d: {  	_ =	shalt  }
0x4e: {  	_ =	shalt  }
0x4f: {  	_ =	shalt  }
0x50: {  	_ =	shalt  }
0x51: {  	_ =	shalt  }
0x52: {  	_ =	shalt  }
0x53: {  	_ =	shalt  }
0x54: {  	_ =	shalt  }
0x55: {  	_ =	shalt  }
0x56: {  	_ =	shalt  }
0x57: {  	_ =	shalt  }
0x58: {  	_ =	shalt  }
0x59: {  	_ =	shalt  }
0x5a: {  	_ =	shalt  }
0x5b: {  	_ =	shalt  }
0x5c: {  	_ =	shalt  }
0x5d: {  	_ =	shalt  }
0x5e: {  	_ =	shalt  }
0x5f: {  	_ =	shalt  }
0x60: {  	_ =	shalt  }
0x61: {  	_ =	shalt  }
0x62: {  	_ =	shalt  }
0x63: {  	_ =	shalt  }
0x64: {  	_ =	shalt  }
0x65: {  	_ =	shalt  }
0x66: {  	_ =	shalt  }
0x67: {  	_ =	shalt  }
0x68: {  	_ =	shalt  }
0x69: {  	_ =	shalt  }
0x6a: {  	_ =	shalt  }
0x6b: {  	_ =	shalt  }
0x6c: {  	_ =	shalt  }
0x6d: {  	_ =	shalt  }
0x6e: {  	_ =	shalt  }
0x6f: {  	_ =	shalt  }
0x70: {  	_ =	shalt  }
0x71: {  	_ =	shalt  }
0x72: {  	_ =	shalt  }
0x73: {  	_ =	shalt  }
0x74: {  	_ =	shalt  }
0x75: {  	_ =	shalt  }
0x76: {  	_ =	shalt  }
0x77: {  	_ =	shalt  }
0x78: {  	_ =	shalt  }
0x79: {  	_ =	shalt  }
0x7a: {  	_ =	shalt  }
0x7b: {  	_ =	shalt  }
0x7c: {  	_ =	shalt  }
0x7d: {  	_ =	shalt  }
0x7e: {  	_ =	shalt  }
0x7f: {  	_ =	shalt  }
0x80: {  	_ =	shalt  }
0x81: {  	_ =	shalt  }
0x82: {  	_ =	shalt  }
0x83: {  	_ =	shalt  }
0x84: {  	_ =	shalt  }
0x85: {  	_ =	shalt  }
0x86: {  	_ =	shalt  }
0x87: {  	_ =	shalt  }
.Lfunc_end0:
.L_simem_size_0:
called_computation.1_lowered:
.L_overlay_start_0:
0x88: {  	s2 =	sld [smem:$0x3FD9]  }
0x89: {  	s3 =	sld [smem:$0x3FFE];
	_ =	sdelay $0x1  }
0x8a: {  	s1 =	srdreg.scid  }
0x8b: {  	s0 =	sand.u32 $0x1, s1  }
0x8c: {  	s17 =	sshll.u32 s0, $0xA;
	s2 =	sadd.s32 s3, s2  }
0x8d: {  	s2 =	sadd.s32 s2, s17  }
0x8e: {  	[smem:$0x3FC3] =	sst s2  }
0x8f: {  	_ = 	snop  }
0x90: {  	s2 =	sld [smem:$0x3FD0];
	(tm) =	ssettm $0x1  }
0x91: {  	s18 =	sld [smem:$0x3FFB];
	_ =	sdelay $0x3  }
0x92: {  	_ =	strace s18  }
0x93: {  	s3 =	sld [smem:$0x3FFC];
	_ =	sdelay $0x3  }
0x94: {  	_ =	strace s3  }
0x95: {  	s3 =	sld [smem:$0x3FFD];
	_ =	sdelay $0x3  }
0x96: {  	_ =	strace s3  }
0x97: {  	_ =	strace $0x8FFFFFFF  }
0x98: {  	s19 =	sld [smem:$0x3FDB];
	_ =	sdelay $0x1  }
0x99: {  	s4 =	simm.s32 $_scs_section_size  }
0x9a: {  	s5 =	simm.s32 $_size__tile_overlayer_lowered;
	s6 =	simm.s32 $_tile_overlayer_lowered  }
0x9b: {  	s22 =	simm.s32 $0x1BFF;
	s21 =	sshll.u32 s6, $0x1;
	s3 =	sadd.s32 s4, s19  }
0x9c: {  	s7 =	simm.s32 $0x0;
	s20 =	sshll.u32 s5, $0x1;
	s5 =	sadd.s32 s21, s3  }
0x9d: {  	[timem:s7], [sflag:s22] =	dma.local [hbm:s5], s20  }
0x9e: {  	_ =	swait.ge [sflag:s22], s20  }
0x9f: {  	s4 =	ssub.s32 $0x0, s20;
	[sflag:s22] =	ssyncset.done $0x0  }
0xa0: {  	[sflag:s22] =	ssyncadd.s32 s4;
	_ =	sdelay $0x1  }
0xa1: {  	s23 =	simm.s32 $0x1B8B  }
0xa2: {  	_ =	swait.ge [sflag:s23], $0x1  }
0xa3: {  	[sflag:s23] =	ssyncset.done $0x0  }
0xa4: {  	s25 =	simm.s32 $0x1B8E;
	s24 =	sld [smem:$0x3FFE];
	[sflag:s23] =	ssyncadd.s32 $0xFFFFFFFF  }
0xa5: {  	s26 =	simm.s32 $execute0_lowered;
	[smem:$0x3FD2] =	sst s25  }
0xa6: {  	s5 =	sshll.u32 s26, $0x1;
	_ =	strace $0x80000049;
	[dreg:$0x1] =	wrdreg $0xFFFFFFFF  }
0xa7: {  	s28 =	simm.s32 $_size_execute0_lowered;
	s3 =	sadd.s32 s3, s5;
	[dreg:$0x0] =	wrdreg $0x0  }
0xa8: {  	s5 =	sshll.u32 s28, $0x1;
	[dreg:$0x2] =	wrdreg s3  }
0xa9: {  	[dreg:$0x3] =	wrdreg s5  }
0xaa: {  	[dreg:$0x4] =	wrdreg $0xC0  }
0xab: {  	_ =	task [dreg:s7], $0x5FFFF  }
0xac: {  	[dreg:$0x1] =	wrdreg $0xFFFFFFFF  }
0xad: {  	[dreg:$0x0] =	wrdreg $0x60  }
0xae: {  	[dreg:$0x2] =	wrdreg s2  }
0xaf: {  	[dreg:$0x3] =	wrdreg s24  }
0xb0: {  	[dreg:$0x4] =	wrdreg $0xAC000  }
0xb1: {  	[dreg:$0x5] =	wrdreg $0x9  }
0xb2: {  	_ =	task.clear_ibuf [dreg:s7], $0x6FFFF;
	_ =	strace $0x90000049  }
0xb3: {  	s29 =	simm.s32 $0x9;
	_ =	strace $0x8000004B  }
0xb4: {  	_ =	swait.ge [sflag:s29], $0x1  }
0xb5: {  	[sflag:s29] =	ssyncadd.s32 $0xFFFFFFFF  }
0xb6: {  	_ =	strace $0x9000004B  }
0xb7: {  	_ =	sfence  }
0xb8: {  	s30 =	sld [smem:$0x0];
	_ =	sdelay $0x2  }
0xb9: {  	s31 =	sshll.u32 s1, $0xD;
	s1 =	sshrl.u32 s1, $0x2  }
0xba: {  	s3 =	sand.u32 $0x4000, s31;
	s1 =	sadd.s32 s1, s30  }
0xbb: {  	s0 =	sor.u32 s3, s0;
	s1 =	sshll.u32 s1, $0x11  }
0xbc: {  	s0 =	sor.u32 s1, s0  }
0xbd: {  	s0 =	sadd.s32 $0x8F2B, s0  }
0xbe: {  	[sflag:s0] =	ssyncadd.remote.s32 $0x1  }
0xbf: {  	_ =	sfence.sel $0xFFFF  }
0xc0: {  	[dreg:$0x0] =	wrdreg $0xFFFFFFFF;
	(pc) =	sbr.abs _section_cstart, $3  }
0xc1: {  	[dreg:$0x1] =	wrdreg $0xFFFFFFFF  }
0xc2: {  	_ =	task.clear_ibuf [dreg:s7], $0x2FFFF;
	_ =	strace $0x9FFFFFFF  }
0xc3: {  	(tm) =	ssettm $0x7FFFFFFF  }
tec
execute0_lowered:
.L_overlay_start_1:
0x0: {  	(tag) =	ssettag $0x1  }
0x1: {  	s0 =	rddreg [dreg:$0x0]  }
0x2: {  	s1 =	srdreg.scid;
	s5 =	rddreg [dreg:$0x1]  }
0x3: {  	s13 =	stileid.u32;
	s2 =	rddreg [dreg:$0x2];
	s14 =	simm.s32 $0x2A00  }
0x4: {  	s16 =	simm.s32 $0x6;
	s17 =	simm.s32 $0x1;
	s18 =	simm.s32 $0x80  }
0x5: {  	s19 =	simm.s32 $0x2C00;
	s20 =	simm.s32 $0x2;
	s28 =	simm.s32 $0x3  }
0x6: {  	s29 =	simm.s32 $0x2A80;
	s30 =	simm.s32 $0x2B00;
	s7 =	smul.u32 $0x13C00, s13  }
0x7: {  	s31 =	simm.s32 $0x2B80;
	s1 =	sand.u32 $0x1, s1;
	s22 =	smul.u32 $0x4F000, s13  }
0x8: {  	s3 =	sshll.u32 s13, $0x1;
	s10 =	sadd.s32 $0x33000, s5;
	s12 =	smul.u32 $0x5000, s13  }
0x9: {  	s24 =	sadd.s32 $0x1840, s5;
	s26 =	sshll.u32 s13, $0x6;
	s6 =	smul.u32 $0x13C000, s1  }
0xa: {  	s4 =	sor.u32 s1, s3;
	s21 =	ssub.s32 $0x2, s1;
	s1 =	smul.u32 $0x2800, s1  }
0xb: {  	s13 =	simm.s32 $0x2800;
	s3 =	simm.s32 $0x0;
	s4 =	smul.u32 $0x2800, s4  }
0xc: {  	[smem:$0x7FF] =	sst s3;
	s11 =	sshrl.u32 s21, $0x1;
	s25 =	sshrl.u32 s22, $0x2  }
0xd: {  	s22 =	simm.s32 $0x4;
	_ =	strace $0x8000004A;
	[dreg:$0x4] =	wrdreg s10  }
0xe: {  	s6 =	sadd.s32 s7, s6;
	s11 =	ssub.s32 s21, s11;
	s1 =	sadd.s32 s1, s12  }
0xf: {  	s21 =	simm.s32 $0x6C00;
	s8 =	sshrl.u32 s4, $0x3;
	s4 =	sadd.s32 $0xB800, s5  }
0x10: {  	s6 =	sshrl.u32 s6, $0x3;
	s1 =	sor.u32 $0x400, s1;
	s11 =	smax.u32 s11, $0x1  }
0x11: {  	s9 =	sadd.s32 s8, s5;
	s6 =	sadd.s32 s6, s5;
	s0 =	sadd.s32 s0, s8  }
0x12: {  	s5 =	sadd.s32 s8, s24;
	s1 =	sshrl.u32 s1, $0x3;
	[dreg:$0x5] =	wrdreg s0  }
.Ltmp0:
0x13: {  	s23 =	sadd.s32 $0x1800, s9;
	[dreg:$0x7] =	wrdreg s5;
	(pc) =	sbr.rel .LBB2_1-.Ltmp0, $4  }
0x14: {  	s5 =	sadd.s32 s25, s2;
	s9 =	sor.u32 $0x1C06, s26;
	s6 =	sadd.s32 $0x35800, s6  }
0x15: {  	s0 =	sadd.s32 s1, s24;
	s24 =	simm.s32 $0x2880;
	s25 =	simm.s32 $0x2900  }
0x16: {  	s26 =	simm.s32 $0x2980;
	s1 =	simm.s32 $0x0;
	[dreg:$0x6] =	wrdreg s23  }
0x17: {  	[dreg:$0x8] =	wrdreg s6;
	s15 =	sshrl.u32 s5, $0x3;
	s23 =	simm.s32 $0x5  }
.LBB2_4:
0x18: {  	_ =	swait.ge [sflag:s23], $0x4000  }
0x19: {  	[sflag:s23] =	ssyncset.done $0x0  }
0x1a: {  	[sflag:s23] =	ssyncadd.s32 $0xFFFFC000  }
0x1b: {  	[spmem:s2] =	stream.indirect.scatter.add.f32 [tilespmem:s21], [sflag:$0x6], $0x80, s31, s18, $0xb8;
	[tilespmem:$0x1E800] =	vst v63  }
0x1c: {  	_ =	swait.ge [sflag:s16], $0x4000  }
0x1d: {  	[sflag:s16] =	ssyncset.done $0x0  }
0x1e: {  	s1 =	sadd.s32 $0x1, s1;
	[sflag:s16] =	ssyncadd.s32 $0xFFFFC000  }
0x1f: {  	p0 =	sne.s32 s1, s11;
	[bflag:$0x0] =	sbarrier.arrive $0xFFFF  }
.Ltmp1:
0x20: {  	s5 =	rddreg [dreg:$0x8];
	(pc) =	sbr.rel @!p0 .LBB2_5-.Ltmp1, $4  }
0x21: {  	[hbm:s5], [sflag:s9] =	dma.local [spmem:s15], $0x2780  }
0x22: {  	_ =	swait.ge [sflag:s16], $0x2780  }
0x23: {  	[sflag:s16] =	ssyncset.done $0x0  }
0x24: {  	[sflag:s16] =	ssyncadd.s32 $0xFFFFD880  }
.LBB2_1:
0x25: {  	s5 =	rddreg [dreg:$0x5]  }
0x26: {  	s8 =	rddreg [dreg:$0x6]  }
0x27: {  	[tilespmem:s3], [sflag:$0x1] =	stream.linear.gather [hbm4b:s5+s3], $0x2800, $0x38;
	[tilespmem:$0x1E800] =	vst v63  }
0x28: {  	s10 =	rddreg [dreg:$0x7]  }
0x29: {  	[tilespmem:s13], [sflag:$0x2] =	stream.linear.gather [hbm4b:s8+s3], $0x200, $0x38;
	[tilespmem:$0x1E800] =	vst v63  }
0x2a: {  	s12 =	rddreg [dreg:$0x4]  }
0x2b: {  	[tilespmem:s14], [sflag:$0x3] =	stream.linear.gather [hbm4b:s10+s3], $0x200, $0x38;
	[tilespmem:$0x1E800] =	vst v63  }
0x2c: {  	[spmem:s15], [sflag:s9] =	dma.local [hbm:s12], $0x2780  }
0x2d: {  	_ =	swait.ge [sflag:s16], $0x2780  }
0x2e: {  	[sflag:s16] =	ssyncset.done $0x0  }
0x2f: {  	[sflag:s16] =	ssyncadd.s32 $0xFFFFD880  }
0x30: {  	_ =	swait.ge [sflag:s17], $0x2800  }
0x31: {  	[sflag:s17] =	ssyncset.done $0x0  }
0x32: {  	[sflag:s17] =	ssyncadd.s32 $0xFFFFD800  }
0x33: {  	s5 =	simm.s32 $0x0;
	s12 =	smov.u32 s0;
	[bflag:$0x0] =	sbarrier.arrive $0xFFFF  }
0x34: {  	[tilespmem:s19], [sflag:$0x4] =	stream.indirect.gather [hbm4b:s4+s18], $0x80, s3, s18, $0xb8;
	[tilespmem:$0x1E800] =	vst v63  }
.LBB2_2:
0x35: {  	_ =	swait.ge [sflag:s20], $0x200  }
0x36: {  	s6 =	sshra.s32 s5, $0x2;
	[sflag:s20] =	ssyncset.done $0x0  }
0x37: {  	s7 =	sadd.s32 $0x80, s6;
	[sflag:s20] =	ssyncadd.s32 $0xFFFFFE00  }
0x38: {  	[tilespmem:s21], [sflag:$0x5] =	stream.indirect.gather [hbm4b:s4+s18], $0x80, s7, s18, $0xb8;
	[tilespmem:$0x1E800] =	vst v63  }
0x39: {  	_ =	swait.ge [sflag:s22], $0x4000  }
0x3a: {  	[sflag:s22] =	ssyncset.done $0x0  }
0x3b: {  	[sflag:s22] =	ssyncadd.s32 $0xFFFFC000  }
0x3c: {  	[spmem:s2] =	stream.indirect.scatter.add.f32 [tilespmem:s19], [sflag:$0x6], $0x80, s13, s18, $0xb8;
	[tilespmem:$0x1E800] =	vst v63  }
0x3d: {  	_ =	swait.ge [sflag:s16], $0x4000  }
0x3e: {  	[sflag:s16] =	ssyncset.done $0x0  }
0x3f: {  	s8 =	sadd.s32 $0x100, s6;
	[sflag:s16] =	ssyncadd.s32 $0xFFFFC000  }
0x40: {  	[tilespmem:s19], [sflag:$0x4] =	stream.indirect.gather [hbm4b:s4+s18], $0x80, s8, s18, $0xb8;
	[tilespmem:$0x1E800] =	vst v63  }
0x41: {  	_ =	swait.ge [sflag:s23], $0x4000  }
0x42: {  	[sflag:s23] =	ssyncset.done $0x0  }
0x43: {  	[sflag:s23] =	ssyncadd.s32 $0xFFFFC000  }
0x44: {  	[spmem:s2] =	stream.indirect.scatter.add.f32 [tilespmem:s21], [sflag:$0x6], $0x80, s24, s18, $0xb8;
	[tilespmem:$0x1E800] =	vst v63  }
0x45: {  	_ =	swait.ge [sflag:s16], $0x4000  }
0x46: {  	[sflag:s16] =	ssyncset.done $0x0  }
0x47: {  	s10 =	sadd.s32 $0x180, s6;
	[sflag:s16] =	ssyncadd.s32 $0xFFFFC000  }
0x48: {  	[tilespmem:s21], [sflag:$0x5] =	stream.indirect.gather [hbm4b:s4+s18], $0x80, s10, s18, $0xb8;
	[tilespmem:$0x1E800] =	vst v63  }
0x49: {  	_ =	swait.ge [sflag:s22], $0x4000  }
0x4a: {  	[sflag:s22] =	ssyncset.done $0x0  }
0x4b: {  	[sflag:s22] =	ssyncadd.s32 $0xFFFFC000  }
0x4c: {  	[spmem:s2] =	stream.indirect.scatter.add.f32 [tilespmem:s19], [sflag:$0x6], $0x80, s25, s18, $0xb8;
	[tilespmem:$0x1E800] =	vst v63  }
0x4d: {  	_ =	swait.ge [sflag:s16], $0x4000  }
0x4e: {  	[sflag:s16] =	ssyncset.done $0x0  }
0x4f: {  	s8 =	sadd.s32 $0x200, s6;
	[sflag:s16] =	ssyncadd.s32 $0xFFFFC000  }
0x50: {  	[tilespmem:s19], [sflag:$0x4] =	stream.indirect.gather [hbm4b:s4+s18], $0x80, s8, s18, $0xb8;
	[tilespmem:$0x1E800] =	vst v63  }
0x51: {  	_ =	swait.ge [sflag:s23], $0x4000  }
0x52: {  	[sflag:s23] =	ssyncset.done $0x0  }
0x53: {  	[sflag:s23] =	ssyncadd.s32 $0xFFFFC000  }
0x54: {  	[spmem:s2] =	stream.indirect.scatter.add.f32 [tilespmem:s21], [sflag:$0x6], $0x80, s26, s18, $0xb8;
	[tilespmem:$0x1E800] =	vst v63  }
0x55: {  	p0 =	seq.s32 s5, $0x9000;
	_ =	swait.ge [sflag:s16], $0x4000  }
0x56: {  	s7 =	sadd.s32 @!p0 $0xFFFFFFC0, s12;
	[sflag:s16] =	ssyncset.done $0x0  }
0x57: {  	s10 =	simm.s32 @!p0 $0x2800;
	s8 =	simm.s32 @!p0 $0x0;
	[sflag:s16] =	ssyncadd.s32 $0xFFFFC000  }
0x58: {  	[tilespmem:s10], [sflag:$0x2] =	stream.linear.gather @!p0 [hbm4b:s7+s8], $0x200, $0x38;
	[tilespmem:$0x1E800] =	vst v63  }
0x59: {  	_ =	swait.ge [sflag:s28], $0x200  }
0x5a: {  	[sflag:s28] =	ssyncset.done $0x0  }
0x5b: {  	s10 =	sadd.s32 $0x280, s6;
	[sflag:s28] =	ssyncadd.s32 $0xFFFFFE00  }
0x5c: {  	[tilespmem:s21], [sflag:$0x5] =	stream.indirect.gather [hbm4b:s4+s18], $0x80, s10, s18, $0xb8;
	[tilespmem:$0x1E800] =	vst v63  }
0x5d: {  	_ =	swait.ge [sflag:s22], $0x4000  }
0x5e: {  	[sflag:s22] =	ssyncset.done $0x0  }
0x5f: {  	[sflag:s22] =	ssyncadd.s32 $0xFFFFC000  }
0x60: {  	[spmem:s2] =	stream.indirect.scatter.add.f32 [tilespmem:s19], [sflag:$0x6], $0x80, s14, s18, $0xb8;
	[tilespmem:$0x1E800] =	vst v63  }
0x61: {  	_ =	swait.ge [sflag:s16], $0x4000  }
0x62: {  	[sflag:s16] =	ssyncset.done $0x0  }
0x63: {  	s8 =	sadd.s32 $0x300, s6;
	[sflag:s16] =	ssyncadd.s32 $0xFFFFC000  }
0x64: {  	[tilespmem:s19], [sflag:$0x4] =	stream.indirect.gather [hbm4b:s4+s18], $0x80, s8, s18, $0xb8;
	[tilespmem:$0x1E800] =	vst v63  }
0x65: {  	_ =	swait.ge [sflag:s23], $0x4000  }
0x66: {  	[sflag:s23] =	ssyncset.done $0x0  }
0x67: {  	[sflag:s23] =	ssyncadd.s32 $0xFFFFC000  }
0x68: {  	[spmem:s2] =	stream.indirect.scatter.add.f32 [tilespmem:s21], [sflag:$0x6], $0x80, s29, s18, $0xb8;
	[tilespmem:$0x1E800] =	vst v63  }
0x69: {  	_ =	swait.ge [sflag:s16], $0x4000  }
0x6a: {  	[sflag:s16] =	ssyncset.done $0x0  }
0x6b: {  	s10 =	sadd.s32 $0x380, s6;
	[sflag:s16] =	ssyncadd.s32 $0xFFFFC000  }
0x6c: {  	[tilespmem:s21], [sflag:$0x5] =	stream.indirect.gather [hbm4b:s4+s18], $0x80, s10, s18, $0xb8;
	[tilespmem:$0x1E800] =	vst v63  }
0x6d: {  	_ =	swait.ge [sflag:s22], $0x4000  }
0x6e: {  	[sflag:s22] =	ssyncset.done $0x0  }
.Ltmp2:
0x6f: {  	[sflag:s22] =	ssyncadd.s32 $0xFFFFC000;
	(pc) =	sbr.rel @p0 .LBB2_4-.Ltmp2, $4  }
0x70: {  	[spmem:s2] =	stream.indirect.scatter.add.f32 [tilespmem:s19], [sflag:$0x6], $0x80, s30, s18, $0xb8;
	[tilespmem:$0x1E800] =	vst v63  }
0x71: {  	_ =	swait.ge [sflag:s16], $0x4000  }
0x72: {  	[sflag:s16] =	ssyncset.done $0x0  }
0x73: {  	[sflag:s16] =	ssyncadd.s32 $0xFFFFC000  }
0x74: {  	s6 =	sadd.s32 $0x400, s6  }
0x75: {  	[tilespmem:s19], [sflag:$0x4] =	stream.indirect.gather [hbm4b:s4+s18], $0x80, s6, s18, $0xb8;
	[tilespmem:$0x1E800] =	vst v63  }
0x76: {  	_ =	swait.ge [sflag:s23], $0x4000  }
0x77: {  	[sflag:s23] =	ssyncset.done $0x0  }
0x78: {  	[sflag:s23] =	ssyncadd.s32 $0xFFFFC000  }
0x79: {  	[spmem:s2] =	stream.indirect.scatter.add.f32 [tilespmem:s21], [sflag:$0x6], $0x80, s31, s18, $0xb8;
	[tilespmem:$0x1E800] =	vst v63  }
.Ltmp3:
0x7a: {  	_ =	swait.ge [sflag:s16], $0x4000;
	(pc) =	sbr.rel .LBB2_2-.Ltmp3, $4  }
0x7b: {  	[sflag:s16] =	ssyncset.done $0x0  }
0x7c: {  	[sflag:s16] =	ssyncadd.s32 $0xFFFFC000  }
0x7d: {  	[tilespmem:s14], [sflag:$0x3] =	stream.linear.gather [hbm4b:s12+s3], $0x200, $0x38;
	[tilespmem:$0x1E800] =	vst v63  }
0x7e: {  	s5 =	sadd.s32 $0x1000, s5;
	s12 =	sadd.s32 $0x80, s12  }
.LBB2_5:
0x7f: {  	_ =	sfence.sel $0x180000  }
0x80: {  	[bflag:$0x0] =	sbarrier.arrive $0xFFFF  }
0x81: {  	_ =	strace $0x9000004A  }
0x82: {  	s0 =	stileid.u32;
	[bflag:$0x2] =	sbarrier.arrive $0xFFFF  }
0x83: {  	p0 =	sne.s32 s0, $0x0;
	s0 =	rddreg [dreg:$0x3]  }
0x84: {  	s0 =	sadd.s32 @!p0 $0x100000, s0  }
0x85: {  	[sflag:s0] =	ssyncadd.tile.s32 @!p0 $0x1;
	_ =	shalt  }
.Lfunc_end2:
_tile_overlayer_lowered:
.L_overlay_start_2:
0x86: {  	(tag) =	ssettag $0x2  }
0x87: {  	s0 =	rddreg [dreg:$0x0];
	s2 =	stileid.u32  }
0x88: {  	s1 =	rddreg [dreg:$0x1];
	p0 =	sne.s32 s2, $0x0  }
0x89: {  	s3 =	rddreg [dreg:$0x2];
	[bflag:$0x3] =	sbarrier.arrive $0xFFFF;
	s2 =	simm.s32 @!p0 $0x1C06  }
0x8a: {  	[timem:s3], [sflag:s2] =	dma.local @!p0 [hbm:s0], s1  }
0x8b: {  	s0 =	simm.s32 @!p0 $0x6  }
0x8c: {  	_ =	swait.ge @!p0 [sflag:s0], s1  }
0x8d: {  	s1 =	ssub.s32 @!p0 $0x0, s1;
	[sflag:s0] =	ssyncset.done @!p0 $0x0  }
0x8e: {  	[sflag:s0] =	ssyncadd.s32 @!p0 s1  }
0x8f: {  	[bflag:$0x3] =	sbarrier.arrive $0xFFFF  }
0x90: {  	_ =	shalt  }

</sc_bundles>
